<compile_context>
chip_gen: v7x
topology: tpu7x:2x2x1
jax: 0.10.2.dev20260603
libtpu: 0.0.44.dev20260713+nightly
codegen_flags: <defaults>
</compile_context>

<pallas_src>
import functools

import jax
import jax.numpy as jnp
from jax import lax
from jax.experimental import pallas as pl
from jax.experimental.pallas import tpu as pltpu
from jax.experimental.pallas import tpu_sc as plsc

_NUM_WORKERS = 32
_GCH = 128
_NB = 5


def _make_lookup(n_b: int, n_t: int, d_out: int):
  assert n_b == _NUM_WORKERS * _GCH
  assert n_t % _NB == 0
  n_groups = n_t // _NB
  n_tr = (n_t + 7) // 8
  mesh = plsc.VectorSubcoreMesh(core_axis_name="c", subcore_axis_name="s")

  @functools.partial(
      pl.kernel,
      out_type=jax.ShapeDtypeStruct((n_t * n_b, d_out), jnp.float32),
      mesh=mesh,
      scratch_types=[
          pltpu.VMEM_SHARED((7 * 288, d_out), jnp.float32),
          [pltpu.VMEM((n_tr * 8, _GCH), jnp.int32)] * 3,
          [pltpu.VMEM((_GCH,), jnp.int32)] * _NB,
          [pltpu.VMEM((_GCH, d_out), jnp.float32)] * _NB,
          pltpu.SemaphoreType.DMA,
          pltpu.SemaphoreType.DMA,
          pltpu.SemaphoreType.DMA,
      ],
  )
  def lookup(te_hbm, tab_hbm, out_hbm, tab_sh, f_v, idx_v, rows_v, fsem,
             gsem, osem):
    nc = mesh.num_cores
    wid = lax.axis_index("s") * nc + lax.axis_index("c")
    b0 = wid * _GCH

    @pl.when(lax.axis_index("s") == 0)
    def _():
      pltpu.sync_copy(tab_hbm, tab_sh)
    plsc.subcore_barrier()

    for k, f in enumerate((2, 3, 4)):
      for tr in range(n_tr):
        hi = min(8, n_t - tr * 8)
        pltpu.async_copy(te_hbm.at[f, pl.ds(tr * 8, hi), pl.ds(b0, _GCH)],
                         f_v[k].at[pl.ds(tr * 8, hi), :], fsem)
    for k in range(3):
      for tr in range(n_tr):
        hi = min(8, n_t - tr * 8)
        pltpu.make_async_copy(
            te_hbm.at[2, pl.ds(tr * 8, hi), pl.ds(b0, _GCH)],
            f_v[k].at[pl.ds(tr * 8, hi), :], fsem).wait()

    def wait_gather(b):
      pltpu.make_async_copy(tab_sh.at[idx_v[b]], rows_v[b], gsem).wait()

    def fire_out(b, t):
      pltpu.async_copy(rows_v[b], out_hbm.at[pl.ds(t * n_b + b0, _GCH)],
                       osem)

    def wait_out(b):
      pltpu.make_async_copy(rows_v[b], out_hbm.at[pl.ds(0, _GCH)],
                            osem).wait()

    def group_body(j2, carry):
      for b in range(_NB):
        t = j2 * _NB + b
        @pl.when(j2 > 0)
        def _(b=b):
          wait_out(b)

        def idx_body(jj, carry2, b=b):
          f2 = f_v[0][t, pl.ds(jj * 16, 16)]
          f3 = f_v[1][t, pl.ds(jj * 16, 16)]
          f4 = f_v[2][t, pl.ds(jj * 16, 16)]
          day = lax.div(lax.rem(f3, 24) * 60 + lax.rem(f4, 60), 5)
          idx_v[b][pl.ds(jj * 16, 16)] = lax.rem(f2, 7) * 288 + day
          return carry2

        lax.fori_loop(0, _GCH // 16, idx_body, 0)
        pltpu.async_copy(tab_sh.at[idx_v[b]], rows_v[b], gsem)

        if b > 0:
          wait_gather(b - 1)
          fire_out(b - 1, t - 1)
        else:
          @pl.when(j2 > 0)
          def _(t=t):
            wait_gather(_NB - 1)
            fire_out(_NB - 1, t - 1)
      return carry

    lax.fori_loop(0, n_groups, group_body, 0)

    wait_gather(_NB - 1)
    fire_out(_NB - 1, n_t - 1)
    for b in range(_NB):
      wait_out(b)

  return lookup


def kernel(TE, day_table, week_table):
  Bv, Tv, _ = TE.shape
  d = day_table.shape[1]
  fused = jnp.concatenate(
      [jnp.tile(day_table, (7, 1)), jnp.repeat(week_table, 288, axis=0)],
      axis=1,
  )
  te_t = jnp.transpose(TE.astype(jnp.int32), (2, 1, 0))
  out = _make_lookup(Bv, Tv, 2 * d)(te_t, fused)
  return out.reshape(Tv, Bv, 2 * d).transpose(1, 0, 2)

# --- scband reference (transcript-rebuilt; emitter-appended) ---
"""Pipeline reference for scband-time-embedding-33801392619558 (READ-ONLY COPY).

The authoritative reference and input builder live on the scoring server;
editing this copy changes nothing except your own understanding.
"""

import jax, jax.numpy as jnp
import numpy as np

T_DIM = 64
B, T = 4096, 50

def setup_inputs(seed: int = 0) -> dict:
    key = jax.random.key(seed)
    k1, k2, k3 = jax.random.split(key, 3)
    TE = jax.random.randint(k1, (B, T, 5), 0, 60)
    day_table = jax.random.normal(k2, (288, T_DIM), dtype=jnp.float32)
    week_table = jax.random.normal(k3, (7, T_DIM), dtype=jnp.float32)
    return {"TE": TE, "day_table": day_table, "week_table": week_table}

def reference(TE, day_table, week_table):
    Bv, Tv, _ = TE.shape
    week = (TE[..., 2].astype(jnp.int32) % 7).reshape(Bv * Tv, 1)
    hour = (TE[..., 3].astype(jnp.int32) % 24).reshape(Bv * Tv, 1)
    minute = (TE[..., 4].astype(jnp.int32) % 60).reshape(Bv * Tv, 1)
    day_idx = (hour * 60 + minute) // 5
    DE = jnp.take(day_table, day_idx, axis=0)
    WE = jnp.take(week_table, week, axis=0)
    te = jnp.concatenate((DE, WE), axis=-1).reshape(Bv, Tv, -1)
    return te

if __name__ == "__main__":
    import jax
    _d = setup_inputs()
    print(jax.jit(kernel)(*tuple(_d.values())))

</pallas_src>

<mosaic_0001>
#map = affine_map<(d0, d1) -> (0, 0, 0)>
#map1 = affine_map<(d0, d1) -> (0, 0)>
module attributes {stable_mosaic.version = 14 : i64} {
  func.func @lookup(%arg0: i32, %arg1: i32, %arg2: memref<5x50x4096xi32, #tpu.memory_space<hbm>>, %arg3: memref<2016x128xf32, #tpu.memory_space<hbm>>, %arg4: memref<204800x128xf32, #tpu.memory_space<hbm>>, %arg5: memref<2016x128xf32, #tpu.memory_space<vmem_shared>>, %arg6: memref<56x128xi32, #tpu.memory_space<vmem>>, %arg7: memref<56x128xi32, #tpu.memory_space<vmem>>, %arg8: memref<56x128xi32, #tpu.memory_space<vmem>>, %arg9: memref<128xi32, #tpu.memory_space<vmem>>, %arg10: memref<128xi32, #tpu.memory_space<vmem>>, %arg11: memref<128xi32, #tpu.memory_space<vmem>>, %arg12: memref<128xi32, #tpu.memory_space<vmem>>, %arg13: memref<128xi32, #tpu.memory_space<vmem>>, %arg14: memref<128x128xf32, #tpu.memory_space<vmem>>, %arg15: memref<128x128xf32, #tpu.memory_space<vmem>>, %arg16: memref<128x128xf32, #tpu.memory_space<vmem>>, %arg17: memref<128x128xf32, #tpu.memory_space<vmem>>, %arg18: memref<128x128xf32, #tpu.memory_space<vmem>>, %arg19: memref<!tpu.dma_semaphore, #tpu.memory_space<semaphore_mem>>, %arg20: memref<!tpu.dma_semaphore, #tpu.memory_space<semaphore_mem>>, %arg21: memref<!tpu.dma_semaphore, #tpu.memory_space<semaphore_mem>>) attributes {dimension_semantics = [#tpu.dimension_semantics<core_parallel>, #tpu.dimension_semantics<subcore_parallel>], iteration_bounds = array<i64: 2, 16>, scalar_prefetch = 0 : i64, scratch_operands = 17 : i64, tpu.core_type = #tpu.core_type<sc_vector_subcore>, window_params = [{transform_indices = #map}, {transform_indices = #map1}, {transform_indices = #map1}]} {
    %mul3A = arith.constant 2 : i32
    %mul3A_0 = arith.muli %arg1, %mul3A : i32
    %add3A = arith.addi %mul3A_0, %arg0 : i32
    %mul3A_1 = arith.constant 128 : i32
    %mul3A_2 = arith.muli %add3A, %mul3A_1 : i32
    %eq3A = arith.constant 0 : i32
    %eq3A_3 = arith.cmpi eq, %arg1, %eq3A : i32
    %convert_element_type3A = arith.extui %eq3A_3 : i1 to i32
    %cond3A = arith.constant 0 : i32
    %cond3A_4 = arith.cmpi ne, %convert_element_type3A, %cond3A : i32
    scf.if %cond3A_4 {
      "tpu.region"() ({
        %run_scoped3A = tpu.sem_alloc : memref<!tpu.dma_semaphore, #tpu.memory_space<semaphore_mem>>
        tpu.enqueue_dma source(%arg3 : memref<2016x128xf32, #tpu.memory_space<hbm>>) target(%arg5 : memref<2016x128xf32, #tpu.memory_space<vmem_shared>>) target_semaphore(%run_scoped3A : memref<!tpu.dma_semaphore, #tpu.memory_space<semaphore_mem>>)
        tpu.wait_dma2 semaphore(%run_scoped3A : memref<!tpu.dma_semaphore, #tpu.memory_space<semaphore_mem>>) src(%arg3 : memref<2016x128xf32, #tpu.memory_space<hbm>>) dst(%arg5 : memref<2016x128xf32, #tpu.memory_space<vmem_shared>>)
        tpu.yield
      }) : () -> ()
    } else {
    }
    %barrier3A = arith.constant 0 : index
    tpu.barrier barrier_id(%barrier3A)
    %dma_start3A = arith.constant 2 : i32
    %dma_start3A_5 = arith.constant 0 : i32
    %dma_start3A_6 = arith.constant 0 : i32
    %dma_start3A_7 = tpu.memref_slice %arg6[%dma_start3A_5, %dma_start3A_6] : memref<56x128xi32, #tpu.memory_space<vmem>> -> memref<8x128xi32, #tpu.memory_space<vmem>>
    %dma_start3A_8 = arith.constant 0 : i32
    %dma_start3A_9 = tpu.memref_slice %arg2[%dma_start3A, %dma_start3A_8, %mul3A_2] : memref<5x50x4096xi32, #tpu.memory_space<hbm>> -> memref<1x8x128xi32, #tpu.memory_space<hbm>>
    %dma_start3A_10 = tpu.memref_squeeze %dma_start3A_9 : memref<1x8x128xi32, #tpu.memory_space<hbm>> -> memref<8x128xi32, #tpu.memory_space<hbm>>
    %dma_start3A_11 = arith.constant 0 : i32
    %dma_start3A_12 = arith.constant 0 : i32
    %dma_start3A_13 = tpu.memref_slice %arg6[%dma_start3A_11, %dma_start3A_12] : memref<56x128xi32, #tpu.memory_space<vmem>> -> memref<8x128xi32, #tpu.memory_space<vmem>>
    %dma_start3A_14 = arith.constant 0 : i32
    %dma_start3A_15 = tpu.memref_slice %arg2[%dma_start3A, %dma_start3A_14, %mul3A_2] : memref<5x50x4096xi32, #tpu.memory_space<hbm>> -> memref<1x8x128xi32, #tpu.memory_space<hbm>>
    %dma_start3A_16 = tpu.memref_squeeze %dma_start3A_15 : memref<1x8x128xi32, #tpu.memory_space<hbm>> -> memref<8x128xi32, #tpu.memory_space<hbm>>
    tpu.enqueue_dma source(%dma_start3A_16 : memref<8x128xi32, #tpu.memory_space<hbm>>) target(%dma_start3A_13 : memref<8x128xi32, #tpu.memory_space<vmem>>) target_semaphore(%arg19 : memref<!tpu.dma_semaphore, #tpu.memory_space<semaphore_mem>>)
    %dma_start3A_17 = arith.constant 2 : i32
    %dma_start3A_18 = arith.constant 8 : i32
    %dma_start3A_19 = arith.constant 0 : i32
    %dma_start3A_20 = tpu.memref_slice %arg6[%dma_start3A_18, %dma_start3A_19] : memref<56x128xi32, #tpu.memory_space<vmem>> -> memref<8x128xi32, #tpu.memory_space<vmem>>
    %dma_start3A_21 = arith.constant 8 : i32
    %dma_start3A_22 = tpu.memref_slice %arg2[%dma_start3A_17, %dma_start3A_21, %mul3A_2] : memref<5x50x4096xi32, #tpu.memory_space<hbm>> -> memref<1x8x128xi32, #tpu.memory_space<hbm>>
    %dma_start3A_23 = tpu.memref_squeeze %dma_start3A_22 : memref<1x8x128xi32, #tpu.memory_space<hbm>> -> memref<8x128xi32, #tpu.memory_space<hbm>>
    %dma_start3A_24 = arith.constant 8 : i32
    %dma_start3A_25 = arith.constant 0 : i32
    %dma_start3A_26 = tpu.memref_slice %arg6[%dma_start3A_24, %dma_start3A_25] : memref<56x128xi32, #tpu.memory_space<vmem>> -> memref<8x128xi32, #tpu.memory_space<vmem>>
    %dma_start3A_27 = arith.constant 8 : i32
    %dma_start3A_28 = tpu.memref_slice %arg2[%dma_start3A_17, %dma_start3A_27, %mul3A_2] : memref<5x50x4096xi32, #tpu.memory_space<hbm>> -> memref<1x8x128xi32, #tpu.memory_space<hbm>>
    %dma_start3A_29 = tpu.memref_squeeze %dma_start3A_28 : memref<1x8x128xi32, #tpu.memory_space<hbm>> -> memref<8x128xi32, #tpu.memory_space<hbm>>
    tpu.enqueue_dma source(%dma_start3A_29 : memref<8x128xi32, #tpu.memory_space<hbm>>) target(%dma_start3A_26 : memref<8x128xi32, #tpu.memory_space<vmem>>) target_semaphore(%arg19 : memref<!tpu.dma_semaphore, #tpu.memory_space<semaphore_mem>>)
    %dma_start3A_30 = arith.constant 2 : i32
    %dma_start3A_31 = arith.constant 16 : i32
    %dma_start3A_32 = arith.constant 0 : i32
    %dma_start3A_33 = tpu.memref_slice %arg6[%dma_start3A_31, %dma_start3A_32] : memref<56x128xi32, #tpu.memory_space<vmem>> -> memref<8x128xi32, #tpu.memory_space<vmem>>
    %dma_start3A_34 = arith.constant 16 : i32
    %dma_start3A_35 = tpu.memref_slice %arg2[%dma_start3A_30, %dma_start3A_34, %mul3A_2] : memref<5x50x4096xi32, #tpu.memory_space<hbm>> -> memref<1x8x128xi32, #tpu.memory_space<hbm>>
    %dma_start3A_36 = tpu.memref_squeeze %dma_start3A_35 : memref<1x8x128xi32, #tpu.memory_space<hbm>> -> memref<8x128xi32, #tpu.memory_space<hbm>>
    %dma_start3A_37 = arith.constant 16 : i32
    %dma_start3A_38 = arith.constant 0 : i32
    %dma_start3A_39 = tpu.memref_slice %arg6[%dma_start3A_37, %dma_start3A_38] : memref<56x128xi32, #tpu.memory_space<vmem>> -> memref<8x128xi32, #tpu.memory_space<vmem>>
    %dma_start3A_40 = arith.constant 16 : i32
    %dma_start3A_41 = tpu.memref_slice %arg2[%dma_start3A_30, %dma_start3A_40, %mul3A_2] : memref<5x50x4096xi32, #tpu.memory_space<hbm>> -> memref<1x8x128xi32, #tpu.memory_space<hbm>>
    %dma_start3A_42 = tpu.memref_squeeze %dma_start3A_41 : memref<1x8x128xi32, #tpu.memory_space<hbm>> -> memref<8x128xi32, #tpu.memory_space<hbm>>
    tpu.enqueue_dma source(%dma_start3A_42 : memref<8x128xi32, #tpu.memory_space<hbm>>) target(%dma_start3A_39 : memref<8x128xi32, #tpu.memory_space<vmem>>) target_semaphore(%arg19 : memref<!tpu.dma_semaphore, #tpu.memory_space<semaphore_mem>>)
    %dma_start3A_43 = arith.constant 2 : i32
    %dma_start3A_44 = arith.constant 24 : i32
    %dma_start3A_45 = arith.constant 0 : i32
    %dma_start3A_46 = tpu.memref_slice %arg6[%dma_start3A_44, %dma_start3A_45] : memref<56x128xi32, #tpu.memory_space<vmem>> -> memref<8x128xi32, #tpu.memory_space<vmem>>
    %dma_start3A_47 = arith.constant 24 : i32
    %dma_start3A_48 = tpu.memref_slice %arg2[%dma_start3A_43, %dma_start3A_47, %mul3A_2] : memref<5x50x4096xi32, #tpu.memory_space<hbm>> -> memref<1x8x128xi32, #tpu.memory_space<hbm>>
    %dma_start3A_49 = tpu.memref_squeeze %dma_start3A_48 : memref<1x8x128xi32, #tpu.memory_space<hbm>> -> memref<8x128xi32, #tpu.memory_space<hbm>>
    %dma_start3A_50 = arith.constant 24 : i32
    %dma_start3A_51 = arith.constant 0 : i32
    %dma_start3A_52 = tpu.memref_slice %arg6[%dma_start3A_50, %dma_start3A_51] : memref<56x128xi32, #tpu.memory_space<vmem>> -> memref<8x128xi32, #tpu.memory_space<vmem>>
    %dma_start3A_53 = arith.constant 24 : i32
    %dma_start3A_54 = tpu.memref_slice %arg2[%dma_start3A_43, %dma_start3A_53, %mul3A_2] : memref<5x50x4096xi32, #tpu.memory_space<hbm>> -> memref<1x8x128xi32, #tpu.memory_space<hbm>>
    %dma_start3A_55 = tpu.memref_squeeze %dma_start3A_54 : memref<1x8x128xi32, #tpu.memory_space<hbm>> -> memref<8x128xi32, #tpu.memory_space<hbm>>
    tpu.enqueue_dma source(%dma_start3A_55 : memref<8x128xi32, #tpu.memory_space<hbm>>) target(%dma_start3A_52 : memref<8x128xi32, #tpu.memory_space<vmem>>) target_semaphore(%arg19 : memref<!tpu.dma_semaphore, #tpu.memory_space<semaphore_mem>>)
    %dma_start3A_56 = arith.constant 2 : i32
    %dma_start3A_57 = arith.constant 32 : i32
    %dma_start3A_58 = arith.constant 0 : i32
    %dma_start3A_59 = tpu.memref_slice %arg6[%dma_start3A_57, %dma_start3A_58] : memref<56x128xi32, #tpu.memory_space<vmem>> -> memref<8x128xi32, #tpu.memory_space<vmem>>
    %dma_start3A_60 = arith.constant 32 : i32
    %dma_start3A_61 = tpu.memref_slice %arg2[%dma_start3A_56, %dma_start3A_60, %mul3A_2] : memref<5x50x4096xi32, #tpu.memory_space<hbm>> -> memref<1x8x128xi32, #tpu.memory_space<hbm>>
    %dma_start3A_62 = tpu.memref_squeeze %dma_start3A_61 : memref<1x8x128xi32, #tpu.memory_space<hbm>> -> memref<8x128xi32, #tpu.memory_space<hbm>>
    %dma_start3A_63 = arith.constant 32 : i32
    %dma_start3A_64 = arith.constant 0 : i32
    %dma_start3A_65 = tpu.memref_slice %arg6[%dma_start3A_63, %dma_start3A_64] : memref<56x128xi32, #tpu.memory_space<vmem>> -> memref<8x128xi32, #tpu.memory_space<vmem>>
    %dma_start3A_66 = arith.constant 32 : i32
    %dma_start3A_67 = tpu.memref_slice %arg2[%dma_start3A_56, %dma_start3A_66, %mul3A_2] : memref<5x50x4096xi32, #tpu.memory_space<hbm>> -> memref<1x8x128xi32, #tpu.memory_space<hbm>>
    %dma_start3A_68 = tpu.memref_squeeze %dma_start3A_67 : memref<1x8x128xi32, #tpu.memory_space<hbm>> -> memref<8x128xi32, #tpu.memory_space<hbm>>
    tpu.enqueue_dma source(%dma_start3A_68 : memref<8x128xi32, #tpu.memory_space<hbm>>) target(%dma_start3A_65 : memref<8x128xi32, #tpu.memory_space<vmem>>) target_semaphore(%arg19 : memref<!tpu.dma_semaphore, #tpu.memory_space<semaphore_mem>>)
    %dma_start3A_69 = arith.constant 2 : i32
    %dma_start3A_70 = arith.constant 40 : i32
    %dma_start3A_71 = arith.constant 0 : i32
    %dma_start3A_72 = tpu.memref_slice %arg6[%dma_start3A_70, %dma_start3A_71] : memref<56x128xi32, #tpu.memory_space<vmem>> -> memref<8x128xi32, #tpu.memory_space<vmem>>
    %dma_start3A_73 = arith.constant 40 : i32
    %dma_start3A_74 = tpu.memref_slice %arg2[%dma_start3A_69, %dma_start3A_73, %mul3A_2] : memref<5x50x4096xi32, #tpu.memory_space<hbm>> -> memref<1x8x128xi32, #tpu.memory_space<hbm>>
    %dma_start3A_75 = tpu.memref_squeeze %dma_start3A_74 : memref<1x8x128xi32, #tpu.memory_space<hbm>> -> memref<8x128xi32, #tpu.memory_space<hbm>>
    %dma_start3A_76 = arith.constant 40 : i32
    %dma_start3A_77 = arith.constant 0 : i32
    %dma_start3A_78 = tpu.memref_slice %arg6[%dma_start3A_76, %dma_start3A_77] : memref<56x128xi32, #tpu.memory_space<vmem>> -> memref<8x128xi32, #tpu.memory_space<vmem>>
    %dma_start3A_79 = arith.constant 40 : i32
    %dma_start3A_80 = tpu.memref_slice %arg2[%dma_start3A_69, %dma_start3A_79, %mul3A_2] : memref<5x50x4096xi32, #tpu.memory_space<hbm>> -> memref<1x8x128xi32, #tpu.memory_space<hbm>>
    %dma_start3A_81 = tpu.memref_squeeze %dma_start3A_80 : memref<1x8x128xi32, #tpu.memory_space<hbm>> -> memref<8x128xi32, #tpu.memory_space<hbm>>
    tpu.enqueue_dma source(%dma_start3A_81 : memref<8x128xi32, #tpu.memory_space<hbm>>) target(%dma_start3A_78 : memref<8x128xi32, #tpu.memory_space<vmem>>) target_semaphore(%arg19 : memref<!tpu.dma_semaphore, #tpu.memory_space<semaphore_mem>>)
    %dma_start3A_82 = arith.constant 2 : i32
    %dma_start3A_83 = arith.constant 48 : i32
    %dma_start3A_84 = arith.constant 0 : i32
    %dma_start3A_85 = tpu.memref_slice %arg6[%dma_start3A_83, %dma_start3A_84] : memref<56x128xi32, #tpu.memory_space<vmem>> -> memref<2x128xi32, #tpu.memory_space<vmem>>
    %dma_start3A_86 = arith.constant 48 : i32
    %dma_start3A_87 = tpu.memref_slice %arg2[%dma_start3A_82, %dma_start3A_86, %mul3A_2] : memref<5x50x4096xi32, #tpu.memory_space<hbm>> -> memref<1x2x128xi32, #tpu.memory_space<hbm>>
    %dma_start3A_88 = tpu.memref_squeeze %dma_start3A_87 : memref<1x2x128xi32, #tpu.memory_space<hbm>> -> memref<2x128xi32, #tpu.memory_space<hbm>>
    %dma_start3A_89 = arith.constant 48 : i32
    %dma_start3A_90 = arith.constant 0 : i32
    %dma_start3A_91 = tpu.memref_slice %arg6[%dma_start3A_89, %dma_start3A_90] : memref<56x128xi32, #tpu.memory_space<vmem>> -> memref<2x128xi32, #tpu.memory_space<vmem>>
    %dma_start3A_92 = arith.constant 48 : i32
    %dma_start3A_93 = tpu.memref_slice %arg2[%dma_start3A_82, %dma_start3A_92, %mul3A_2] : memref<5x50x4096xi32, #tpu.memory_space<hbm>> -> memref<1x2x128xi32, #tpu.memory_space<hbm>>
    %dma_start3A_94 = tpu.memref_squeeze %dma_start3A_93 : memref<1x2x128xi32, #tpu.memory_space<hbm>> -> memref<2x128xi32, #tpu.memory_space<hbm>>
    tpu.enqueue_dma source(%dma_start3A_94 : memref<2x128xi32, #tpu.memory_space<hbm>>) target(%dma_start3A_91 : memref<2x128xi32, #tpu.memory_space<vmem>>) target_semaphore(%arg19 : memref<!tpu.dma_semaphore, #tpu.memory_space<semaphore_mem>>)
    %dma_start3A_95 = arith.constant 3 : i32
    %dma_start3A_96 = arith.constant 0 : i32
    %dma_start3A_97 = arith.constant 0 : i32
    %dma_start3A_98 = tpu.memref_slice %arg7[%dma_start3A_96, %dma_start3A_97] : memref<56x128xi32, #tpu.memory_space<vmem>> -> memref<8x128xi32, #tpu.memory_space<vmem>>
    %dma_start3A_99 = arith.constant 0 : i32
    %dma_start3A_100 = tpu.memref_slice %arg2[%dma_start3A_95, %dma_start3A_99, %mul3A_2] : memref<5x50x4096xi32, #tpu.memory_space<hbm>> -> memref<1x8x128xi32, #tpu.memory_space<hbm>>
    %dma_start3A_101 = tpu.memref_squeeze %dma_start3A_100 : memref<1x8x128xi32, #tpu.memory_space<hbm>> -> memref<8x128xi32, #tpu.memory_space<hbm>>
    %dma_start3A_102 = arith.constant 0 : i32
    %dma_start3A_103 = arith.constant 0 : i32
    %dma_start3A_104 = tpu.memref_slice %arg7[%dma_start3A_102, %dma_start3A_103] : memref<56x128xi32, #tpu.memory_space<vmem>> -> memref<8x128xi32, #tpu.memory_space<vmem>>
    %dma_start3A_105 = arith.constant 0 : i32
    %dma_start3A_106 = tpu.memref_slice %arg2[%dma_start3A_95, %dma_start3A_105, %mul3A_2] : memref<5x50x4096xi32, #tpu.memory_space<hbm>> -> memref<1x8x128xi32, #tpu.memory_space<hbm>>
    %dma_start3A_107 = tpu.memref_squeeze %dma_start3A_106 : memref<1x8x128xi32, #tpu.memory_space<hbm>> -> memref<8x128xi32, #tpu.memory_space<hbm>>
    tpu.enqueue_dma source(%dma_start3A_107 : memref<8x128xi32, #tpu.memory_space<hbm>>) target(%dma_start3A_104 : memref<8x128xi32, #tpu.memory_space<vmem>>) target_semaphore(%arg19 : memref<!tpu.dma_semaphore, #tpu.memory_space<semaphore_mem>>)
    %dma_start3A_108 = arith.constant 3 : i32
    %dma_start3A_109 = arith.constant 8 : i32
    %dma_start3A_110 = arith.constant 0 : i32
    %dma_start3A_111 = tpu.memref_slice %arg7[%dma_start3A_109, %dma_start3A_110] : memref<56x128xi32, #tpu.memory_space<vmem>> -> memref<8x128xi32, #tpu.memory_space<vmem>>
    %dma_start3A_112 = arith.constant 8 : i32
    %dma_start3A_113 = tpu.memref_slice %arg2[%dma_start3A_108, %dma_start3A_112, %mul3A_2] : memref<5x50x4096xi32, #tpu.memory_space<hbm>> -> memref<1x8x128xi32, #tpu.memory_space<hbm>>
    %dma_start3A_114 = tpu.memref_squeeze %dma_start3A_113 : memref<1x8x128xi32, #tpu.memory_space<hbm>> -> memref<8x128xi32, #tpu.memory_space<hbm>>
    %dma_start3A_115 = arith.constant 8 : i32
    %dma_start3A_116 = arith.constant 0 : i32
    %dma_start3A_117 = tpu.memref_slice %arg7[%dma_start3A_115, %dma_start3A_116] : memref<56x128xi32, #tpu.memory_space<vmem>> -> memref<8x128xi32, #tpu.memory_space<vmem>>
    %dma_start3A_118 = arith.constant 8 : i32
    %dma_start3A_119 = tpu.memref_slice %arg2[%dma_start3A_108, %dma_start3A_118, %mul3A_2] : memref<5x50x4096xi32, #tpu.memory_space<hbm>> -> memref<1x8x128xi32, #tpu.memory_space<hbm>>
    %dma_start3A_120 = tpu.memref_squeeze %dma_start3A_119 : memref<1x8x128xi32, #tpu.memory_space<hbm>> -> memref<8x128xi32, #tpu.memory_space<hbm>>
    tpu.enqueue_dma source(%dma_start3A_120 : memref<8x128xi32, #tpu.memory_space<hbm>>) target(%dma_start3A_117 : memref<8x128xi32, #tpu.memory_space<vmem>>) target_semaphore(%arg19 : memref<!tpu.dma_semaphore, #tpu.memory_space<semaphore_mem>>)
    %dma_start3A_121 = arith.constant 3 : i32
    %dma_start3A_122 = arith.constant 16 : i32
    %dma_start3A_123 = arith.constant 0 : i32
    %dma_start3A_124 = tpu.memref_slice %arg7[%dma_start3A_122, %dma_start3A_123] : memref<56x128xi32, #tpu.memory_space<vmem>> -> memref<8x128xi32, #tpu.memory_space<vmem>>
    %dma_start3A_125 = arith.constant 16 : i32
    %dma_start3A_126 = tpu.memref_slice %arg2[%dma_start3A_121, %dma_start3A_125, %mul3A_2] : memref<5x50x4096xi32, #tpu.memory_space<hbm>> -> memref<1x8x128xi32, #tpu.memory_space<hbm>>
    %dma_start3A_127 = tpu.memref_squeeze %dma_start3A_126 : memref<1x8x128xi32, #tpu.memory_space<hbm>> -> memref<8x128xi32, #tpu.memory_space<hbm>>
    %dma_start3A_128 = arith.constant 16 : i32
    %dma_start3A_129 = arith.constant 0 : i32
    %dma_start3A_130 = tpu.memref_slice %arg7[%dma_start3A_128, %dma_start3A_129] : memref<56x128xi32, #tpu.memory_space<vmem>> -> memref<8x128xi32, #tpu.memory_space<vmem>>
    %dma_start3A_131 = arith.constant 16 : i32
    %dma_start3A_132 = tpu.memref_slice %arg2[%dma_start3A_121, %dma_start3A_131, %mul3A_2] : memref<5x50x4096xi32, #tpu.memory_space<hbm>> -> memref<1x8x128xi32, #tpu.memory_space<hbm>>
    %dma_start3A_133 = tpu.memref_squeeze %dma_start3A_132 : memref<1x8x128xi32, #tpu.memory_space<hbm>> -> memref<8x128xi32, #tpu.memory_space<hbm>>
    tpu.enqueue_dma source(%dma_start3A_133 : memref<8x128xi32, #tpu.memory_space<hbm>>) target(%dma_start3A_130 : memref<8x128xi32, #tpu.memory_space<vmem>>) target_semaphore(%arg19 : memref<!tpu.dma_semaphore, #tpu.memory_space<semaphore_mem>>)
    %dma_start3A_134 = arith.constant 3 : i32
    %dma_start3A_135 = arith.constant 24 : i32
    %dma_start3A_136 = arith.constant 0 : i32
    %dma_start3A_137 = tpu.memref_slice %arg7[%dma_start3A_135, %dma_start3A_136] : memref<56x128xi32, #tpu.memory_space<vmem>> -> memref<8x128xi32, #tpu.memory_space<vmem>>
    %dma_start3A_138 = arith.constant 24 : i32
    %dma_start3A_139 = tpu.memref_slice %arg2[%dma_start3A_134, %dma_start3A_138, %mul3A_2] : memref<5x50x4096xi32, #tpu.memory_space<hbm>> -> memref<1x8x128xi32, #tpu.memory_space<hbm>>
    %dma_start3A_140 = tpu.memref_squeeze %dma_start3A_139 : memref<1x8x128xi32, #tpu.memory_space<hbm>> -> memref<8x128xi32, #tpu.memory_space<hbm>>
    %dma_start3A_141 = arith.constant 24 : i32
    %dma_start3A_142 = arith.constant 0 : i32
    %dma_start3A_143 = tpu.memref_slice %arg7[%dma_start3A_141, %dma_start3A_142] : memref<56x128xi32, #tpu.memory_space<vmem>> -> memref<8x128xi32, #tpu.memory_space<vmem>>
    %dma_start3A_144 = arith.constant 24 : i32
    %dma_start3A_145 = tpu.memref_slice %arg2[%dma_start3A_134, %dma_start3A_144, %mul3A_2] : memref<5x50x4096xi32, #tpu.memory_space<hbm>> -> memref<1x8x128xi32, #tpu.memory_space<hbm>>
    %dma_start3A_146 = tpu.memref_squeeze %dma_start3A_145 : memref<1x8x128xi32, #tpu.memory_space<hbm>> -> memref<8x128xi32, #tpu.memory_space<hbm>>
    tpu.enqueue_dma source(%dma_start3A_146 : memref<8x128xi32, #tpu.memory_space<hbm>>) target(%dma_start3A_143 : memref<8x128xi32, #tpu.memory_space<vmem>>) target_semaphore(%arg19 : memref<!tpu.dma_semaphore, #tpu.memory_space<semaphore_mem>>)
    %dma_start3A_147 = arith.constant 3 : i32
    %dma_start3A_148 = arith.constant 32 : i32
    %dma_start3A_149 = arith.constant 0 : i32
    %dma_start3A_150 = tpu.memref_slice %arg7[%dma_start3A_148, %dma_start3A_149] : memref<56x128xi32, #tpu.memory_space<vmem>> -> memref<8x128xi32, #tpu.memory_space<vmem>>
    %dma_start3A_151 = arith.constant 32 : i32
    %dma_start3A_152 = tpu.memref_slice %arg2[%dma_start3A_147, %dma_start3A_151, %mul3A_2] : memref<5x50x4096xi32, #tpu.memory_space<hbm>> -> memref<1x8x128xi32, #tpu.memory_space<hbm>>
    %dma_start3A_153 = tpu.memref_squeeze %dma_start3A_152 : memref<1x8x128xi32, #tpu.memory_space<hbm>> -> memref<8x128xi32, #tpu.memory_space<hbm>>
    %dma_start3A_154 = arith.constant 32 : i32
    %dma_start3A_155 = arith.constant 0 : i32
    %dma_start3A_156 = tpu.memref_slice %arg7[%dma_start3A_154, %dma_start3A_155] : memref<56x128xi32, #tpu.memory_space<vmem>> -> memref<8x128xi32, #tpu.memory_space<vmem>>
    %dma_start3A_157 = arith.constant 32 : i32
    %dma_start3A_158 = tpu.memref_slice %arg2[%dma_start3A_147, %dma_start3A_157, %mul3A_2] : memref<5x50x4096xi32, #tpu.memory_space<hbm>> -> memref<1x8x128xi32, #tpu.memory_space<hbm>>
    %dma_start3A_159 = tpu.memref_squeeze %dma_start3A_158 : memref<1x8x128xi32, #tpu.memory_space<hbm>> -> memref<8x128xi32, #tpu.memory_space<hbm>>
    tpu.enqueue_dma source(%dma_start3A_159 : memref<8x128xi32, #tpu.memory_space<hbm>>) target(%dma_start3A_156 : memref<8x128xi32, #tpu.memory_space<vmem>>) target_semaphore(%arg19 : memref<!tpu.dma_semaphore, #tpu.memory_space<semaphore_mem>>)
    %dma_start3A_160 = arith.constant 3 : i32
    %dma_start3A_161 = arith.constant 40 : i32
    %dma_start3A_162 = arith.constant 0 : i32
    %dma_start3A_163 = tpu.memref_slice %arg7[%dma_start3A_161, %dma_start3A_162] : memref<56x128xi32, #tpu.memory_space<vmem>> -> memref<8x128xi32, #tpu.memory_space<vmem>>
    %dma_start3A_164 = arith.constant 40 : i32
    %dma_start3A_165 = tpu.memref_slice %arg2[%dma_start3A_160, %dma_start3A_164, %mul3A_2] : memref<5x50x4096xi32, #tpu.memory_space<hbm>> -> memref<1x8x128xi32, #tpu.memory_space<hbm>>
    %dma_start3A_166 = tpu.memref_squeeze %dma_start3A_165 : memref<1x8x128xi32, #tpu.memory_space<hbm>> -> memref<8x128xi32, #tpu.memory_space<hbm>>
    %dma_start3A_167 = arith.constant 40 : i32
    %dma_start3A_168 = arith.constant 0 : i32
    %dma_start3A_169 = tpu.memref_slice %arg7[%dma_start3A_167, %dma_start3A_168] : memref<56x128xi32, #tpu.memory_space<vmem>> -> memref<8x128xi32, #tpu.memory_space<vmem>>
    %dma_start3A_170 = arith.constant 40 : i32
    %dma_start3A_171 = tpu.memref_slice %arg2[%dma_start3A_160, %dma_start3A_170, %mul3A_2] : memref<5x50x4096xi32, #tpu.memory_space<hbm>> -> memref<1x8x128xi32, #tpu.memory_space<hbm>>
    %dma_start3A_172 = tpu.memref_squeeze %dma_start3A_171 : memref<1x8x128xi32, #tpu.memory_space<hbm>> -> memref<8x128xi32, #tpu.memory_space<hbm>>
    tpu.enqueue_dma source(%dma_start3A_172 : memref<8x128xi32, #tpu.memory_space<hbm>>) target(%dma_start3A_169 : memref<8x128xi32, #tpu.memory_space<vmem>>) target_semaphore(%arg19 : memref<!tpu.dma_semaphore, #tpu.memory_space<semaphore_mem>>)
    %dma_start3A_173 = arith.constant 3 : i32
    %dma_start3A_174 = arith.constant 48 : i32
    %dma_start3A_175 = arith.constant 0 : i32
    %dma_start3A_176 = tpu.memref_slice %arg7[%dma_start3A_174, %dma_start3A_175] : memref<56x128xi32, #tpu.memory_space<vmem>> -> memref<2x128xi32, #tpu.memory_space<vmem>>
    %dma_start3A_177 = arith.constant 48 : i32
    %dma_start3A_178 = tpu.memref_slice %arg2[%dma_start3A_173, %dma_start3A_177, %mul3A_2] : memref<5x50x4096xi32, #tpu.memory_space<hbm>> -> memref<1x2x128xi32, #tpu.memory_space<hbm>>
    %dma_start3A_179 = tpu.memref_squeeze %dma_start3A_178 : memref<1x2x128xi32, #tpu.memory_space<hbm>> -> memref<2x128xi32, #tpu.memory_space<hbm>>
    %dma_start3A_180 = arith.constant 48 : i32
    %dma_start3A_181 = arith.constant 0 : i32
    %dma_start3A_182 = tpu.memref_slice %arg7[%dma_start3A_180, %dma_start3A_181] : memref<56x128xi32, #tpu.memory_space<vmem>> -> memref<2x128xi32, #tpu.memory_space<vmem>>
    %dma_start3A_183 = arith.constant 48 : i32
    %dma_start3A_184 = tpu.memref_slice %arg2[%dma_start3A_173, %dma_start3A_183, %mul3A_2] : memref<5x50x4096xi32, #tpu.memory_space<hbm>> -> memref<1x2x128xi32, #tpu.memory_space<hbm>>
    %dma_start3A_185 = tpu.memref_squeeze %dma_start3A_184 : memref<1x2x128xi32, #tpu.memory_space<hbm>> -> memref<2x128xi32, #tpu.memory_space<hbm>>
    tpu.enqueue_dma source(%dma_start3A_185 : memref<2x128xi32, #tpu.memory_space<hbm>>) target(%dma_start3A_182 : memref<2x128xi32, #tpu.memory_space<vmem>>) target_semaphore(%arg19 : memref<!tpu.dma_semaphore, #tpu.memory_space<semaphore_mem>>)
    %dma_start3A_186 = arith.constant 4 : i32
    %dma_start3A_187 = arith.constant 0 : i32
    %dma_start3A_188 = arith.constant 0 : i32
    %dma_start3A_189 = tpu.memref_slice %arg8[%dma_start3A_187, %dma_start3A_188] : memref<56x128xi32, #tpu.memory_space<vmem>> -> memref<8x128xi32, #tpu.memory_space<vmem>>
    %dma_start3A_190 = arith.constant 0 : i32
    %dma_start3A_191 = tpu.memref_slice %arg2[%dma_start3A_186, %dma_start3A_190, %mul3A_2] : memref<5x50x4096xi32, #tpu.memory_space<hbm>> -> memref<1x8x128xi32, #tpu.memory_space<hbm>>
    %dma_start3A_192 = tpu.memref_squeeze %dma_start3A_191 : memref<1x8x128xi32, #tpu.memory_space<hbm>> -> memref<8x128xi32, #tpu.memory_space<hbm>>
    %dma_start3A_193 = arith.constant 0 : i32
    %dma_start3A_194 = arith.constant 0 : i32
    %dma_start3A_195 = tpu.memref_slice %arg8[%dma_start3A_193, %dma_start3A_194] : memref<56x128xi32, #tpu.memory_space<vmem>> -> memref<8x128xi32, #tpu.memory_space<vmem>>
    %dma_start3A_196 = arith.constant 0 : i32
    %dma_start3A_197 = tpu.memref_slice %arg2[%dma_start3A_186, %dma_start3A_196, %mul3A_2] : memref<5x50x4096xi32, #tpu.memory_space<hbm>> -> memref<1x8x128xi32, #tpu.memory_space<hbm>>
    %dma_start3A_198 = tpu.memref_squeeze %dma_start3A_197 : memref<1x8x128xi32, #tpu.memory_space<hbm>> -> memref<8x128xi32, #tpu.memory_space<hbm>>
    tpu.enqueue_dma source(%dma_start3A_198 : memref<8x128xi32, #tpu.memory_space<hbm>>) target(%dma_start3A_195 : memref<8x128xi32, #tpu.memory_space<vmem>>) target_semaphore(%arg19 : memref<!tpu.dma_semaphore, #tpu.memory_space<semaphore_mem>>)
    %dma_start3A_199 = arith.constant 4 : i32
    %dma_start3A_200 = arith.constant 8 : i32
    %dma_start3A_201 = arith.constant 0 : i32
    %dma_start3A_202 = tpu.memref_slice %arg8[%dma_start3A_200, %dma_start3A_201] : memref<56x128xi32, #tpu.memory_space<vmem>> -> memref<8x128xi32, #tpu.memory_space<vmem>>
    %dma_start3A_203 = arith.constant 8 : i32
    %dma_start3A_204 = tpu.memref_slice %arg2[%dma_start3A_199, %dma_start3A_203, %mul3A_2] : memref<5x50x4096xi32, #tpu.memory_space<hbm>> -> memref<1x8x128xi32, #tpu.memory_space<hbm>>
    %dma_start3A_205 = tpu.memref_squeeze %dma_start3A_204 : memref<1x8x128xi32, #tpu.memory_space<hbm>> -> memref<8x128xi32, #tpu.memory_space<hbm>>
    %dma_start3A_206 = arith.constant 8 : i32
    %dma_start3A_207 = arith.constant 0 : i32
    %dma_start3A_208 = tpu.memref_slice %arg8[%dma_start3A_206, %dma_start3A_207] : memref<56x128xi32, #tpu.memory_space<vmem>> -> memref<8x128xi32, #tpu.memory_space<vmem>>
    %dma_start3A_209 = arith.constant 8 : i32
    %dma_start3A_210 = tpu.memref_slice %arg2[%dma_start3A_199, %dma_start3A_209, %mul3A_2] : memref<5x50x4096xi32, #tpu.memory_space<hbm>> -> memref<1x8x128xi32, #tpu.memory_space<hbm>>
    %dma_start3A_211 = tpu.memref_squeeze %dma_start3A_210 : memref<1x8x128xi32, #tpu.memory_space<hbm>> -> memref<8x128xi32, #tpu.memory_space<hbm>>
    tpu.enqueue_dma source(%dma_start3A_211 : memref<8x128xi32, #tpu.memory_space<hbm>>) target(%dma_start3A_208 : memref<8x128xi32, #tpu.memory_space<vmem>>) target_semaphore(%arg19 : memref<!tpu.dma_semaphore, #tpu.memory_space<semaphore_mem>>)
    %dma_start3A_212 = arith.constant 4 : i32
    %dma_start3A_213 = arith.constant 16 : i32
    %dma_start3A_214 = arith.constant 0 : i32
    %dma_start3A_215 = tpu.memref_slice %arg8[%dma_start3A_213, %dma_start3A_214] : memref<56x128xi32, #tpu.memory_space<vmem>> -> memref<8x128xi32, #tpu.memory_space<vmem>>
    %dma_start3A_216 = arith.constant 16 : i32
    %dma_start3A_217 = tpu.memref_slice %arg2[%dma_start3A_212, %dma_start3A_216, %mul3A_2] : memref<5x50x4096xi32, #tpu.memory_space<hbm>> -> memref<1x8x128xi32, #tpu.memory_space<hbm>>
    %dma_start3A_218 = tpu.memref_squeeze %dma_start3A_217 : memref<1x8x128xi32, #tpu.memory_space<hbm>> -> memref<8x128xi32, #tpu.memory_space<hbm>>
    %dma_start3A_219 = arith.constant 16 : i32
    %dma_start3A_220 = arith.constant 0 : i32
    %dma_start3A_221 = tpu.memref_slice %arg8[%dma_start3A_219, %dma_start3A_220] : memref<56x128xi32, #tpu.memory_space<vmem>> -> memref<8x128xi32, #tpu.memory_space<vmem>>
    %dma_start3A_222 = arith.constant 16 : i32
    %dma_start3A_223 = tpu.memref_slice %arg2[%dma_start3A_212, %dma_start3A_222, %mul3A_2] : memref<5x50x4096xi32, #tpu.memory_space<hbm>> -> memref<1x8x128xi32, #tpu.memory_space<hbm>>
    %dma_start3A_224 = tpu.memref_squeeze %dma_start3A_223 : memref<1x8x128xi32, #tpu.memory_space<hbm>> -> memref<8x128xi32, #tpu.memory_space<hbm>>
    tpu.enqueue_dma source(%dma_start3A_224 : memref<8x128xi32, #tpu.memory_space<hbm>>) target(%dma_start3A_221 : memref<8x128xi32, #tpu.memory_space<vmem>>) target_semaphore(%arg19 : memref<!tpu.dma_semaphore, #tpu.memory_space<semaphore_mem>>)
    %dma_start3A_225 = arith.constant 4 : i32
    %dma_start3A_226 = arith.constant 24 : i32
    %dma_start3A_227 = arith.constant 0 : i32
    %dma_start3A_228 = tpu.memref_slice %arg8[%dma_start3A_226, %dma_start3A_227] : memref<56x128xi32, #tpu.memory_space<vmem>> -> memref<8x128xi32, #tpu.memory_space<vmem>>
    %dma_start3A_229 = arith.constant 24 : i32
    %dma_start3A_230 = tpu.memref_slice %arg2[%dma_start3A_225, %dma_start3A_229, %mul3A_2] : memref<5x50x4096xi32, #tpu.memory_space<hbm>> -> memref<1x8x128xi32, #tpu.memory_space<hbm>>
    %dma_start3A_231 = tpu.memref_squeeze %dma_start3A_230 : memref<1x8x128xi32, #tpu.memory_space<hbm>> -> memref<8x128xi32, #tpu.memory_space<hbm>>
    %dma_start3A_232 = arith.constant 24 : i32
    %dma_start3A_233 = arith.constant 0 : i32
    %dma_start3A_234 = tpu.memref_slice %arg8[%dma_start3A_232, %dma_start3A_233] : memref<56x128xi32, #tpu.memory_space<vmem>> -> memref<8x128xi32, #tpu.memory_space<vmem>>
    %dma_start3A_235 = arith.constant 24 : i32
    %dma_start3A_236 = tpu.memref_slice %arg2[%dma_start3A_225, %dma_start3A_235, %mul3A_2] : memref<5x50x4096xi32, #tpu.memory_space<hbm>> -> memref<1x8x128xi32, #tpu.memory_space<hbm>>
    %dma_start3A_237 = tpu.memref_squeeze %dma_start3A_236 : memref<1x8x128xi32, #tpu.memory_space<hbm>> -> memref<8x128xi32, #tpu.memory_space<hbm>>
    tpu.enqueue_dma source(%dma_start3A_237 : memref<8x128xi32, #tpu.memory_space<hbm>>) target(%dma_start3A_234 : memref<8x128xi32, #tpu.memory_space<vmem>>) target_semaphore(%arg19 : memref<!tpu.dma_semaphore, #tpu.memory_space<semaphore_mem>>)
    %dma_start3A_238 = arith.constant 4 : i32
    %dma_start3A_239 = arith.constant 32 : i32
    %dma_start3A_240 = arith.constant 0 : i32
    %dma_start3A_241 = tpu.memref_slice %arg8[%dma_start3A_239, %dma_start3A_240] : memref<56x128xi32, #tpu.memory_space<vmem>> -> memref<8x128xi32, #tpu.memory_space<vmem>>
    %dma_start3A_242 = arith.constant 32 : i32
    %dma_start3A_243 = tpu.memref_slice %arg2[%dma_start3A_238, %dma_start3A_242, %mul3A_2] : memref<5x50x4096xi32, #tpu.memory_space<hbm>> -> memref<1x8x128xi32, #tpu.memory_space<hbm>>
    %dma_start3A_244 = tpu.memref_squeeze %dma_start3A_243 : memref<1x8x128xi32, #tpu.memory_space<hbm>> -> memref<8x128xi32, #tpu.memory_space<hbm>>
    %dma_start3A_245 = arith.constant 32 : i32
    %dma_start3A_246 = arith.constant 0 : i32
    %dma_start3A_247 = tpu.memref_slice %arg8[%dma_start3A_245, %dma_start3A_246] : memref<56x128xi32, #tpu.memory_space<vmem>> -> memref<8x128xi32, #tpu.memory_space<vmem>>
    %dma_start3A_248 = arith.constant 32 : i32
    %dma_start3A_249 = tpu.memref_slice %arg2[%dma_start3A_238, %dma_start3A_248, %mul3A_2] : memref<5x50x4096xi32, #tpu.memory_space<hbm>> -> memref<1x8x128xi32, #tpu.memory_space<hbm>>
    %dma_start3A_250 = tpu.memref_squeeze %dma_start3A_249 : memref<1x8x128xi32, #tpu.memory_space<hbm>> -> memref<8x128xi32, #tpu.memory_space<hbm>>
    tpu.enqueue_dma source(%dma_start3A_250 : memref<8x128xi32, #tpu.memory_space<hbm>>) target(%dma_start3A_247 : memref<8x128xi32, #tpu.memory_space<vmem>>) target_semaphore(%arg19 : memref<!tpu.dma_semaphore, #tpu.memory_space<semaphore_mem>>)
    %dma_start3A_251 = arith.constant 4 : i32
    %dma_start3A_252 = arith.constant 40 : i32
    %dma_start3A_253 = arith.constant 0 : i32
    %dma_start3A_254 = tpu.memref_slice %arg8[%dma_start3A_252, %dma_start3A_253] : memref<56x128xi32, #tpu.memory_space<vmem>> -> memref<8x128xi32, #tpu.memory_space<vmem>>
    %dma_start3A_255 = arith.constant 40 : i32
    %dma_start3A_256 = tpu.memref_slice %arg2[%dma_start3A_251, %dma_start3A_255, %mul3A_2] : memref<5x50x4096xi32, #tpu.memory_space<hbm>> -> memref<1x8x128xi32, #tpu.memory_space<hbm>>
    %dma_start3A_257 = tpu.memref_squeeze %dma_start3A_256 : memref<1x8x128xi32, #tpu.memory_space<hbm>> -> memref<8x128xi32, #tpu.memory_space<hbm>>
    %dma_start3A_258 = arith.constant 40 : i32
    %dma_start3A_259 = arith.constant 0 : i32
    %dma_start3A_260 = tpu.memref_slice %arg8[%dma_start3A_258, %dma_start3A_259] : memref<56x128xi32, #tpu.memory_space<vmem>> -> memref<8x128xi32, #tpu.memory_space<vmem>>
    %dma_start3A_261 = arith.constant 40 : i32
    %dma_start3A_262 = tpu.memref_slice %arg2[%dma_start3A_251, %dma_start3A_261, %mul3A_2] : memref<5x50x4096xi32, #tpu.memory_space<hbm>> -> memref<1x8x128xi32, #tpu.memory_space<hbm>>
    %dma_start3A_263 = tpu.memref_squeeze %dma_start3A_262 : memref<1x8x128xi32, #tpu.memory_space<hbm>> -> memref<8x128xi32, #tpu.memory_space<hbm>>
    tpu.enqueue_dma source(%dma_start3A_263 : memref<8x128xi32, #tpu.memory_space<hbm>>) target(%dma_start3A_260 : memref<8x128xi32, #tpu.memory_space<vmem>>) target_semaphore(%arg19 : memref<!tpu.dma_semaphore, #tpu.memory_space<semaphore_mem>>)
    %dma_start3A_264 = arith.constant 4 : i32
    %dma_start3A_265 = arith.constant 48 : i32
    %dma_start3A_266 = arith.constant 0 : i32
    %dma_start3A_267 = tpu.memref_slice %arg8[%dma_start3A_265, %dma_start3A_266] : memref<56x128xi32, #tpu.memory_space<vmem>> -> memref<2x128xi32, #tpu.memory_space<vmem>>
    %dma_start3A_268 = arith.constant 48 : i32
    %dma_start3A_269 = tpu.memref_slice %arg2[%dma_start3A_264, %dma_start3A_268, %mul3A_2] : memref<5x50x4096xi32, #tpu.memory_space<hbm>> -> memref<1x2x128xi32, #tpu.memory_space<hbm>>
    %dma_start3A_270 = tpu.memref_squeeze %dma_start3A_269 : memref<1x2x128xi32, #tpu.memory_space<hbm>> -> memref<2x128xi32, #tpu.memory_space<hbm>>
    %dma_start3A_271 = arith.constant 48 : i32
    %dma_start3A_272 = arith.constant 0 : i32
    %dma_start3A_273 = tpu.memref_slice %arg8[%dma_start3A_271, %dma_start3A_272] : memref<56x128xi32, #tpu.memory_space<vmem>> -> memref<2x128xi32, #tpu.memory_space<vmem>>
    %dma_start3A_274 = arith.constant 48 : i32
    %dma_start3A_275 = tpu.memref_slice %arg2[%dma_start3A_264, %dma_start3A_274, %mul3A_2] : memref<5x50x4096xi32, #tpu.memory_space<hbm>> -> memref<1x2x128xi32, #tpu.memory_space<hbm>>
    %dma_start3A_276 = tpu.memref_squeeze %dma_start3A_275 : memref<1x2x128xi32, #tpu.memory_space<hbm>> -> memref<2x128xi32, #tpu.memory_space<hbm>>
    tpu.enqueue_dma source(%dma_start3A_276 : memref<2x128xi32, #tpu.memory_space<hbm>>) target(%dma_start3A_273 : memref<2x128xi32, #tpu.memory_space<vmem>>) target_semaphore(%arg19 : memref<!tpu.dma_semaphore, #tpu.memory_space<semaphore_mem>>)
    %dma_wait3A = arith.constant 2 : i32
    %dma_wait3A_277 = arith.constant 0 : i32
    %dma_wait3A_278 = arith.constant 0 : i32
    %dma_wait3A_279 = tpu.memref_slice %arg6[%dma_wait3A_277, %dma_wait3A_278] : memref<56x128xi32, #tpu.memory_space<vmem>> -> memref<8x128xi32, #tpu.memory_space<vmem>>
    %dma_wait3A_280 = arith.constant 0 : i32
    %dma_wait3A_281 = tpu.memref_slice %arg2[%dma_wait3A, %dma_wait3A_280, %mul3A_2] : memref<5x50x4096xi32, #tpu.memory_space<hbm>> -> memref<1x8x128xi32, #tpu.memory_space<hbm>>
    %dma_wait3A_282 = tpu.memref_squeeze %dma_wait3A_281 : memref<1x8x128xi32, #tpu.memory_space<hbm>> -> memref<8x128xi32, #tpu.memory_space<hbm>>
    %dma_wait3A_283 = arith.constant 0 : i32
    %dma_wait3A_284 = arith.constant 0 : i32
    %dma_wait3A_285 = tpu.memref_slice %arg6[%dma_wait3A_283, %dma_wait3A_284] : memref<56x128xi32, #tpu.memory_space<vmem>> -> memref<8x128xi32, #tpu.memory_space<vmem>>
    %dma_wait3A_286 = arith.constant 0 : i32
    %dma_wait3A_287 = tpu.memref_slice %arg2[%dma_wait3A, %dma_wait3A_286, %mul3A_2] : memref<5x50x4096xi32, #tpu.memory_space<hbm>> -> memref<1x8x128xi32, #tpu.memory_space<hbm>>
    %dma_wait3A_288 = tpu.memref_squeeze %dma_wait3A_287 : memref<1x8x128xi32, #tpu.memory_space<hbm>> -> memref<8x128xi32, #tpu.memory_space<hbm>>
    tpu.wait_dma2 semaphore(%arg19 : memref<!tpu.dma_semaphore, #tpu.memory_space<semaphore_mem>>) src(%dma_wait3A_288 : memref<8x128xi32, #tpu.memory_space<hbm>>) dst(%dma_wait3A_285 : memref<8x128xi32, #tpu.memory_space<vmem>>)
    %dma_wait3A_289 = arith.constant 2 : i32
    %dma_wait3A_290 = arith.constant 8 : i32
    %dma_wait3A_291 = arith.constant 0 : i32
    %dma_wait3A_292 = tpu.memref_slice %arg6[%dma_wait3A_290, %dma_wait3A_291] : memref<56x128xi32, #tpu.memory_space<vmem>> -> memref<8x128xi32, #tpu.memory_space<vmem>>
    %dma_wait3A_293 = arith.constant 8 : i32
    %dma_wait3A_294 = tpu.memref_slice %arg2[%dma_wait3A_289, %dma_wait3A_293, %mul3A_2] : memref<5x50x4096xi32, #tpu.memory_space<hbm>> -> memref<1x8x128xi32, #tpu.memory_space<hbm>>
    %dma_wait3A_295 = tpu.memref_squeeze %dma_wait3A_294 : memref<1x8x128xi32, #tpu.memory_space<hbm>> -> memref<8x128xi32, #tpu.memory_space<hbm>>
    %dma_wait3A_296 = arith.constant 8 : i32
    %dma_wait3A_297 = arith.constant 0 : i32
    %dma_wait3A_298 = tpu.memref_slice %arg6[%dma_wait3A_296, %dma_wait3A_297] : memref<56x128xi32, #tpu.memory_space<vmem>> -> memref<8x128xi32, #tpu.memory_space<vmem>>
    %dma_wait3A_299 = arith.constant 8 : i32
    %dma_wait3A_300 = tpu.memref_slice %arg2[%dma_wait3A_289, %dma_wait3A_299, %mul3A_2] : memref<5x50x4096xi32, #tpu.memory_space<hbm>> -> memref<1x8x128xi32, #tpu.memory_space<hbm>>
    %dma_wait3A_301 = tpu.memref_squeeze %dma_wait3A_300 : memref<1x8x128xi32, #tpu.memory_space<hbm>> -> memref<8x128xi32, #tpu.memory_space<hbm>>
    tpu.wait_dma2 semaphore(%arg19 : memref<!tpu.dma_semaphore, #tpu.memory_space<semaphore_mem>>) src(%dma_wait3A_301 : memref<8x128xi32, #tpu.memory_space<hbm>>) dst(%dma_wait3A_298 : memref<8x128xi32, #tpu.memory_space<vmem>>)
    %dma_wait3A_302 = arith.constant 2 : i32
    %dma_wait3A_303 = arith.constant 16 : i32
    %dma_wait3A_304 = arith.constant 0 : i32
    %dma_wait3A_305 = tpu.memref_slice %arg6[%dma_wait3A_303, %dma_wait3A_304] : memref<56x128xi32, #tpu.memory_space<vmem>> -> memref<8x128xi32, #tpu.memory_space<vmem>>
    %dma_wait3A_306 = arith.constant 16 : i32
    %dma_wait3A_307 = tpu.memref_slice %arg2[%dma_wait3A_302, %dma_wait3A_306, %mul3A_2] : memref<5x50x4096xi32, #tpu.memory_space<hbm>> -> memref<1x8x128xi32, #tpu.memory_space<hbm>>
    %dma_wait3A_308 = tpu.memref_squeeze %dma_wait3A_307 : memref<1x8x128xi32, #tpu.memory_space<hbm>> -> memref<8x128xi32, #tpu.memory_space<hbm>>
    %dma_wait3A_309 = arith.constant 16 : i32
    %dma_wait3A_310 = arith.constant 0 : i32
    %dma_wait3A_311 = tpu.memref_slice %arg6[%dma_wait3A_309, %dma_wait3A_310] : memref<56x128xi32, #tpu.memory_space<vmem>> -> memref<8x128xi32, #tpu.memory_space<vmem>>
    %dma_wait3A_312 = arith.constant 16 : i32
    %dma_wait3A_313 = tpu.memref_slice %arg2[%dma_wait3A_302, %dma_wait3A_312, %mul3A_2] : memref<5x50x4096xi32, #tpu.memory_space<hbm>> -> memref<1x8x128xi32, #tpu.memory_space<hbm>>
    %dma_wait3A_314 = tpu.memref_squeeze %dma_wait3A_313 : memref<1x8x128xi32, #tpu.memory_space<hbm>> -> memref<8x128xi32, #tpu.memory_space<hbm>>
    tpu.wait_dma2 semaphore(%arg19 : memref<!tpu.dma_semaphore, #tpu.memory_space<semaphore_mem>>) src(%dma_wait3A_314 : memref<8x128xi32, #tpu.memory_space<hbm>>) dst(%dma_wait3A_311 : memref<8x128xi32, #tpu.memory_space<vmem>>)
    %dma_wait3A_315 = arith.constant 2 : i32
    %dma_wait3A_316 = arith.constant 24 : i32
    %dma_wait3A_317 = arith.constant 0 : i32
    %dma_wait3A_318 = tpu.memref_slice %arg6[%dma_wait3A_316, %dma_wait3A_317] : memref<56x128xi32, #tpu.memory_space<vmem>> -> memref<8x128xi32, #tpu.memory_space<vmem>>
    %dma_wait3A_319 = arith.constant 24 : i32
    %dma_wait3A_320 = tpu.memref_slice %arg2[%dma_wait3A_315, %dma_wait3A_319, %mul3A_2] : memref<5x50x4096xi32, #tpu.memory_space<hbm>> -> memref<1x8x128xi32, #tpu.memory_space<hbm>>
    %dma_wait3A_321 = tpu.memref_squeeze %dma_wait3A_320 : memref<1x8x128xi32, #tpu.memory_space<hbm>> -> memref<8x128xi32, #tpu.memory_space<hbm>>
    %dma_wait3A_322 = arith.constant 24 : i32
    %dma_wait3A_323 = arith.constant 0 : i32
    %dma_wait3A_324 = tpu.memref_slice %arg6[%dma_wait3A_322, %dma_wait3A_323] : memref<56x128xi32, #tpu.memory_space<vmem>> -> memref<8x128xi32, #tpu.memory_space<vmem>>
    %dma_wait3A_325 = arith.constant 24 : i32
    %dma_wait3A_326 = tpu.memref_slice %arg2[%dma_wait3A_315, %dma_wait3A_325, %mul3A_2] : memref<5x50x4096xi32, #tpu.memory_space<hbm>> -> memref<1x8x128xi32, #tpu.memory_space<hbm>>
    %dma_wait3A_327 = tpu.memref_squeeze %dma_wait3A_326 : memref<1x8x128xi32, #tpu.memory_space<hbm>> -> memref<8x128xi32, #tpu.memory_space<hbm>>
    tpu.wait_dma2 semaphore(%arg19 : memref<!tpu.dma_semaphore, #tpu.memory_space<semaphore_mem>>) src(%dma_wait3A_327 : memref<8x128xi32, #tpu.memory_space<hbm>>) dst(%dma_wait3A_324 : memref<8x128xi32, #tpu.memory_space<vmem>>)
    %dma_wait3A_328 = arith.constant 2 : i32
    %dma_wait3A_329 = arith.constant 32 : i32
    %dma_wait3A_330 = arith.constant 0 : i32
    %dma_wait3A_331 = tpu.memref_slice %arg6[%dma_wait3A_329, %dma_wait3A_330] : memref<56x128xi32, #tpu.memory_space<vmem>> -> memref<8x128xi32, #tpu.memory_space<vmem>>
    %dma_wait3A_332 = arith.constant 32 : i32
    %dma_wait3A_333 = tpu.memref_slice %arg2[%dma_wait3A_328, %dma_wait3A_332, %mul3A_2] : memref<5x50x4096xi32, #tpu.memory_space<hbm>> -> memref<1x8x128xi32, #tpu.memory_space<hbm>>
    %dma_wait3A_334 = tpu.memref_squeeze %dma_wait3A_333 : memref<1x8x128xi32, #tpu.memory_space<hbm>> -> memref<8x128xi32, #tpu.memory_space<hbm>>
    %dma_wait3A_335 = arith.constant 32 : i32
    %dma_wait3A_336 = arith.constant 0 : i32
    %dma_wait3A_337 = tpu.memref_slice %arg6[%dma_wait3A_335, %dma_wait3A_336] : memref<56x128xi32, #tpu.memory_space<vmem>> -> memref<8x128xi32, #tpu.memory_space<vmem>>
    %dma_wait3A_338 = arith.constant 32 : i32
    %dma_wait3A_339 = tpu.memref_slice %arg2[%dma_wait3A_328, %dma_wait3A_338, %mul3A_2] : memref<5x50x4096xi32, #tpu.memory_space<hbm>> -> memref<1x8x128xi32, #tpu.memory_space<hbm>>
    %dma_wait3A_340 = tpu.memref_squeeze %dma_wait3A_339 : memref<1x8x128xi32, #tpu.memory_space<hbm>> -> memref<8x128xi32, #tpu.memory_space<hbm>>
    tpu.wait_dma2 semaphore(%arg19 : memref<!tpu.dma_semaphore, #tpu.memory_space<semaphore_mem>>) src(%dma_wait3A_340 : memref<8x128xi32, #tpu.memory_space<hbm>>) dst(%dma_wait3A_337 : memref<8x128xi32, #tpu.memory_space<vmem>>)
    %dma_wait3A_341 = arith.constant 2 : i32
    %dma_wait3A_342 = arith.constant 40 : i32
    %dma_wait3A_343 = arith.constant 0 : i32
    %dma_wait3A_344 = tpu.memref_slice %arg6[%dma_wait3A_342, %dma_wait3A_343] : memref<56x128xi32, #tpu.memory_space<vmem>> -> memref<8x128xi32, #tpu.memory_space<vmem>>
    %dma_wait3A_345 = arith.constant 40 : i32
    %dma_wait3A_346 = tpu.memref_slice %arg2[%dma_wait3A_341, %dma_wait3A_345, %mul3A_2] : memref<5x50x4096xi32, #tpu.memory_space<hbm>> -> memref<1x8x128xi32, #tpu.memory_space<hbm>>
    %dma_wait3A_347 = tpu.memref_squeeze %dma_wait3A_346 : memref<1x8x128xi32, #tpu.memory_space<hbm>> -> memref<8x128xi32, #tpu.memory_space<hbm>>
    %dma_wait3A_348 = arith.constant 40 : i32
    %dma_wait3A_349 = arith.constant 0 : i32
    %dma_wait3A_350 = tpu.memref_slice %arg6[%dma_wait3A_348, %dma_wait3A_349] : memref<56x128xi32, #tpu.memory_space<vmem>> -> memref<8x128xi32, #tpu.memory_space<vmem>>
    %dma_wait3A_351 = arith.constant 40 : i32
    %dma_wait3A_352 = tpu.memref_slice %arg2[%dma_wait3A_341, %dma_wait3A_351, %mul3A_2] : memref<5x50x4096xi32, #tpu.memory_space<hbm>> -> memref<1x8x128xi32, #tpu.memory_space<hbm>>
    %dma_wait3A_353 = tpu.memref_squeeze %dma_wait3A_352 : memref<1x8x128xi32, #tpu.memory_space<hbm>> -> memref<8x128xi32, #tpu.memory_space<hbm>>
    tpu.wait_dma2 semaphore(%arg19 : memref<!tpu.dma_semaphore, #tpu.memory_space<semaphore_mem>>) src(%dma_wait3A_353 : memref<8x128xi32, #tpu.memory_space<hbm>>) dst(%dma_wait3A_350 : memref<8x128xi32, #tpu.memory_space<vmem>>)
    %dma_wait3A_354 = arith.constant 2 : i32
    %dma_wait3A_355 = arith.constant 48 : i32
    %dma_wait3A_356 = arith.constant 0 : i32
    %dma_wait3A_357 = tpu.memref_slice %arg6[%dma_wait3A_355, %dma_wait3A_356] : memref<56x128xi32, #tpu.memory_space<vmem>> -> memref<2x128xi32, #tpu.memory_space<vmem>>
    %dma_wait3A_358 = arith.constant 48 : i32
    %dma_wait3A_359 = tpu.memref_slice %arg2[%dma_wait3A_354, %dma_wait3A_358, %mul3A_2] : memref<5x50x4096xi32, #tpu.memory_space<hbm>> -> memref<1x2x128xi32, #tpu.memory_space<hbm>>
    %dma_wait3A_360 = tpu.memref_squeeze %dma_wait3A_359 : memref<1x2x128xi32, #tpu.memory_space<hbm>> -> memref<2x128xi32, #tpu.memory_space<hbm>>
    %dma_wait3A_361 = arith.constant 48 : i32
    %dma_wait3A_362 = arith.constant 0 : i32
    %dma_wait3A_363 = tpu.memref_slice %arg6[%dma_wait3A_361, %dma_wait3A_362] : memref<56x128xi32, #tpu.memory_space<vmem>> -> memref<2x128xi32, #tpu.memory_space<vmem>>
    %dma_wait3A_364 = arith.constant 48 : i32
    %dma_wait3A_365 = tpu.memref_slice %arg2[%dma_wait3A_354, %dma_wait3A_364, %mul3A_2] : memref<5x50x4096xi32, #tpu.memory_space<hbm>> -> memref<1x2x128xi32, #tpu.memory_space<hbm>>
    %dma_wait3A_366 = tpu.memref_squeeze %dma_wait3A_365 : memref<1x2x128xi32, #tpu.memory_space<hbm>> -> memref<2x128xi32, #tpu.memory_space<hbm>>
    tpu.wait_dma2 semaphore(%arg19 : memref<!tpu.dma_semaphore, #tpu.memory_space<semaphore_mem>>) src(%dma_wait3A_366 : memref<2x128xi32, #tpu.memory_space<hbm>>) dst(%dma_wait3A_363 : memref<2x128xi32, #tpu.memory_space<vmem>>)
    %dma_wait3A_367 = arith.constant 2 : i32
    %dma_wait3A_368 = arith.constant 0 : i32
    %dma_wait3A_369 = arith.constant 0 : i32
    %dma_wait3A_370 = tpu.memref_slice %arg7[%dma_wait3A_368, %dma_wait3A_369] : memref<56x128xi32, #tpu.memory_space<vmem>> -> memref<8x128xi32, #tpu.memory_space<vmem>>
    %dma_wait3A_371 = arith.constant 0 : i32
    %dma_wait3A_372 = tpu.memref_slice %arg2[%dma_wait3A_367, %dma_wait3A_371, %mul3A_2] : memref<5x50x4096xi32, #tpu.memory_space<hbm>> -> memref<1x8x128xi32, #tpu.memory_space<hbm>>
    %dma_wait3A_373 = tpu.memref_squeeze %dma_wait3A_372 : memref<1x8x128xi32, #tpu.memory_space<hbm>> -> memref<8x128xi32, #tpu.memory_space<hbm>>
    %dma_wait3A_374 = arith.constant 0 : i32
    %dma_wait3A_375 = arith.constant 0 : i32
    %dma_wait3A_376 = tpu.memref_slice %arg7[%dma_wait3A_374, %dma_wait3A_375] : memref<56x128xi32, #tpu.memory_space<vmem>> -> memref<8x128xi32, #tpu.memory_space<vmem>>
    %dma_wait3A_377 = arith.constant 0 : i32
    %dma_wait3A_378 = tpu.memref_slice %arg2[%dma_wait3A_367, %dma_wait3A_377, %mul3A_2] : memref<5x50x4096xi32, #tpu.memory_space<hbm>> -> memref<1x8x128xi32, #tpu.memory_space<hbm>>
    %dma_wait3A_379 = tpu.memref_squeeze %dma_wait3A_378 : memref<1x8x128xi32, #tpu.memory_space<hbm>> -> memref<8x128xi32, #tpu.memory_space<hbm>>
    tpu.wait_dma2 semaphore(%arg19 : memref<!tpu.dma_semaphore, #tpu.memory_space<semaphore_mem>>) src(%dma_wait3A_379 : memref<8x128xi32, #tpu.memory_space<hbm>>) dst(%dma_wait3A_376 : memref<8x128xi32, #tpu.memory_space<vmem>>)
    %dma_wait3A_380 = arith.constant 2 : i32
    %dma_wait3A_381 = arith.constant 8 : i32
    %dma_wait3A_382 = arith.constant 0 : i32
    %dma_wait3A_383 = tpu.memref_slice %arg7[%dma_wait3A_381, %dma_wait3A_382] : memref<56x128xi32, #tpu.memory_space<vmem>> -> memref<8x128xi32, #tpu.memory_space<vmem>>
    %dma_wait3A_384 = arith.constant 8 : i32
    %dma_wait3A_385 = tpu.memref_slice %arg2[%dma_wait3A_380, %dma_wait3A_384, %mul3A_2] : memref<5x50x4096xi32, #tpu.memory_space<hbm>> -> memref<1x8x128xi32, #tpu.memory_space<hbm>>
    %dma_wait3A_386 = tpu.memref_squeeze %dma_wait3A_385 : memref<1x8x128xi32, #tpu.memory_space<hbm>> -> memref<8x128xi32, #tpu.memory_space<hbm>>
    %dma_wait3A_387 = arith.constant 8 : i32
    %dma_wait3A_388 = arith.constant 0 : i32
    %dma_wait3A_389 = tpu.memref_slice %arg7[%dma_wait3A_387, %dma_wait3A_388] : memref<56x128xi32, #tpu.memory_space<vmem>> -> memref<8x128xi32, #tpu.memory_space<vmem>>
    %dma_wait3A_390 = arith.constant 8 : i32
    %dma_wait3A_391 = tpu.memref_slice %arg2[%dma_wait3A_380, %dma_wait3A_390, %mul3A_2] : memref<5x50x4096xi32, #tpu.memory_space<hbm>> -> memref<1x8x128xi32, #tpu.memory_space<hbm>>
    %dma_wait3A_392 = tpu.memref_squeeze %dma_wait3A_391 : memref<1x8x128xi32, #tpu.memory_space<hbm>> -> memref<8x128xi32, #tpu.memory_space<hbm>>
    tpu.wait_dma2 semaphore(%arg19 : memref<!tpu.dma_semaphore, #tpu.memory_space<semaphore_mem>>) src(%dma_wait3A_392 : memref<8x128xi32, #tpu.memory_space<hbm>>) dst(%dma_wait3A_389 : memref<8x128xi32, #tpu.memory_space<vmem>>)
    %dma_wait3A_393 = arith.constant 2 : i32
    %dma_wait3A_394 = arith.constant 16 : i32
    %dma_wait3A_395 = arith.constant 0 : i32
    %dma_wait3A_396 = tpu.memref_slice %arg7[%dma_wait3A_394, %dma_wait3A_395] : memref<56x128xi32, #tpu.memory_space<vmem>> -> memref<8x128xi32, #tpu.memory_space<vmem>>
    %dma_wait3A_397 = arith.constant 16 : i32
    %dma_wait3A_398 = tpu.memref_slice %arg2[%dma_wait3A_393, %dma_wait3A_397, %mul3A_2] : memref<5x50x4096xi32, #tpu.memory_space<hbm>> -> memref<1x8x128xi32, #tpu.memory_space<hbm>>
    %dma_wait3A_399 = tpu.memref_squeeze %dma_wait3A_398 : memref<1x8x128xi32, #tpu.memory_space<hbm>> -> memref<8x128xi32, #tpu.memory_space<hbm>>
    %dma_wait3A_400 = arith.constant 16 : i32
    %dma_wait3A_401 = arith.constant 0 : i32
    %dma_wait3A_402 = tpu.memref_slice %arg7[%dma_wait3A_400, %dma_wait3A_401] : memref<56x128xi32, #tpu.memory_space<vmem>> -> memref<8x128xi32, #tpu.memory_space<vmem>>
    %dma_wait3A_403 = arith.constant 16 : i32
    %dma_wait3A_404 = tpu.memref_slice %arg2[%dma_wait3A_393, %dma_wait3A_403, %mul3A_2] : memref<5x50x4096xi32, #tpu.memory_space<hbm>> -> memref<1x8x128xi32, #tpu.memory_space<hbm>>
    %dma_wait3A_405 = tpu.memref_squeeze %dma_wait3A_404 : memref<1x8x128xi32, #tpu.memory_space<hbm>> -> memref<8x128xi32, #tpu.memory_space<hbm>>
    tpu.wait_dma2 semaphore(%arg19 : memref<!tpu.dma_semaphore, #tpu.memory_space<semaphore_mem>>) src(%dma_wait3A_405 : memref<8x128xi32, #tpu.memory_space<hbm>>) dst(%dma_wait3A_402 : memref<8x128xi32, #tpu.memory_space<vmem>>)
    %dma_wait3A_406 = arith.constant 2 : i32
    %dma_wait3A_407 = arith.constant 24 : i32
    %dma_wait3A_408 = arith.constant 0 : i32
    %dma_wait3A_409 = tpu.memref_slice %arg7[%dma_wait3A_407, %dma_wait3A_408] : memref<56x128xi32, #tpu.memory_space<vmem>> -> memref<8x128xi32, #tpu.memory_space<vmem>>
    %dma_wait3A_410 = arith.constant 24 : i32
    %dma_wait3A_411 = tpu.memref_slice %arg2[%dma_wait3A_406, %dma_wait3A_410, %mul3A_2] : memref<5x50x4096xi32, #tpu.memory_space<hbm>> -> memref<1x8x128xi32, #tpu.memory_space<hbm>>
    %dma_wait3A_412 = tpu.memref_squeeze %dma_wait3A_411 : memref<1x8x128xi32, #tpu.memory_space<hbm>> -> memref<8x128xi32, #tpu.memory_space<hbm>>
    %dma_wait3A_413 = arith.constant 24 : i32
    %dma_wait3A_414 = arith.constant 0 : i32
    %dma_wait3A_415 = tpu.memref_slice %arg7[%dma_wait3A_413, %dma_wait3A_414] : memref<56x128xi32, #tpu.memory_space<vmem>> -> memref<8x128xi32, #tpu.memory_space<vmem>>
    %dma_wait3A_416 = arith.constant 24 : i32
    %dma_wait3A_417 = tpu.memref_slice %arg2[%dma_wait3A_406, %dma_wait3A_416, %mul3A_2] : memref<5x50x4096xi32, #tpu.memory_space<hbm>> -> memref<1x8x128xi32, #tpu.memory_space<hbm>>
    %dma_wait3A_418 = tpu.memref_squeeze %dma_wait3A_417 : memref<1x8x128xi32, #tpu.memory_space<hbm>> -> memref<8x128xi32, #tpu.memory_space<hbm>>
    tpu.wait_dma2 semaphore(%arg19 : memref<!tpu.dma_semaphore, #tpu.memory_space<semaphore_mem>>) src(%dma_wait3A_418 : memref<8x128xi32, #tpu.memory_space<hbm>>) dst(%dma_wait3A_415 : memref<8x128xi32, #tpu.memory_space<vmem>>)
    %dma_wait3A_419 = arith.constant 2 : i32
    %dma_wait3A_420 = arith.constant 32 : i32
    %dma_wait3A_421 = arith.constant 0 : i32
    %dma_wait3A_422 = tpu.memref_slice %arg7[%dma_wait3A_420, %dma_wait3A_421] : memref<56x128xi32, #tpu.memory_space<vmem>> -> memref<8x128xi32, #tpu.memory_space<vmem>>
    %dma_wait3A_423 = arith.constant 32 : i32
    %dma_wait3A_424 = tpu.memref_slice %arg2[%dma_wait3A_419, %dma_wait3A_423, %mul3A_2] : memref<5x50x4096xi32, #tpu.memory_space<hbm>> -> memref<1x8x128xi32, #tpu.memory_space<hbm>>
    %dma_wait3A_425 = tpu.memref_squeeze %dma_wait3A_424 : memref<1x8x128xi32, #tpu.memory_space<hbm>> -> memref<8x128xi32, #tpu.memory_space<hbm>>
    %dma_wait3A_426 = arith.constant 32 : i32
    %dma_wait3A_427 = arith.constant 0 : i32
    %dma_wait3A_428 = tpu.memref_slice %arg7[%dma_wait3A_426, %dma_wait3A_427] : memref<56x128xi32, #tpu.memory_space<vmem>> -> memref<8x128xi32, #tpu.memory_space<vmem>>
    %dma_wait3A_429 = arith.constant 32 : i32
    %dma_wait3A_430 = tpu.memref_slice %arg2[%dma_wait3A_419, %dma_wait3A_429, %mul3A_2] : memref<5x50x4096xi32, #tpu.memory_space<hbm>> -> memref<1x8x128xi32, #tpu.memory_space<hbm>>
    %dma_wait3A_431 = tpu.memref_squeeze %dma_wait3A_430 : memref<1x8x128xi32, #tpu.memory_space<hbm>> -> memref<8x128xi32, #tpu.memory_space<hbm>>
    tpu.wait_dma2 semaphore(%arg19 : memref<!tpu.dma_semaphore, #tpu.memory_space<semaphore_mem>>) src(%dma_wait3A_431 : memref<8x128xi32, #tpu.memory_space<hbm>>) dst(%dma_wait3A_428 : memref<8x128xi32, #tpu.memory_space<vmem>>)
    %dma_wait3A_432 = arith.constant 2 : i32
    %dma_wait3A_433 = arith.constant 40 : i32
    %dma_wait3A_434 = arith.constant 0 : i32
    %dma_wait3A_435 = tpu.memref_slice %arg7[%dma_wait3A_433, %dma_wait3A_434] : memref<56x128xi32, #tpu.memory_space<vmem>> -> memref<8x128xi32, #tpu.memory_space<vmem>>
    %dma_wait3A_436 = arith.constant 40 : i32
    %dma_wait3A_437 = tpu.memref_slice %arg2[%dma_wait3A_432, %dma_wait3A_436, %mul3A_2] : memref<5x50x4096xi32, #tpu.memory_space<hbm>> -> memref<1x8x128xi32, #tpu.memory_space<hbm>>
    %dma_wait3A_438 = tpu.memref_squeeze %dma_wait3A_437 : memref<1x8x128xi32, #tpu.memory_space<hbm>> -> memref<8x128xi32, #tpu.memory_space<hbm>>
    %dma_wait3A_439 = arith.constant 40 : i32
    %dma_wait3A_440 = arith.constant 0 : i32
    %dma_wait3A_441 = tpu.memref_slice %arg7[%dma_wait3A_439, %dma_wait3A_440] : memref<56x128xi32, #tpu.memory_space<vmem>> -> memref<8x128xi32, #tpu.memory_space<vmem>>
    %dma_wait3A_442 = arith.constant 40 : i32
    %dma_wait3A_443 = tpu.memref_slice %arg2[%dma_wait3A_432, %dma_wait3A_442, %mul3A_2] : memref<5x50x4096xi32, #tpu.memory_space<hbm>> -> memref<1x8x128xi32, #tpu.memory_space<hbm>>
    %dma_wait3A_444 = tpu.memref_squeeze %dma_wait3A_443 : memref<1x8x128xi32, #tpu.memory_space<hbm>> -> memref<8x128xi32, #tpu.memory_space<hbm>>
    tpu.wait_dma2 semaphore(%arg19 : memref<!tpu.dma_semaphore, #tpu.memory_space<semaphore_mem>>) src(%dma_wait3A_444 : memref<8x128xi32, #tpu.memory_space<hbm>>) dst(%dma_wait3A_441 : memref<8x128xi32, #tpu.memory_space<vmem>>)
    %dma_wait3A_445 = arith.constant 2 : i32
    %dma_wait3A_446 = arith.constant 48 : i32
    %dma_wait3A_447 = arith.constant 0 : i32
    %dma_wait3A_448 = tpu.memref_slice %arg7[%dma_wait3A_446, %dma_wait3A_447] : memref<56x128xi32, #tpu.memory_space<vmem>> -> memref<2x128xi32, #tpu.memory_space<vmem>>
    %dma_wait3A_449 = arith.constant 48 : i32
    %dma_wait3A_450 = tpu.memref_slice %arg2[%dma_wait3A_445, %dma_wait3A_449, %mul3A_2] : memref<5x50x4096xi32, #tpu.memory_space<hbm>> -> memref<1x2x128xi32, #tpu.memory_space<hbm>>
    %dma_wait3A_451 = tpu.memref_squeeze %dma_wait3A_450 : memref<1x2x128xi32, #tpu.memory_space<hbm>> -> memref<2x128xi32, #tpu.memory_space<hbm>>
    %dma_wait3A_452 = arith.constant 48 : i32
    %dma_wait3A_453 = arith.constant 0 : i32
    %dma_wait3A_454 = tpu.memref_slice %arg7[%dma_wait3A_452, %dma_wait3A_453] : memref<56x128xi32, #tpu.memory_space<vmem>> -> memref<2x128xi32, #tpu.memory_space<vmem>>
    %dma_wait3A_455 = arith.constant 48 : i32
    %dma_wait3A_456 = tpu.memref_slice %arg2[%dma_wait3A_445, %dma_wait3A_455, %mul3A_2] : memref<5x50x4096xi32, #tpu.memory_space<hbm>> -> memref<1x2x128xi32, #tpu.memory_space<hbm>>
    %dma_wait3A_457 = tpu.memref_squeeze %dma_wait3A_456 : memref<1x2x128xi32, #tpu.memory_space<hbm>> -> memref<2x128xi32, #tpu.memory_space<hbm>>
    tpu.wait_dma2 semaphore(%arg19 : memref<!tpu.dma_semaphore, #tpu.memory_space<semaphore_mem>>) src(%dma_wait3A_457 : memref<2x128xi32, #tpu.memory_space<hbm>>) dst(%dma_wait3A_454 : memref<2x128xi32, #tpu.memory_space<vmem>>)
    %dma_wait3A_458 = arith.constant 2 : i32
    %dma_wait3A_459 = arith.constant 0 : i32
    %dma_wait3A_460 = arith.constant 0 : i32
    %dma_wait3A_461 = tpu.memref_slice %arg8[%dma_wait3A_459, %dma_wait3A_460] : memref<56x128xi32, #tpu.memory_space<vmem>> -> memref<8x128xi32, #tpu.memory_space<vmem>>
    %dma_wait3A_462 = arith.constant 0 : i32
    %dma_wait3A_463 = tpu.memref_slice %arg2[%dma_wait3A_458, %dma_wait3A_462, %mul3A_2] : memref<5x50x4096xi32, #tpu.memory_space<hbm>> -> memref<1x8x128xi32, #tpu.memory_space<hbm>>
    %dma_wait3A_464 = tpu.memref_squeeze %dma_wait3A_463 : memref<1x8x128xi32, #tpu.memory_space<hbm>> -> memref<8x128xi32, #tpu.memory_space<hbm>>
    %dma_wait3A_465 = arith.constant 0 : i32
    %dma_wait3A_466 = arith.constant 0 : i32
    %dma_wait3A_467 = tpu.memref_slice %arg8[%dma_wait3A_465, %dma_wait3A_466] : memref<56x128xi32, #tpu.memory_space<vmem>> -> memref<8x128xi32, #tpu.memory_space<vmem>>
    %dma_wait3A_468 = arith.constant 0 : i32
    %dma_wait3A_469 = tpu.memref_slice %arg2[%dma_wait3A_458, %dma_wait3A_468, %mul3A_2] : memref<5x50x4096xi32, #tpu.memory_space<hbm>> -> memref<1x8x128xi32, #tpu.memory_space<hbm>>
    %dma_wait3A_470 = tpu.memref_squeeze %dma_wait3A_469 : memref<1x8x128xi32, #tpu.memory_space<hbm>> -> memref<8x128xi32, #tpu.memory_space<hbm>>
    tpu.wait_dma2 semaphore(%arg19 : memref<!tpu.dma_semaphore, #tpu.memory_space<semaphore_mem>>) src(%dma_wait3A_470 : memref<8x128xi32, #tpu.memory_space<hbm>>) dst(%dma_wait3A_467 : memref<8x128xi32, #tpu.memory_space<vmem>>)
    %dma_wait3A_471 = arith.constant 2 : i32
    %dma_wait3A_472 = arith.constant 8 : i32
    %dma_wait3A_473 = arith.constant 0 : i32
    %dma_wait3A_474 = tpu.memref_slice %arg8[%dma_wait3A_472, %dma_wait3A_473] : memref<56x128xi32, #tpu.memory_space<vmem>> -> memref<8x128xi32, #tpu.memory_space<vmem>>
    %dma_wait3A_475 = arith.constant 8 : i32
    %dma_wait3A_476 = tpu.memref_slice %arg2[%dma_wait3A_471, %dma_wait3A_475, %mul3A_2] : memref<5x50x4096xi32, #tpu.memory_space<hbm>> -> memref<1x8x128xi32, #tpu.memory_space<hbm>>
    %dma_wait3A_477 = tpu.memref_squeeze %dma_wait3A_476 : memref<1x8x128xi32, #tpu.memory_space<hbm>> -> memref<8x128xi32, #tpu.memory_space<hbm>>
    %dma_wait3A_478 = arith.constant 8 : i32
    %dma_wait3A_479 = arith.constant 0 : i32
    %dma_wait3A_480 = tpu.memref_slice %arg8[%dma_wait3A_478, %dma_wait3A_479] : memref<56x128xi32, #tpu.memory_space<vmem>> -> memref<8x128xi32, #tpu.memory_space<vmem>>
    %dma_wait3A_481 = arith.constant 8 : i32
    %dma_wait3A_482 = tpu.memref_slice %arg2[%dma_wait3A_471, %dma_wait3A_481, %mul3A_2] : memref<5x50x4096xi32, #tpu.memory_space<hbm>> -> memref<1x8x128xi32, #tpu.memory_space<hbm>>
    %dma_wait3A_483 = tpu.memref_squeeze %dma_wait3A_482 : memref<1x8x128xi32, #tpu.memory_space<hbm>> -> memref<8x128xi32, #tpu.memory_space<hbm>>
    tpu.wait_dma2 semaphore(%arg19 : memref<!tpu.dma_semaphore, #tpu.memory_space<semaphore_mem>>) src(%dma_wait3A_483 : memref<8x128xi32, #tpu.memory_space<hbm>>) dst(%dma_wait3A_480 : memref<8x128xi32, #tpu.memory_space<vmem>>)
    %dma_wait3A_484 = arith.constant 2 : i32
    %dma_wait3A_485 = arith.constant 16 : i32
    %dma_wait3A_486 = arith.constant 0 : i32
    %dma_wait3A_487 = tpu.memref_slice %arg8[%dma_wait3A_485, %dma_wait3A_486] : memref<56x128xi32, #tpu.memory_space<vmem>> -> memref<8x128xi32, #tpu.memory_space<vmem>>
    %dma_wait3A_488 = arith.constant 16 : i32
    %dma_wait3A_489 = tpu.memref_slice %arg2[%dma_wait3A_484, %dma_wait3A_488, %mul3A_2] : memref<5x50x4096xi32, #tpu.memory_space<hbm>> -> memref<1x8x128xi32, #tpu.memory_space<hbm>>
    %dma_wait3A_490 = tpu.memref_squeeze %dma_wait3A_489 : memref<1x8x128xi32, #tpu.memory_space<hbm>> -> memref<8x128xi32, #tpu.memory_space<hbm>>
    %dma_wait3A_491 = arith.constant 16 : i32
    %dma_wait3A_492 = arith.constant 0 : i32
    %dma_wait3A_493 = tpu.memref_slice %arg8[%dma_wait3A_491, %dma_wait3A_492] : memref<56x128xi32, #tpu.memory_space<vmem>> -> memref<8x128xi32, #tpu.memory_space<vmem>>
    %dma_wait3A_494 = arith.constant 16 : i32
    %dma_wait3A_495 = tpu.memref_slice %arg2[%dma_wait3A_484, %dma_wait3A_494, %mul3A_2] : memref<5x50x4096xi32, #tpu.memory_space<hbm>> -> memref<1x8x128xi32, #tpu.memory_space<hbm>>
    %dma_wait3A_496 = tpu.memref_squeeze %dma_wait3A_495 : memref<1x8x128xi32, #tpu.memory_space<hbm>> -> memref<8x128xi32, #tpu.memory_space<hbm>>
    tpu.wait_dma2 semaphore(%arg19 : memref<!tpu.dma_semaphore, #tpu.memory_space<semaphore_mem>>) src(%dma_wait3A_496 : memref<8x128xi32, #tpu.memory_space<hbm>>) dst(%dma_wait3A_493 : memref<8x128xi32, #tpu.memory_space<vmem>>)
    %dma_wait3A_497 = arith.constant 2 : i32
    %dma_wait3A_498 = arith.constant 24 : i32
    %dma_wait3A_499 = arith.constant 0 : i32
    %dma_wait3A_500 = tpu.memref_slice %arg8[%dma_wait3A_498, %dma_wait3A_499] : memref<56x128xi32, #tpu.memory_space<vmem>> -> memref<8x128xi32, #tpu.memory_space<vmem>>
    %dma_wait3A_501 = arith.constant 24 : i32
    %dma_wait3A_502 = tpu.memref_slice %arg2[%dma_wait3A_497, %dma_wait3A_501, %mul3A_2] : memref<5x50x4096xi32, #tpu.memory_space<hbm>> -> memref<1x8x128xi32, #tpu.memory_space<hbm>>
    %dma_wait3A_503 = tpu.memref_squeeze %dma_wait3A_502 : memref<1x8x128xi32, #tpu.memory_space<hbm>> -> memref<8x128xi32, #tpu.memory_space<hbm>>
    %dma_wait3A_504 = arith.constant 24 : i32
    %dma_wait3A_505 = arith.constant 0 : i32
    %dma_wait3A_506 = tpu.memref_slice %arg8[%dma_wait3A_504, %dma_wait3A_505] : memref<56x128xi32, #tpu.memory_space<vmem>> -> memref<8x128xi32, #tpu.memory_space<vmem>>
    %dma_wait3A_507 = arith.constant 24 : i32
    %dma_wait3A_508 = tpu.memref_slice %arg2[%dma_wait3A_497, %dma_wait3A_507, %mul3A_2] : memref<5x50x4096xi32, #tpu.memory_space<hbm>> -> memref<1x8x128xi32, #tpu.memory_space<hbm>>
    %dma_wait3A_509 = tpu.memref_squeeze %dma_wait3A_508 : memref<1x8x128xi32, #tpu.memory_space<hbm>> -> memref<8x128xi32, #tpu.memory_space<hbm>>
    tpu.wait_dma2 semaphore(%arg19 : memref<!tpu.dma_semaphore, #tpu.memory_space<semaphore_mem>>) src(%dma_wait3A_509 : memref<8x128xi32, #tpu.memory_space<hbm>>) dst(%dma_wait3A_506 : memref<8x128xi32, #tpu.memory_space<vmem>>)
    %dma_wait3A_510 = arith.constant 2 : i32
    %dma_wait3A_511 = arith.constant 32 : i32
    %dma_wait3A_512 = arith.constant 0 : i32
    %dma_wait3A_513 = tpu.memref_slice %arg8[%dma_wait3A_511, %dma_wait3A_512] : memref<56x128xi32, #tpu.memory_space<vmem>> -> memref<8x128xi32, #tpu.memory_space<vmem>>
    %dma_wait3A_514 = arith.constant 32 : i32
    %dma_wait3A_515 = tpu.memref_slice %arg2[%dma_wait3A_510, %dma_wait3A_514, %mul3A_2] : memref<5x50x4096xi32, #tpu.memory_space<hbm>> -> memref<1x8x128xi32, #tpu.memory_space<hbm>>
    %dma_wait3A_516 = tpu.memref_squeeze %dma_wait3A_515 : memref<1x8x128xi32, #tpu.memory_space<hbm>> -> memref<8x128xi32, #tpu.memory_space<hbm>>
    %dma_wait3A_517 = arith.constant 32 : i32
    %dma_wait3A_518 = arith.constant 0 : i32
    %dma_wait3A_519 = tpu.memref_slice %arg8[%dma_wait3A_517, %dma_wait3A_518] : memref<56x128xi32, #tpu.memory_space<vmem>> -> memref<8x128xi32, #tpu.memory_space<vmem>>
    %dma_wait3A_520 = arith.constant 32 : i32
    %dma_wait3A_521 = tpu.memref_slice %arg2[%dma_wait3A_510, %dma_wait3A_520, %mul3A_2] : memref<5x50x4096xi32, #tpu.memory_space<hbm>> -> memref<1x8x128xi32, #tpu.memory_space<hbm>>
    %dma_wait3A_522 = tpu.memref_squeeze %dma_wait3A_521 : memref<1x8x128xi32, #tpu.memory_space<hbm>> -> memref<8x128xi32, #tpu.memory_space<hbm>>
    tpu.wait_dma2 semaphore(%arg19 : memref<!tpu.dma_semaphore, #tpu.memory_space<semaphore_mem>>) src(%dma_wait3A_522 : memref<8x128xi32, #tpu.memory_space<hbm>>) dst(%dma_wait3A_519 : memref<8x128xi32, #tpu.memory_space<vmem>>)
    %dma_wait3A_523 = arith.constant 2 : i32
    %dma_wait3A_524 = arith.constant 40 : i32
    %dma_wait3A_525 = arith.constant 0 : i32
    %dma_wait3A_526 = tpu.memref_slice %arg8[%dma_wait3A_524, %dma_wait3A_525] : memref<56x128xi32, #tpu.memory_space<vmem>> -> memref<8x128xi32, #tpu.memory_space<vmem>>
    %dma_wait3A_527 = arith.constant 40 : i32
    %dma_wait3A_528 = tpu.memref_slice %arg2[%dma_wait3A_523, %dma_wait3A_527, %mul3A_2] : memref<5x50x4096xi32, #tpu.memory_space<hbm>> -> memref<1x8x128xi32, #tpu.memory_space<hbm>>
    %dma_wait3A_529 = tpu.memref_squeeze %dma_wait3A_528 : memref<1x8x128xi32, #tpu.memory_space<hbm>> -> memref<8x128xi32, #tpu.memory_space<hbm>>
    %dma_wait3A_530 = arith.constant 40 : i32
    %dma_wait3A_531 = arith.constant 0 : i32
    %dma_wait3A_532 = tpu.memref_slice %arg8[%dma_wait3A_530, %dma_wait3A_531] : memref<56x128xi32, #tpu.memory_space<vmem>> -> memref<8x128xi32, #tpu.memory_space<vmem>>
    %dma_wait3A_533 = arith.constant 40 : i32
    %dma_wait3A_534 = tpu.memref_slice %arg2[%dma_wait3A_523, %dma_wait3A_533, %mul3A_2] : memref<5x50x4096xi32, #tpu.memory_space<hbm>> -> memref<1x8x128xi32, #tpu.memory_space<hbm>>
    %dma_wait3A_535 = tpu.memref_squeeze %dma_wait3A_534 : memref<1x8x128xi32, #tpu.memory_space<hbm>> -> memref<8x128xi32, #tpu.memory_space<hbm>>
    tpu.wait_dma2 semaphore(%arg19 : memref<!tpu.dma_semaphore, #tpu.memory_space<semaphore_mem>>) src(%dma_wait3A_535 : memref<8x128xi32, #tpu.memory_space<hbm>>) dst(%dma_wait3A_532 : memref<8x128xi32, #tpu.memory_space<vmem>>)
    %dma_wait3A_536 = arith.constant 2 : i32
    %dma_wait3A_537 = arith.constant 48 : i32
    %dma_wait3A_538 = arith.constant 0 : i32
    %dma_wait3A_539 = tpu.memref_slice %arg8[%dma_wait3A_537, %dma_wait3A_538] : memref<56x128xi32, #tpu.memory_space<vmem>> -> memref<2x128xi32, #tpu.memory_space<vmem>>
    %dma_wait3A_540 = arith.constant 48 : i32
    %dma_wait3A_541 = tpu.memref_slice %arg2[%dma_wait3A_536, %dma_wait3A_540, %mul3A_2] : memref<5x50x4096xi32, #tpu.memory_space<hbm>> -> memref<1x2x128xi32, #tpu.memory_space<hbm>>
    %dma_wait3A_542 = tpu.memref_squeeze %dma_wait3A_541 : memref<1x2x128xi32, #tpu.memory_space<hbm>> -> memref<2x128xi32, #tpu.memory_space<hbm>>
    %dma_wait3A_543 = arith.constant 48 : i32
    %dma_wait3A_544 = arith.constant 0 : i32
    %dma_wait3A_545 = tpu.memref_slice %arg8[%dma_wait3A_543, %dma_wait3A_544] : memref<56x128xi32, #tpu.memory_space<vmem>> -> memref<2x128xi32, #tpu.memory_space<vmem>>
    %dma_wait3A_546 = arith.constant 48 : i32
    %dma_wait3A_547 = tpu.memref_slice %arg2[%dma_wait3A_536, %dma_wait3A_546, %mul3A_2] : memref<5x50x4096xi32, #tpu.memory_space<hbm>> -> memref<1x2x128xi32, #tpu.memory_space<hbm>>
    %dma_wait3A_548 = tpu.memref_squeeze %dma_wait3A_547 : memref<1x2x128xi32, #tpu.memory_space<hbm>> -> memref<2x128xi32, #tpu.memory_space<hbm>>
    tpu.wait_dma2 semaphore(%arg19 : memref<!tpu.dma_semaphore, #tpu.memory_space<semaphore_mem>>) src(%dma_wait3A_548 : memref<2x128xi32, #tpu.memory_space<hbm>>) dst(%dma_wait3A_545 : memref<2x128xi32, #tpu.memory_space<vmem>>)
    %scan3A = arith.constant 0 : i32
    %scan3A_549 = arith.constant 0 : i32
    %scan3A_550 = arith.constant 10 : i32
    %scan3A_551 = arith.addi %scan3A_549, %scan3A_550 : i32
    %scan3A_552 = arith.constant 1 : i32
    scf.for %scan3A_593 = %scan3A_549 to %scan3A_551 step %scan3A_552  : i32 {
      %mul3A_594 = arith.constant 5 : i32
      %mul3A_595 = arith.muli %scan3A_593, %mul3A_594 : i32
      %add3A_596 = arith.constant 0 : i32
      %add3A_597 = arith.addi %mul3A_595, %add3A_596 : i32
      %gt3A = arith.constant 0 : i32
      %gt3A_598 = arith.cmpi sgt, %scan3A_593, %gt3A : i32
      %convert_element_type3A_599 = arith.extui %gt3A_598 : i1 to i32
      %cond3A_600 = arith.constant 0 : i32
      %cond3A_601 = arith.cmpi ne, %convert_element_type3A_599, %cond3A_600 : i32
      scf.if %cond3A_601 {
        %dma_wait3A_735 = arith.constant 0 : i32
        %dma_wait3A_736 = arith.constant 0 : i32
        %dma_wait3A_737 = tpu.memref_slice %arg4[%dma_wait3A_735, %dma_wait3A_736] : memref<204800x128xf32, #tpu.memory_space<hbm>> -> memref<128x128xf32, #tpu.memory_space<hbm>>
        %dma_wait3A_738 = arith.constant 0 : i32
        %dma_wait3A_739 = arith.constant 0 : i32
        %dma_wait3A_740 = tpu.memref_slice %arg4[%dma_wait3A_738, %dma_wait3A_739] : memref<204800x128xf32, #tpu.memory_space<hbm>> -> memref<128x128xf32, #tpu.memory_space<hbm>>
        tpu.wait_dma2 semaphore(%arg21 : memref<!tpu.dma_semaphore, #tpu.memory_space<semaphore_mem>>) src(%arg14 : memref<128x128xf32, #tpu.memory_space<vmem>>) dst(%dma_wait3A_740 : memref<128x128xf32, #tpu.memory_space<hbm>>)
      } else {
      }
      %scan3A_602 = arith.constant 0 : i32
      %scan3A_603 = arith.constant 0 : i32
      %scan3A_604 = arith.constant 8 : i32
      %scan3A_605 = arith.addi %scan3A_603, %scan3A_604 : i32
      %scan3A_606 = arith.constant 1 : i32
      scf.for %scan3A_735 = %scan3A_603 to %scan3A_605 step %scan3A_606  : i32 {
        %mul3A_736 = arith.constant 16 : i32
        %mul3A_737 = arith.muli %scan3A_735, %mul3A_736 : i32
        %get3A = arith.index_cast %add3A_597 : i32 to index
        %get3A_738 = arith.index_cast %mul3A_737 : i32 to index
        %get3A_739 = tpu.vector_load %arg6[%get3A, %get3A_738] {strides = array<i32>} : memref<56x128xi32, #tpu.memory_space<vmem>>, vector<1x16xi32>,
        %get3A_740 = vector.shape_cast %get3A_739 : vector<1x16xi32> to vector<16xi32>
        %mul3A_741 = arith.constant 16 : i32
        %mul3A_742 = arith.muli %scan3A_735, %mul3A_741 : i32
        %get3A_743 = arith.index_cast %add3A_597 : i32 to index
        %get3A_744 = arith.index_cast %mul3A_742 : i32 to index
        %get3A_745 = tpu.vector_load %arg7[%get3A_743, %get3A_744] {strides = array<i32>} : memref<56x128xi32, #tpu.memory_space<vmem>>, vector<1x16xi32>,
        %get3A_746 = vector.shape_cast %get3A_745 : vector<1x16xi32> to vector<16xi32>
        %mul3A_747 = arith.constant 16 : i32
        %mul3A_748 = arith.muli %scan3A_735, %mul3A_747 : i32
        %get3A_749 = arith.index_cast %add3A_597 : i32 to index
        %get3A_750 = arith.index_cast %mul3A_748 : i32 to index
        %get3A_751 = tpu.vector_load %arg8[%get3A_749, %get3A_750] {strides = array<i32>} : memref<56x128xi32, #tpu.memory_space<vmem>>, vector<1x16xi32>,
        %get3A_752 = vector.shape_cast %get3A_751 : vector<1x16xi32> to vector<16xi32>
        %rem3A = arith.constant 24 : i32
        %rem3A_753 = vector.broadcast %rem3A : i32 to vector<16xi32>
        %rem3A_754 = arith.remsi %get3A_746, %rem3A_753 : vector<16xi32>
        %mul3A_755 = arith.constant 60 : i32
        %mul3A_756 = vector.broadcast %mul3A_755 : i32 to vector<16xi32>
        %mul3A_757 = arith.muli %rem3A_754, %mul3A_756 : vector<16xi32>
        %rem3A_758 = arith.constant 60 : i32
        %rem3A_759 = vector.broadcast %rem3A_758 : i32 to vector<16xi32>
        %rem3A_760 = arith.remsi %get3A_752, %rem3A_759 : vector<16xi32>
        %add3A_761 = arith.addi %mul3A_757, %rem3A_760 : vector<16xi32>
        %div3A = arith.constant 5 : i32
        %div3A_762 = vector.broadcast %div3A : i32 to vector<16xi32>
        %div3A_763 = arith.divsi %add3A_761, %div3A_762 : vector<16xi32>
        %rem3A_764 = arith.constant 7 : i32
        %rem3A_765 = vector.broadcast %rem3A_764 : i32 to vector<16xi32>
        %rem3A_766 = arith.remsi %get3A_740, %rem3A_765 : vector<16xi32>
        %mul3A_767 = arith.constant 288 : i32
        %mul3A_768 = vector.broadcast %mul3A_767 : i32 to vector<16xi32>
        %mul3A_769 = arith.muli %rem3A_766, %mul3A_768 : vector<16xi32>
        %add3A_770 = arith.addi %mul3A_769, %div3A_763 : vector<16xi32>
        %mul3A_771 = arith.constant 16 : i32
        %mul3A_772 = arith.muli %scan3A_735, %mul3A_771 : i32
        %swap3A = arith.index_cast %mul3A_772 : i32 to index
        %swap3A_773 = tpu.vector_load %arg9[%swap3A] {strides = array<i32>} : memref<128xi32, #tpu.memory_space<vmem>>, vector<16xi32>,
        %swap3A_774 = vector.shape_cast %swap3A_773 : vector<16xi32> to vector<16xi32>
        %swap3A_775 = vector.shape_cast %add3A_770 : vector<16xi32> to vector<16xi32>
        tpu.vector_store %arg9[%swap3A], %swap3A_775 {strides = array<i32>} : memref<128xi32, #tpu.memory_space<vmem>>, vector<16xi32>,
      }
      %scan3A_607 = arith.constant 8 : i32
      %dma_start3A_608 = arith.constant 0 : i32
      %dma_start3A_609 = arith.constant 0 : i32
      %dma_start3A_610 = tpu.memref_slice %arg5[%dma_start3A_608, %dma_start3A_609] : memref<2016x128xf32, #tpu.memory_space<vmem_shared>> -> memref<2016x128xf32, #tpu.memory_space<vmem_shared>>
      tpu.enqueue_indirect_dma source(%dma_start3A_610 : memref<2016x128xf32, #tpu.memory_space<vmem_shared>>) target(%arg14 : memref<128x128xf32, #tpu.memory_space<vmem>>) offsets(%arg9 : memref<128xi32, #tpu.memory_space<vmem>>) semaphore(%arg20 : memref<!tpu.dma_semaphore, #tpu.memory_space<semaphore_mem>>)
      %gt3A_611 = arith.constant 0 : i32
      %gt3A_612 = arith.cmpi sgt, %scan3A_593, %gt3A_611 : i32
      %convert_element_type3A_613 = arith.extui %gt3A_612 : i1 to i32
      %cond3A_614 = arith.constant 0 : i32
      %cond3A_615 = arith.cmpi ne, %convert_element_type3A_613, %cond3A_614 : i32
      scf.if %cond3A_615 {
        %dma_wait3A_735 = arith.constant 0 : i32
        %dma_wait3A_736 = arith.constant 0 : i32
        %dma_wait3A_737 = tpu.memref_slice %arg5[%dma_wait3A_735, %dma_wait3A_736] : memref<2016x128xf32, #tpu.memory_space<vmem_shared>> -> memref<2016x128xf32, #tpu.memory_space<vmem_shared>>
        tpu.wait_indirect_dma semaphore(%arg20 : memref<!tpu.dma_semaphore, #tpu.memory_space<semaphore_mem>>) src(%dma_wait3A_737 : memref<2016x128xf32, #tpu.memory_space<vmem_shared>>) dst(%arg18 : memref<128x128xf32, #tpu.memory_space<vmem>>)
        %sub3A_738 = arith.constant 1 : i32
        %sub3A_739 = arith.subi %add3A_597, %sub3A_738 : i32
        %mul3A_740 = arith.constant 4096 : i32
        %mul3A_741 = arith.muli %sub3A_739, %mul3A_740 : i32
        %add3A_742 = arith.addi %mul3A_741, %mul3A_2 : i32
        %dma_start3A_743 = arith.constant 0 : i32
        %dma_start3A_744 = tpu.memref_slice %arg4[%add3A_742, %dma_start3A_743] : memref<204800x128xf32, #tpu.memory_space<hbm>> -> memref<128x128xf32, #tpu.memory_space<hbm>>
        %dma_start3A_745 = arith.constant 0 : i32
        %dma_start3A_746 = tpu.memref_slice %arg4[%add3A_742, %dma_start3A_745] : memref<204800x128xf32, #tpu.memory_space<hbm>> -> memref<128x128xf32, #tpu.memory_space<hbm>>
        tpu.enqueue_dma source(%arg18 : memref<128x128xf32, #tpu.memory_space<vmem>>) target(%dma_start3A_746 : memref<128x128xf32, #tpu.memory_space<hbm>>) target_semaphore(%arg21 : memref<!tpu.dma_semaphore, #tpu.memory_space<semaphore_mem>>)
      } else {
      }
      %mul3A_616 = arith.constant 5 : i32
      %mul3A_617 = arith.muli %scan3A_593, %mul3A_616 : i32
      %add3A_618 = arith.constant 1 : i32
      %add3A_619 = arith.addi %mul3A_617, %add3A_618 : i32
      %gt3A_620 = arith.constant 0 : i32
      %gt3A_621 = arith.cmpi sgt, %scan3A_593, %gt3A_620 : i32
      %convert_element_type3A_622 = arith.extui %gt3A_621 : i1 to i32
      %cond3A_623 = arith.constant 0 : i32
      %cond3A_624 = arith.cmpi ne, %convert_element_type3A_622, %cond3A_623 : i32
      scf.if %cond3A_624 {
        %dma_wait3A_735 = arith.constant 0 : i32
        %dma_wait3A_736 = arith.constant 0 : i32
        %dma_wait3A_737 = tpu.memref_slice %arg4[%dma_wait3A_735, %dma_wait3A_736] : memref<204800x128xf32, #tpu.memory_space<hbm>> -> memref<128x128xf32, #tpu.memory_space<hbm>>
        %dma_wait3A_738 = arith.constant 0 : i32
        %dma_wait3A_739 = arith.constant 0 : i32
        %dma_wait3A_740 = tpu.memref_slice %arg4[%dma_wait3A_738, %dma_wait3A_739] : memref<204800x128xf32, #tpu.memory_space<hbm>> -> memref<128x128xf32, #tpu.memory_space<hbm>>
        tpu.wait_dma2 semaphore(%arg21 : memref<!tpu.dma_semaphore, #tpu.memory_space<semaphore_mem>>) src(%arg15 : memref<128x128xf32, #tpu.memory_space<vmem>>) dst(%dma_wait3A_740 : memref<128x128xf32, #tpu.memory_space<hbm>>)
      } else {
      }
      %scan3A_625 = arith.constant 0 : i32
      %scan3A_626 = arith.constant 0 : i32
      %scan3A_627 = arith.constant 8 : i32
      %scan3A_628 = arith.addi %scan3A_626, %scan3A_627 : i32
      %scan3A_629 = arith.constant 1 : i32
      scf.for %scan3A_735 = %scan3A_626 to %scan3A_628 step %scan3A_629  : i32 {
        %mul3A_736 = arith.constant 16 : i32
        %mul3A_737 = arith.muli %scan3A_735, %mul3A_736 : i32
        %get3A = arith.index_cast %add3A_619 : i32 to index
        %get3A_738 = arith.index_cast %mul3A_737 : i32 to index
        %get3A_739 = tpu.vector_load %arg6[%get3A, %get3A_738] {strides = array<i32>} : memref<56x128xi32, #tpu.memory_space<vmem>>, vector<1x16xi32>,
        %get3A_740 = vector.shape_cast %get3A_739 : vector<1x16xi32> to vector<16xi32>
        %mul3A_741 = arith.constant 16 : i32
        %mul3A_742 = arith.muli %scan3A_735, %mul3A_741 : i32
        %get3A_743 = arith.index_cast %add3A_619 : i32 to index
        %get3A_744 = arith.index_cast %mul3A_742 : i32 to index
        %get3A_745 = tpu.vector_load %arg7[%get3A_743, %get3A_744] {strides = array<i32>} : memref<56x128xi32, #tpu.memory_space<vmem>>, vector<1x16xi32>,
        %get3A_746 = vector.shape_cast %get3A_745 : vector<1x16xi32> to vector<16xi32>
        %mul3A_747 = arith.constant 16 : i32
        %mul3A_748 = arith.muli %scan3A_735, %mul3A_747 : i32
        %get3A_749 = arith.index_cast %add3A_619 : i32 to index
        %get3A_750 = arith.index_cast %mul3A_748 : i32 to index
        %get3A_751 = tpu.vector_load %arg8[%get3A_749, %get3A_750] {strides = array<i32>} : memref<56x128xi32, #tpu.memory_space<vmem>>, vector<1x16xi32>,
        %get3A_752 = vector.shape_cast %get3A_751 : vector<1x16xi32> to vector<16xi32>
        %rem3A = arith.constant 24 : i32
        %rem3A_753 = vector.broadcast %rem3A : i32 to vector<16xi32>
        %rem3A_754 = arith.remsi %get3A_746, %rem3A_753 : vector<16xi32>
        %mul3A_755 = arith.constant 60 : i32
        %mul3A_756 = vector.broadcast %mul3A_755 : i32 to vector<16xi32>
        %mul3A_757 = arith.muli %rem3A_754, %mul3A_756 : vector<16xi32>
        %rem3A_758 = arith.constant 60 : i32
        %rem3A_759 = vector.broadcast %rem3A_758 : i32 to vector<16xi32>
        %rem3A_760 = arith.remsi %get3A_752, %rem3A_759 : vector<16xi32>
        %add3A_761 = arith.addi %mul3A_757, %rem3A_760 : vector<16xi32>
        %div3A = arith.constant 5 : i32
        %div3A_762 = vector.broadcast %div3A : i32 to vector<16xi32>
        %div3A_763 = arith.divsi %add3A_761, %div3A_762 : vector<16xi32>
        %rem3A_764 = arith.constant 7 : i32
        %rem3A_765 = vector.broadcast %rem3A_764 : i32 to vector<16xi32>
        %rem3A_766 = arith.remsi %get3A_740, %rem3A_765 : vector<16xi32>
        %mul3A_767 = arith.constant 288 : i32
        %mul3A_768 = vector.broadcast %mul3A_767 : i32 to vector<16xi32>
        %mul3A_769 = arith.muli %rem3A_766, %mul3A_768 : vector<16xi32>
        %add3A_770 = arith.addi %mul3A_769, %div3A_763 : vector<16xi32>
        %mul3A_771 = arith.constant 16 : i32
        %mul3A_772 = arith.muli %scan3A_735, %mul3A_771 : i32
        %swap3A = arith.index_cast %mul3A_772 : i32 to index
        %swap3A_773 = tpu.vector_load %arg10[%swap3A] {strides = array<i32>} : memref<128xi32, #tpu.memory_space<vmem>>, vector<16xi32>,
        %swap3A_774 = vector.shape_cast %swap3A_773 : vector<16xi32> to vector<16xi32>
        %swap3A_775 = vector.shape_cast %add3A_770 : vector<16xi32> to vector<16xi32>
        tpu.vector_store %arg10[%swap3A], %swap3A_775 {strides = array<i32>} : memref<128xi32, #tpu.memory_space<vmem>>, vector<16xi32>,
      }
      %scan3A_630 = arith.constant 8 : i32
      %dma_start3A_631 = arith.constant 0 : i32
      %dma_start3A_632 = arith.constant 0 : i32
      %dma_start3A_633 = tpu.memref_slice %arg5[%dma_start3A_631, %dma_start3A_632] : memref<2016x128xf32, #tpu.memory_space<vmem_shared>> -> memref<2016x128xf32, #tpu.memory_space<vmem_shared>>
      tpu.enqueue_indirect_dma source(%dma_start3A_633 : memref<2016x128xf32, #tpu.memory_space<vmem_shared>>) target(%arg15 : memref<128x128xf32, #tpu.memory_space<vmem>>) offsets(%arg10 : memref<128xi32, #tpu.memory_space<vmem>>) semaphore(%arg20 : memref<!tpu.dma_semaphore, #tpu.memory_space<semaphore_mem>>)
      %dma_wait3A_634 = arith.constant 0 : i32
      %dma_wait3A_635 = arith.constant 0 : i32
      %dma_wait3A_636 = tpu.memref_slice %arg5[%dma_wait3A_634, %dma_wait3A_635] : memref<2016x128xf32, #tpu.memory_space<vmem_shared>> -> memref<2016x128xf32, #tpu.memory_space<vmem_shared>>
      tpu.wait_indirect_dma semaphore(%arg20 : memref<!tpu.dma_semaphore, #tpu.memory_space<semaphore_mem>>) src(%dma_wait3A_636 : memref<2016x128xf32, #tpu.memory_space<vmem_shared>>) dst(%arg14 : memref<128x128xf32, #tpu.memory_space<vmem>>)
      %sub3A = arith.constant 1 : i32
      %sub3A_637 = arith.subi %add3A_619, %sub3A : i32
      %mul3A_638 = arith.constant 4096 : i32
      %mul3A_639 = arith.muli %sub3A_637, %mul3A_638 : i32
      %add3A_640 = arith.addi %mul3A_639, %mul3A_2 : i32
      %dma_start3A_641 = arith.constant 0 : i32
      %dma_start3A_642 = tpu.memref_slice %arg4[%add3A_640, %dma_start3A_641] : memref<204800x128xf32, #tpu.memory_space<hbm>> -> memref<128x128xf32, #tpu.memory_space<hbm>>
      %dma_start3A_643 = arith.constant 0 : i32
      %dma_start3A_644 = tpu.memref_slice %arg4[%add3A_640, %dma_start3A_643] : memref<204800x128xf32, #tpu.memory_space<hbm>> -> memref<128x128xf32, #tpu.memory_space<hbm>>
      tpu.enqueue_dma source(%arg14 : memref<128x128xf32, #tpu.memory_space<vmem>>) target(%dma_start3A_644 : memref<128x128xf32, #tpu.memory_space<hbm>>) target_semaphore(%arg21 : memref<!tpu.dma_semaphore, #tpu.memory_space<semaphore_mem>>)
      %mul3A_645 = arith.constant 5 : i32
      %mul3A_646 = arith.muli %scan3A_593, %mul3A_645 : i32
      %add3A_647 = arith.constant 2 : i32
      %add3A_648 = arith.addi %mul3A_646, %add3A_647 : i32
      %gt3A_649 = arith.constant 0 : i32
      %gt3A_650 = arith.cmpi sgt, %scan3A_593, %gt3A_649 : i32
      %convert_element_type3A_651 = arith.extui %gt3A_650 : i1 to i32
      %cond3A_652 = arith.constant 0 : i32
      %cond3A_653 = arith.cmpi ne, %convert_element_type3A_651, %cond3A_652 : i32
      scf.if %cond3A_653 {
        %dma_wait3A_735 = arith.constant 0 : i32
        %dma_wait3A_736 = arith.constant 0 : i32
        %dma_wait3A_737 = tpu.memref_slice %arg4[%dma_wait3A_735, %dma_wait3A_736] : memref<204800x128xf32, #tpu.memory_space<hbm>> -> memref<128x128xf32, #tpu.memory_space<hbm>>
        %dma_wait3A_738 = arith.constant 0 : i32
        %dma_wait3A_739 = arith.constant 0 : i32
        %dma_wait3A_740 = tpu.memref_slice %arg4[%dma_wait3A_738, %dma_wait3A_739] : memref<204800x128xf32, #tpu.memory_space<hbm>> -> memref<128x128xf32, #tpu.memory_space<hbm>>
        tpu.wait_dma2 semaphore(%arg21 : memref<!tpu.dma_semaphore, #tpu.memory_space<semaphore_mem>>) src(%arg16 : memref<128x128xf32, #tpu.memory_space<vmem>>) dst(%dma_wait3A_740 : memref<128x128xf32, #tpu.memory_space<hbm>>)
      } else {
      }
      %scan3A_654 = arith.constant 0 : i32
      %scan3A_655 = arith.constant 0 : i32
      %scan3A_656 = arith.constant 8 : i32
      %scan3A_657 = arith.addi %scan3A_655, %scan3A_656 : i32
      %scan3A_658 = arith.constant 1 : i32
      scf.for %scan3A_735 = %scan3A_655 to %scan3A_657 step %scan3A_658  : i32 {
        %mul3A_736 = arith.constant 16 : i32
        %mul3A_737 = arith.muli %scan3A_735, %mul3A_736 : i32
        %get3A = arith.index_cast %add3A_648 : i32 to index
        %get3A_738 = arith.index_cast %mul3A_737 : i32 to index
        %get3A_739 = tpu.vector_load %arg6[%get3A, %get3A_738] {strides = array<i32>} : memref<56x128xi32, #tpu.memory_space<vmem>>, vector<1x16xi32>,
        %get3A_740 = vector.shape_cast %get3A_739 : vector<1x16xi32> to vector<16xi32>
        %mul3A_741 = arith.constant 16 : i32
        %mul3A_742 = arith.muli %scan3A_735, %mul3A_741 : i32
        %get3A_743 = arith.index_cast %add3A_648 : i32 to index
        %get3A_744 = arith.index_cast %mul3A_742 : i32 to index
        %get3A_745 = tpu.vector_load %arg7[%get3A_743, %get3A_744] {strides = array<i32>} : memref<56x128xi32, #tpu.memory_space<vmem>>, vector<1x16xi32>,
        %get3A_746 = vector.shape_cast %get3A_745 : vector<1x16xi32> to vector<16xi32>
        %mul3A_747 = arith.constant 16 : i32
        %mul3A_748 = arith.muli %scan3A_735, %mul3A_747 : i32
        %get3A_749 = arith.index_cast %add3A_648 : i32 to index
        %get3A_750 = arith.index_cast %mul3A_748 : i32 to index
        %get3A_751 = tpu.vector_load %arg8[%get3A_749, %get3A_750] {strides = array<i32>} : memref<56x128xi32, #tpu.memory_space<vmem>>, vector<1x16xi32>,
        %get3A_752 = vector.shape_cast %get3A_751 : vector<1x16xi32> to vector<16xi32>
        %rem3A = arith.constant 24 : i32
        %rem3A_753 = vector.broadcast %rem3A : i32 to vector<16xi32>
        %rem3A_754 = arith.remsi %get3A_746, %rem3A_753 : vector<16xi32>
        %mul3A_755 = arith.constant 60 : i32
        %mul3A_756 = vector.broadcast %mul3A_755 : i32 to vector<16xi32>
        %mul3A_757 = arith.muli %rem3A_754, %mul3A_756 : vector<16xi32>
        %rem3A_758 = arith.constant 60 : i32
        %rem3A_759 = vector.broadcast %rem3A_758 : i32 to vector<16xi32>
        %rem3A_760 = arith.remsi %get3A_752, %rem3A_759 : vector<16xi32>
        %add3A_761 = arith.addi %mul3A_757, %rem3A_760 : vector<16xi32>
        %div3A = arith.constant 5 : i32
        %div3A_762 = vector.broadcast %div3A : i32 to vector<16xi32>
        %div3A_763 = arith.divsi %add3A_761, %div3A_762 : vector<16xi32>
        %rem3A_764 = arith.constant 7 : i32
        %rem3A_765 = vector.broadcast %rem3A_764 : i32 to vector<16xi32>
        %rem3A_766 = arith.remsi %get3A_740, %rem3A_765 : vector<16xi32>
        %mul3A_767 = arith.constant 288 : i32
        %mul3A_768 = vector.broadcast %mul3A_767 : i32 to vector<16xi32>
        %mul3A_769 = arith.muli %rem3A_766, %mul3A_768 : vector<16xi32>
        %add3A_770 = arith.addi %mul3A_769, %div3A_763 : vector<16xi32>
        %mul3A_771 = arith.constant 16 : i32
        %mul3A_772 = arith.muli %scan3A_735, %mul3A_771 : i32
        %swap3A = arith.index_cast %mul3A_772 : i32 to index
        %swap3A_773 = tpu.vector_load %arg11[%swap3A] {strides = array<i32>} : memref<128xi32, #tpu.memory_space<vmem>>, vector<16xi32>,
        %swap3A_774 = vector.shape_cast %swap3A_773 : vector<16xi32> to vector<16xi32>
        %swap3A_775 = vector.shape_cast %add3A_770 : vector<16xi32> to vector<16xi32>
        tpu.vector_store %arg11[%swap3A], %swap3A_775 {strides = array<i32>} : memref<128xi32, #tpu.memory_space<vmem>>, vector<16xi32>,
      }
      %scan3A_659 = arith.constant 8 : i32
      %dma_start3A_660 = arith.constant 0 : i32
      %dma_start3A_661 = arith.constant 0 : i32
      %dma_start3A_662 = tpu.memref_slice %arg5[%dma_start3A_660, %dma_start3A_661] : memref<2016x128xf32, #tpu.memory_space<vmem_shared>> -> memref<2016x128xf32, #tpu.memory_space<vmem_shared>>
      tpu.enqueue_indirect_dma source(%dma_start3A_662 : memref<2016x128xf32, #tpu.memory_space<vmem_shared>>) target(%arg16 : memref<128x128xf32, #tpu.memory_space<vmem>>) offsets(%arg11 : memref<128xi32, #tpu.memory_space<vmem>>) semaphore(%arg20 : memref<!tpu.dma_semaphore, #tpu.memory_space<semaphore_mem>>)
      %dma_wait3A_663 = arith.constant 0 : i32
      %dma_wait3A_664 = arith.constant 0 : i32
      %dma_wait3A_665 = tpu.memref_slice %arg5[%dma_wait3A_663, %dma_wait3A_664] : memref<2016x128xf32, #tpu.memory_space<vmem_shared>> -> memref<2016x128xf32, #tpu.memory_space<vmem_shared>>
      tpu.wait_indirect_dma semaphore(%arg20 : memref<!tpu.dma_semaphore, #tpu.memory_space<semaphore_mem>>) src(%dma_wait3A_665 : memref<2016x128xf32, #tpu.memory_space<vmem_shared>>) dst(%arg15 : memref<128x128xf32, #tpu.memory_space<vmem>>)
      %sub3A_666 = arith.constant 1 : i32
      %sub3A_667 = arith.subi %add3A_648, %sub3A_666 : i32
      %mul3A_668 = arith.constant 4096 : i32
      %mul3A_669 = arith.muli %sub3A_667, %mul3A_668 : i32
      %add3A_670 = arith.addi %mul3A_669, %mul3A_2 : i32
      %dma_start3A_671 = arith.constant 0 : i32
      %dma_start3A_672 = tpu.memref_slice %arg4[%add3A_670, %dma_start3A_671] : memref<204800x128xf32, #tpu.memory_space<hbm>> -> memref<128x128xf32, #tpu.memory_space<hbm>>
      %dma_start3A_673 = arith.constant 0 : i32
      %dma_start3A_674 = tpu.memref_slice %arg4[%add3A_670, %dma_start3A_673] : memref<204800x128xf32, #tpu.memory_space<hbm>> -> memref<128x128xf32, #tpu.memory_space<hbm>>
      tpu.enqueue_dma source(%arg15 : memref<128x128xf32, #tpu.memory_space<vmem>>) target(%dma_start3A_674 : memref<128x128xf32, #tpu.memory_space<hbm>>) target_semaphore(%arg21 : memref<!tpu.dma_semaphore, #tpu.memory_space<semaphore_mem>>)
      %mul3A_675 = arith.constant 5 : i32
      %mul3A_676 = arith.muli %scan3A_593, %mul3A_675 : i32
      %add3A_677 = arith.constant 3 : i32
      %add3A_678 = arith.addi %mul3A_676, %add3A_677 : i32
      %gt3A_679 = arith.constant 0 : i32
      %gt3A_680 = arith.cmpi sgt, %scan3A_593, %gt3A_679 : i32
      %convert_element_type3A_681 = arith.extui %gt3A_680 : i1 to i32
      %cond3A_682 = arith.constant 0 : i32
      %cond3A_683 = arith.cmpi ne, %convert_element_type3A_681, %cond3A_682 : i32
      scf.if %cond3A_683 {
        %dma_wait3A_735 = arith.constant 0 : i32
        %dma_wait3A_736 = arith.constant 0 : i32
        %dma_wait3A_737 = tpu.memref_slice %arg4[%dma_wait3A_735, %dma_wait3A_736] : memref<204800x128xf32, #tpu.memory_space<hbm>> -> memref<128x128xf32, #tpu.memory_space<hbm>>
        %dma_wait3A_738 = arith.constant 0 : i32
        %dma_wait3A_739 = arith.constant 0 : i32
        %dma_wait3A_740 = tpu.memref_slice %arg4[%dma_wait3A_738, %dma_wait3A_739] : memref<204800x128xf32, #tpu.memory_space<hbm>> -> memref<128x128xf32, #tpu.memory_space<hbm>>
        tpu.wait_dma2 semaphore(%arg21 : memref<!tpu.dma_semaphore, #tpu.memory_space<semaphore_mem>>) src(%arg17 : memref<128x128xf32, #tpu.memory_space<vmem>>) dst(%dma_wait3A_740 : memref<128x128xf32, #tpu.memory_space<hbm>>)
      } else {
      }
      %scan3A_684 = arith.constant 0 : i32
      %scan3A_685 = arith.constant 0 : i32
      %scan3A_686 = arith.constant 8 : i32
      %scan3A_687 = arith.addi %scan3A_685, %scan3A_686 : i32
      %scan3A_688 = arith.constant 1 : i32
      scf.for %scan3A_735 = %scan3A_685 to %scan3A_687 step %scan3A_688  : i32 {
        %mul3A_736 = arith.constant 16 : i32
        %mul3A_737 = arith.muli %scan3A_735, %mul3A_736 : i32
        %get3A = arith.index_cast %add3A_678 : i32 to index
        %get3A_738 = arith.index_cast %mul3A_737 : i32 to index
        %get3A_739 = tpu.vector_load %arg6[%get3A, %get3A_738] {strides = array<i32>} : memref<56x128xi32, #tpu.memory_space<vmem>>, vector<1x16xi32>,
        %get3A_740 = vector.shape_cast %get3A_739 : vector<1x16xi32> to vector<16xi32>
        %mul3A_741 = arith.constant 16 : i32
        %mul3A_742 = arith.muli %scan3A_735, %mul3A_741 : i32
        %get3A_743 = arith.index_cast %add3A_678 : i32 to index
        %get3A_744 = arith.index_cast %mul3A_742 : i32 to index
        %get3A_745 = tpu.vector_load %arg7[%get3A_743, %get3A_744] {strides = array<i32>} : memref<56x128xi32, #tpu.memory_space<vmem>>, vector<1x16xi32>,
        %get3A_746 = vector.shape_cast %get3A_745 : vector<1x16xi32> to vector<16xi32>
        %mul3A_747 = arith.constant 16 : i32
        %mul3A_748 = arith.muli %scan3A_735, %mul3A_747 : i32
        %get3A_749 = arith.index_cast %add3A_678 : i32 to index
        %get3A_750 = arith.index_cast %mul3A_748 : i32 to index
        %get3A_751 = tpu.vector_load %arg8[%get3A_749, %get3A_750] {strides = array<i32>} : memref<56x128xi32, #tpu.memory_space<vmem>>, vector<1x16xi32>,
        %get3A_752 = vector.shape_cast %get3A_751 : vector<1x16xi32> to vector<16xi32>
        %rem3A = arith.constant 24 : i32
        %rem3A_753 = vector.broadcast %rem3A : i32 to vector<16xi32>
        %rem3A_754 = arith.remsi %get3A_746, %rem3A_753 : vector<16xi32>
        %mul3A_755 = arith.constant 60 : i32
        %mul3A_756 = vector.broadcast %mul3A_755 : i32 to vector<16xi32>
        %mul3A_757 = arith.muli %rem3A_754, %mul3A_756 : vector<16xi32>
        %rem3A_758 = arith.constant 60 : i32
        %rem3A_759 = vector.broadcast %rem3A_758 : i32 to vector<16xi32>
        %rem3A_760 = arith.remsi %get3A_752, %rem3A_759 : vector<16xi32>
        %add3A_761 = arith.addi %mul3A_757, %rem3A_760 : vector<16xi32>
        %div3A = arith.constant 5 : i32
        %div3A_762 = vector.broadcast %div3A : i32 to vector<16xi32>
        %div3A_763 = arith.divsi %add3A_761, %div3A_762 : vector<16xi32>
        %rem3A_764 = arith.constant 7 : i32
        %rem3A_765 = vector.broadcast %rem3A_764 : i32 to vector<16xi32>
        %rem3A_766 = arith.remsi %get3A_740, %rem3A_765 : vector<16xi32>
        %mul3A_767 = arith.constant 288 : i32
        %mul3A_768 = vector.broadcast %mul3A_767 : i32 to vector<16xi32>
        %mul3A_769 = arith.muli %rem3A_766, %mul3A_768 : vector<16xi32>
        %add3A_770 = arith.addi %mul3A_769, %div3A_763 : vector<16xi32>
        %mul3A_771 = arith.constant 16 : i32
        %mul3A_772 = arith.muli %scan3A_735, %mul3A_771 : i32
        %swap3A = arith.index_cast %mul3A_772 : i32 to index
        %swap3A_773 = tpu.vector_load %arg12[%swap3A] {strides = array<i32>} : memref<128xi32, #tpu.memory_space<vmem>>, vector<16xi32>,
        %swap3A_774 = vector.shape_cast %swap3A_773 : vector<16xi32> to vector<16xi32>
        %swap3A_775 = vector.shape_cast %add3A_770 : vector<16xi32> to vector<16xi32>
        tpu.vector_store %arg12[%swap3A], %swap3A_775 {strides = array<i32>} : memref<128xi32, #tpu.memory_space<vmem>>, vector<16xi32>,
      }
      %scan3A_689 = arith.constant 8 : i32
      %dma_start3A_690 = arith.constant 0 : i32
      %dma_start3A_691 = arith.constant 0 : i32
      %dma_start3A_692 = tpu.memref_slice %arg5[%dma_start3A_690, %dma_start3A_691] : memref<2016x128xf32, #tpu.memory_space<vmem_shared>> -> memref<2016x128xf32, #tpu.memory_space<vmem_shared>>
      tpu.enqueue_indirect_dma source(%dma_start3A_692 : memref<2016x128xf32, #tpu.memory_space<vmem_shared>>) target(%arg17 : memref<128x128xf32, #tpu.memory_space<vmem>>) offsets(%arg12 : memref<128xi32, #tpu.memory_space<vmem>>) semaphore(%arg20 : memref<!tpu.dma_semaphore, #tpu.memory_space<semaphore_mem>>)
      %dma_wait3A_693 = arith.constant 0 : i32
      %dma_wait3A_694 = arith.constant 0 : i32
      %dma_wait3A_695 = tpu.memref_slice %arg5[%dma_wait3A_693, %dma_wait3A_694] : memref<2016x128xf32, #tpu.memory_space<vmem_shared>> -> memref<2016x128xf32, #tpu.memory_space<vmem_shared>>
      tpu.wait_indirect_dma semaphore(%arg20 : memref<!tpu.dma_semaphore, #tpu.memory_space<semaphore_mem>>) src(%dma_wait3A_695 : memref<2016x128xf32, #tpu.memory_space<vmem_shared>>) dst(%arg16 : memref<128x128xf32, #tpu.memory_space<vmem>>)
      %sub3A_696 = arith.constant 1 : i32
      %sub3A_697 = arith.subi %add3A_678, %sub3A_696 : i32
      %mul3A_698 = arith.constant 4096 : i32
      %mul3A_699 = arith.muli %sub3A_697, %mul3A_698 : i32
      %add3A_700 = arith.addi %mul3A_699, %mul3A_2 : i32
      %dma_start3A_701 = arith.constant 0 : i32
      %dma_start3A_702 = tpu.memref_slice %arg4[%add3A_700, %dma_start3A_701] : memref<204800x128xf32, #tpu.memory_space<hbm>> -> memref<128x128xf32, #tpu.memory_space<hbm>>
      %dma_start3A_703 = arith.constant 0 : i32
      %dma_start3A_704 = tpu.memref_slice %arg4[%add3A_700, %dma_start3A_703] : memref<204800x128xf32, #tpu.memory_space<hbm>> -> memref<128x128xf32, #tpu.memory_space<hbm>>
      tpu.enqueue_dma source(%arg16 : memref<128x128xf32, #tpu.memory_space<vmem>>) target(%dma_start3A_704 : memref<128x128xf32, #tpu.memory_space<hbm>>) target_semaphore(%arg21 : memref<!tpu.dma_semaphore, #tpu.memory_space<semaphore_mem>>)
      %mul3A_705 = arith.constant 5 : i32
      %mul3A_706 = arith.muli %scan3A_593, %mul3A_705 : i32
      %add3A_707 = arith.constant 4 : i32
      %add3A_708 = arith.addi %mul3A_706, %add3A_707 : i32
      %gt3A_709 = arith.constant 0 : i32
      %gt3A_710 = arith.cmpi sgt, %scan3A_593, %gt3A_709 : i32
      %convert_element_type3A_711 = arith.extui %gt3A_710 : i1 to i32
      %cond3A_712 = arith.constant 0 : i32
      %cond3A_713 = arith.cmpi ne, %convert_element_type3A_711, %cond3A_712 : i32
      scf.if %cond3A_713 {
        %dma_wait3A_735 = arith.constant 0 : i32
        %dma_wait3A_736 = arith.constant 0 : i32
        %dma_wait3A_737 = tpu.memref_slice %arg4[%dma_wait3A_735, %dma_wait3A_736] : memref<204800x128xf32, #tpu.memory_space<hbm>> -> memref<128x128xf32, #tpu.memory_space<hbm>>
        %dma_wait3A_738 = arith.constant 0 : i32
        %dma_wait3A_739 = arith.constant 0 : i32
        %dma_wait3A_740 = tpu.memref_slice %arg4[%dma_wait3A_738, %dma_wait3A_739] : memref<204800x128xf32, #tpu.memory_space<hbm>> -> memref<128x128xf32, #tpu.memory_space<hbm>>
        tpu.wait_dma2 semaphore(%arg21 : memref<!tpu.dma_semaphore, #tpu.memory_space<semaphore_mem>>) src(%arg18 : memref<128x128xf32, #tpu.memory_space<vmem>>) dst(%dma_wait3A_740 : memref<128x128xf32, #tpu.memory_space<hbm>>)
      } else {
      }
      %scan3A_714 = arith.constant 0 : i32
      %scan3A_715 = arith.constant 0 : i32
      %scan3A_716 = arith.constant 8 : i32
      %scan3A_717 = arith.addi %scan3A_715, %scan3A_716 : i32
      %scan3A_718 = arith.constant 1 : i32
      scf.for %scan3A_735 = %scan3A_715 to %scan3A_717 step %scan3A_718  : i32 {
        %mul3A_736 = arith.constant 16 : i32
        %mul3A_737 = arith.muli %scan3A_735, %mul3A_736 : i32
        %get3A = arith.index_cast %add3A_708 : i32 to index
        %get3A_738 = arith.index_cast %mul3A_737 : i32 to index
        %get3A_739 = tpu.vector_load %arg6[%get3A, %get3A_738] {strides = array<i32>} : memref<56x128xi32, #tpu.memory_space<vmem>>, vector<1x16xi32>,
        %get3A_740 = vector.shape_cast %get3A_739 : vector<1x16xi32> to vector<16xi32>
        %mul3A_741 = arith.constant 16 : i32
        %mul3A_742 = arith.muli %scan3A_735, %mul3A_741 : i32
        %get3A_743 = arith.index_cast %add3A_708 : i32 to index
        %get3A_744 = arith.index_cast %mul3A_742 : i32 to index
        %get3A_745 = tpu.vector_load %arg7[%get3A_743, %get3A_744] {strides = array<i32>} : memref<56x128xi32, #tpu.memory_space<vmem>>, vector<1x16xi32>,
        %get3A_746 = vector.shape_cast %get3A_745 : vector<1x16xi32> to vector<16xi32>
        %mul3A_747 = arith.constant 16 : i32
        %mul3A_748 = arith.muli %scan3A_735, %mul3A_747 : i32
        %get3A_749 = arith.index_cast %add3A_708 : i32 to index
        %get3A_750 = arith.index_cast %mul3A_748 : i32 to index
        %get3A_751 = tpu.vector_load %arg8[%get3A_749, %get3A_750] {strides = array<i32>} : memref<56x128xi32, #tpu.memory_space<vmem>>, vector<1x16xi32>,
        %get3A_752 = vector.shape_cast %get3A_751 : vector<1x16xi32> to vector<16xi32>
        %rem3A = arith.constant 24 : i32
        %rem3A_753 = vector.broadcast %rem3A : i32 to vector<16xi32>
        %rem3A_754 = arith.remsi %get3A_746, %rem3A_753 : vector<16xi32>
        %mul3A_755 = arith.constant 60 : i32
        %mul3A_756 = vector.broadcast %mul3A_755 : i32 to vector<16xi32>
        %mul3A_757 = arith.muli %rem3A_754, %mul3A_756 : vector<16xi32>
        %rem3A_758 = arith.constant 60 : i32
        %rem3A_759 = vector.broadcast %rem3A_758 : i32 to vector<16xi32>
        %rem3A_760 = arith.remsi %get3A_752, %rem3A_759 : vector<16xi32>
        %add3A_761 = arith.addi %mul3A_757, %rem3A_760 : vector<16xi32>
        %div3A = arith.constant 5 : i32
        %div3A_762 = vector.broadcast %div3A : i32 to vector<16xi32>
        %div3A_763 = arith.divsi %add3A_761, %div3A_762 : vector<16xi32>
        %rem3A_764 = arith.constant 7 : i32
        %rem3A_765 = vector.broadcast %rem3A_764 : i32 to vector<16xi32>
        %rem3A_766 = arith.remsi %get3A_740, %rem3A_765 : vector<16xi32>
        %mul3A_767 = arith.constant 288 : i32
        %mul3A_768 = vector.broadcast %mul3A_767 : i32 to vector<16xi32>
        %mul3A_769 = arith.muli %rem3A_766, %mul3A_768 : vector<16xi32>
        %add3A_770 = arith.addi %mul3A_769, %div3A_763 : vector<16xi32>
        %mul3A_771 = arith.constant 16 : i32
        %mul3A_772 = arith.muli %scan3A_735, %mul3A_771 : i32
        %swap3A = arith.index_cast %mul3A_772 : i32 to index
        %swap3A_773 = tpu.vector_load %arg13[%swap3A] {strides = array<i32>} : memref<128xi32, #tpu.memory_space<vmem>>, vector<16xi32>,
        %swap3A_774 = vector.shape_cast %swap3A_773 : vector<16xi32> to vector<16xi32>
        %swap3A_775 = vector.shape_cast %add3A_770 : vector<16xi32> to vector<16xi32>
        tpu.vector_store %arg13[%swap3A], %swap3A_775 {strides = array<i32>} : memref<128xi32, #tpu.memory_space<vmem>>, vector<16xi32>,
      }
      %scan3A_719 = arith.constant 8 : i32
      %dma_start3A_720 = arith.constant 0 : i32
      %dma_start3A_721 = arith.constant 0 : i32
      %dma_start3A_722 = tpu.memref_slice %arg5[%dma_start3A_720, %dma_start3A_721] : memref<2016x128xf32, #tpu.memory_space<vmem_shared>> -> memref<2016x128xf32, #tpu.memory_space<vmem_shared>>
      tpu.enqueue_indirect_dma source(%dma_start3A_722 : memref<2016x128xf32, #tpu.memory_space<vmem_shared>>) target(%arg18 : memref<128x128xf32, #tpu.memory_space<vmem>>) offsets(%arg13 : memref<128xi32, #tpu.memory_space<vmem>>) semaphore(%arg20 : memref<!tpu.dma_semaphore, #tpu.memory_space<semaphore_mem>>)
      %dma_wait3A_723 = arith.constant 0 : i32
      %dma_wait3A_724 = arith.constant 0 : i32
      %dma_wait3A_725 = tpu.memref_slice %arg5[%dma_wait3A_723, %dma_wait3A_724] : memref<2016x128xf32, #tpu.memory_space<vmem_shared>> -> memref<2016x128xf32, #tpu.memory_space<vmem_shared>>
      tpu.wait_indirect_dma semaphore(%arg20 : memref<!tpu.dma_semaphore, #tpu.memory_space<semaphore_mem>>) src(%dma_wait3A_725 : memref<2016x128xf32, #tpu.memory_space<vmem_shared>>) dst(%arg17 : memref<128x128xf32, #tpu.memory_space<vmem>>)
      %sub3A_726 = arith.constant 1 : i32
      %sub3A_727 = arith.subi %add3A_708, %sub3A_726 : i32
      %mul3A_728 = arith.constant 4096 : i32
      %mul3A_729 = arith.muli %sub3A_727, %mul3A_728 : i32
      %add3A_730 = arith.addi %mul3A_729, %mul3A_2 : i32
      %dma_start3A_731 = arith.constant 0 : i32
      %dma_start3A_732 = tpu.memref_slice %arg4[%add3A_730, %dma_start3A_731] : memref<204800x128xf32, #tpu.memory_space<hbm>> -> memref<128x128xf32, #tpu.memory_space<hbm>>
      %dma_start3A_733 = arith.constant 0 : i32
      %dma_start3A_734 = tpu.memref_slice %arg4[%add3A_730, %dma_start3A_733] : memref<204800x128xf32, #tpu.memory_space<hbm>> -> memref<128x128xf32, #tpu.memory_space<hbm>>
      tpu.enqueue_dma source(%arg17 : memref<128x128xf32, #tpu.memory_space<vmem>>) target(%dma_start3A_734 : memref<128x128xf32, #tpu.memory_space<hbm>>) target_semaphore(%arg21 : memref<!tpu.dma_semaphore, #tpu.memory_space<semaphore_mem>>)
    }
    %scan3A_553 = arith.constant 10 : i32
    %dma_wait3A_554 = arith.constant 0 : i32
    %dma_wait3A_555 = arith.constant 0 : i32
    %dma_wait3A_556 = tpu.memref_slice %arg5[%dma_wait3A_554, %dma_wait3A_555] : memref<2016x128xf32, #tpu.memory_space<vmem_shared>> -> memref<2016x128xf32, #tpu.memory_space<vmem_shared>>
    tpu.wait_indirect_dma semaphore(%arg20 : memref<!tpu.dma_semaphore, #tpu.memory_space<semaphore_mem>>) src(%dma_wait3A_556 : memref<2016x128xf32, #tpu.memory_space<vmem_shared>>) dst(%arg18 : memref<128x128xf32, #tpu.memory_space<vmem>>)
    %add3A_557 = arith.constant 200704 : i32
    %add3A_558 = arith.addi %add3A_557, %mul3A_2 : i32
    %dma_start3A_559 = arith.constant 0 : i32
    %dma_start3A_560 = tpu.memref_slice %arg4[%add3A_558, %dma_start3A_559] : memref<204800x128xf32, #tpu.memory_space<hbm>> -> memref<128x128xf32, #tpu.memory_space<hbm>>
    %dma_start3A_561 = arith.constant 0 : i32
    %dma_start3A_562 = tpu.memref_slice %arg4[%add3A_558, %dma_start3A_561] : memref<204800x128xf32, #tpu.memory_space<hbm>> -> memref<128x128xf32, #tpu.memory_space<hbm>>
    tpu.enqueue_dma source(%arg18 : memref<128x128xf32, #tpu.memory_space<vmem>>) target(%dma_start3A_562 : memref<128x128xf32, #tpu.memory_space<hbm>>) target_semaphore(%arg21 : memref<!tpu.dma_semaphore, #tpu.memory_space<semaphore_mem>>)
    %dma_wait3A_563 = arith.constant 0 : i32
    %dma_wait3A_564 = arith.constant 0 : i32
    %dma_wait3A_565 = tpu.memref_slice %arg4[%dma_wait3A_563, %dma_wait3A_564] : memref<204800x128xf32, #tpu.memory_space<hbm>> -> memref<128x128xf32, #tpu.memory_space<hbm>>
    %dma_wait3A_566 = arith.constant 0 : i32
    %dma_wait3A_567 = arith.constant 0 : i32
    %dma_wait3A_568 = tpu.memref_slice %arg4[%dma_wait3A_566, %dma_wait3A_567] : memref<204800x128xf32, #tpu.memory_space<hbm>> -> memref<128x128xf32, #tpu.memory_space<hbm>>
    tpu.wait_dma2 semaphore(%arg21 : memref<!tpu.dma_semaphore, #tpu.memory_space<semaphore_mem>>) src(%arg14 : memref<128x128xf32, #tpu.memory_space<vmem>>) dst(%dma_wait3A_568 : memref<128x128xf32, #tpu.memory_space<hbm>>)
    %dma_wait3A_569 = arith.constant 0 : i32
    %dma_wait3A_570 = arith.constant 0 : i32
    %dma_wait3A_571 = tpu.memref_slice %arg4[%dma_wait3A_569, %dma_wait3A_570] : memref<204800x128xf32, #tpu.memory_space<hbm>> -> memref<128x128xf32, #tpu.memory_space<hbm>>
    %dma_wait3A_572 = arith.constant 0 : i32
    %dma_wait3A_573 = arith.constant 0 : i32
    %dma_wait3A_574 = tpu.memref_slice %arg4[%dma_wait3A_572, %dma_wait3A_573] : memref<204800x128xf32, #tpu.memory_space<hbm>> -> memref<128x128xf32, #tpu.memory_space<hbm>>
    tpu.wait_dma2 semaphore(%arg21 : memref<!tpu.dma_semaphore, #tpu.memory_space<semaphore_mem>>) src(%arg15 : memref<128x128xf32, #tpu.memory_space<vmem>>) dst(%dma_wait3A_574 : memref<128x128xf32, #tpu.memory_space<hbm>>)
    %dma_wait3A_575 = arith.constant 0 : i32
    %dma_wait3A_576 = arith.constant 0 : i32
    %dma_wait3A_577 = tpu.memref_slice %arg4[%dma_wait3A_575, %dma_wait3A_576] : memref<204800x128xf32, #tpu.memory_space<hbm>> -> memref<128x128xf32, #tpu.memory_space<hbm>>
    %dma_wait3A_578 = arith.constant 0 : i32
    %dma_wait3A_579 = arith.constant 0 : i32
    %dma_wait3A_580 = tpu.memref_slice %arg4[%dma_wait3A_578, %dma_wait3A_579] : memref<204800x128xf32, #tpu.memory_space<hbm>> -> memref<128x128xf32, #tpu.memory_space<hbm>>
    tpu.wait_dma2 semaphore(%arg21 : memref<!tpu.dma_semaphore, #tpu.memory_space<semaphore_mem>>) src(%arg16 : memref<128x128xf32, #tpu.memory_space<vmem>>) dst(%dma_wait3A_580 : memref<128x128xf32, #tpu.memory_space<hbm>>)
    %dma_wait3A_581 = arith.constant 0 : i32
    %dma_wait3A_582 = arith.constant 0 : i32
    %dma_wait3A_583 = tpu.memref_slice %arg4[%dma_wait3A_581, %dma_wait3A_582] : memref<204800x128xf32, #tpu.memory_space<hbm>> -> memref<128x128xf32, #tpu.memory_space<hbm>>
    %dma_wait3A_584 = arith.constant 0 : i32
    %dma_wait3A_585 = arith.constant 0 : i32
    %dma_wait3A_586 = tpu.memref_slice %arg4[%dma_wait3A_584, %dma_wait3A_585] : memref<204800x128xf32, #tpu.memory_space<hbm>> -> memref<128x128xf32, #tpu.memory_space<hbm>>
    tpu.wait_dma2 semaphore(%arg21 : memref<!tpu.dma_semaphore, #tpu.memory_space<semaphore_mem>>) src(%arg17 : memref<128x128xf32, #tpu.memory_space<vmem>>) dst(%dma_wait3A_586 : memref<128x128xf32, #tpu.memory_space<hbm>>)
    %dma_wait3A_587 = arith.constant 0 : i32
    %dma_wait3A_588 = arith.constant 0 : i32
    %dma_wait3A_589 = tpu.memref_slice %arg4[%dma_wait3A_587, %dma_wait3A_588] : memref<204800x128xf32, #tpu.memory_space<hbm>> -> memref<128x128xf32, #tpu.memory_space<hbm>>
    %dma_wait3A_590 = arith.constant 0 : i32
    %dma_wait3A_591 = arith.constant 0 : i32
    %dma_wait3A_592 = tpu.memref_slice %arg4[%dma_wait3A_590, %dma_wait3A_591] : memref<204800x128xf32, #tpu.memory_space<hbm>> -> memref<128x128xf32, #tpu.memory_space<hbm>>
    tpu.wait_dma2 semaphore(%arg21 : memref<!tpu.dma_semaphore, #tpu.memory_space<semaphore_mem>>) src(%arg18 : memref<128x128xf32, #tpu.memory_space<vmem>>) dst(%dma_wait3A_592 : memref<128x128xf32, #tpu.memory_space<hbm>>)
    return
  }
}

</mosaic_0001>

<sc_bundles>
// kernel: kernel.3.cloned.1.call-start
scs
__scs_entry_jumppad:
0x0: {  	(pc) =	sbr.rel $0x88, $3  }
0x1: {  	(tag) =	ssettag $0x0;
	lr =	simm.s32 $0x1  }
0x2: {  	[smem:$0x3F9E] =	sst lr;
	_ =	strace $0xD0000000  }
0x3: {  	_ = 	snop  }
0x4: {  	_ = 	snop  }
0x5: {  	_ = 	snop  }
0x6: {  	_ = 	snop  }
0x7: {  	_ = 	snop  }
__scs_overlays_trampoline_lowered:
0x8: {  	[smem:$0x3FAD] =	sst s0  }
0x9: {  	[smem:$0x3FAE] =	sst s1  }
0xa: {  	[smem:$0x3FAF] =	sst s2  }
0xb: {  	[smem:$0x3FB0] =	sst s3  }
0xc: {  	[smem:$0x3FB1] =	sst s4  }
0xd: {  	[smem:$0x3FB2] =	sst s5  }
0xe: {  	[smem:$0x3FB3] =	sst s6  }
0xf: {  	[smem:$0x3FB4] =	sst s7  }
0x10: {  	[smem:$0x3FB5] =	sst s8  }
0x11: {  	[smem:$0x3FB6] =	sst s9;
	s0 =	simm.s32 @!p0 $0x0  }
0x12: {  	s1 =	sld [smem:$0x3F9C];
	s0 =	simm.s32 @p0 $0x1  }
0x13: {  	[smem:$0x3FB7] =	sst s0;
	s0 =	simm.s32 @!p1 $0x0  }
0x14: {  	s2 =	sld [smem:$0x3F9B];
	s0 =	simm.s32 @p1 $0x1  }
0x15: {  	[smem:$0x3FB8] =	sst s0;
	s0 =	simm.s32 @!p2 $0x0  }
0x16: {  	s3 =	sld [smem:$0x3FDB];
	s0 =	simm.s32 @p2 $0x1  }
0x17: {  	s4 =	simm.s32 $0x1BF5;
	[smem:$0x3FBA] =	sst s0  }
0x18: {  	s0 =	sld [smem:$0x3F9D];
	_ =	swait.ge [sflag:s4], $0x0  }
0x19: {  	s7 =	sld [smem:$0x3F9E]  }
0x1a: {  	s8 =	sadd.s32 $0xFFFFE003, lr  }
0x1b: {  	s9 =	sadd.s32 $0xFFFFFEF7, lr;
	s5 =	simm.s32 $0xFFFFFFFF;
	p2 =	slt.u32 s8, $0xFFFFF086  }
0x1c: {  	p1 =	slt.u32 s9, $0xF7A;
	s5 =	simm.s32 @!p2 $0x0  }
0x1d: {  	s5 =	simm.s32 @p1 $0x1;
	p0 =	seq.s32 s7, s2  }
0x1e: {  	s7 =	smul.u32 @!p0 $0xF7A, s2;
	p2 =	seq.s32 @!p0 s5, $0x0  }
0x1f: {  	s9 =	smul.u32 $0xF7A, s1;
	s8 =	simm.s32 @!p0 $0x1BF5;
	p2 =	por !p2, p0  }
0x20: {  	[sflag:s8] =	ssyncset.s32 @!p0 $0xFFFFF086;
	s6 =	sadd.s32 @!p0 s3, s7;
	s7 =	simm.s32 @!p0 $0x108  }
0x21: {  	s3 =	sadd.s32 s3, s9;
	s6 =	sadd.s32 @!p0 $0x88, s6;
	s7 =	simm.s32 @p2 $0x1082  }
0x22: {  	[simem:s7], [sflag:s8] =	dma.local @!p0 [hbm:s6], $0xF7A  }
0x23: {  	s9 =	sor.u32 $0xD0000000, s2;
	s6 =	simm.s32 $0x108;
	_ =	swait.ge @!p0 [sflag:s8], $0x0  }
0x24: {  	s3 =	sadd.s32 $0x88, s3;
	s6 =	simm.s32 @!p1 $0x1082;
	[sflag:s4] =	ssyncset.s32 $0xFFFFF086  }
0x25: {  	[simem:s6], [sflag:s4] =	dma.local [hbm:s3], $0xF7A  }
0x26: {  	[smem:$0x3F9E] =	sst s1;
	(tag) =	ssettag s2;
	_ =	strace s9  }
0x27: {  	s1 =	sld [smem:$0x3FAE]  }
0x28: {  	s2 =	sld [smem:$0x3FAF]  }
0x29: {  	s4 =	sld [smem:$0x3FB1]  }
0x2a: {  	p0 =	seq.s32 s5, $0x0;
	s5 =	sld [smem:$0x3FB2]  }
0x2b: {  	s6 =	sld [smem:$0x3FB3]  }
0x2c: {  	s7 =	sld [smem:$0x3FB4]  }
0x2d: {  	s3 =	simm.s32 $0x108;
	s8 =	sld [smem:$0x3FB5]  }
0x2e: {  	s3 =	simm.s32 @!p0 $0x1082;
	s9 =	sld [smem:$0x3FB6]  }
0x2f: {  	lr =	sadd.s32 s0, s3;
	s0 =	sld [smem:$0x3FAD]  }
0x30: {  	s3 =	sld [smem:$0x3FB0]  }
0x31: {  	[smem:$0x3FB9] =	sst s10  }
0x32: {  	s10 =	sld [smem:$0x3FB7];
	_ =	sdelay $0x3  }
0x33: {  	p0 =	seq.s32 s10, $0x1;
	s10 =	sld [smem:$0x3FB9];
	_ =	sdelay $0x3  }
0x34: {  	[smem:$0x3FB9] =	sst s10  }
0x35: {  	s10 =	sld [smem:$0x3FB8];
	_ =	sdelay $0x3  }
0x36: {  	p1 =	seq.s32 s10, $0x1;
	s10 =	sld [smem:$0x3FB9];
	_ =	sdelay $0x3  }
0x37: {  	[smem:$0x3FB9] =	sst s10  }
0x38: {  	s10 =	sld [smem:$0x3FBA]  }
0x39: {  	_ = 	snop;
	(pc) =	sbr.ind lr, $3  }
0x3a: {  	_ = 	snop  }
0x3b: {  	_ = 	snop  }
0x3c: {  	p2 =	seq.s32 s10, $0x1;
	s10 =	sld [smem:$0x3FB9]  }
0x3d: {  	_ =	shalt  }
0x3e: {  	_ =	shalt  }
0x3f: {  	_ =	shalt  }
0x40: {  	_ =	shalt  }
0x41: {  	_ =	shalt  }
0x42: {  	_ =	shalt  }
0x43: {  	_ =	shalt  }
0x44: {  	_ =	shalt  }
0x45: {  	_ =	shalt  }
0x46: {  	_ =	shalt  }
0x47: {  	_ =	shalt  }
0x48: {  	_ =	shalt  }
0x49: {  	_ =	shalt  }
0x4a: {  	_ =	shalt  }
0x4b: {  	_ =	shalt  }
0x4c: {  	_ =	shalt  }
0x4d: {  	_ =	shalt  }
0x4e: {  	_ =	shalt  }
0x4f: {  	_ =	shalt  }
0x50: {  	_ =	shalt  }
0x51: {  	_ =	shalt  }
0x52: {  	_ =	shalt  }
0x53: {  	_ =	shalt  }
0x54: {  	_ =	shalt  }
0x55: {  	_ =	shalt  }
0x56: {  	_ =	shalt  }
0x57: {  	_ =	shalt  }
0x58: {  	_ =	shalt  }
0x59: {  	_ =	shalt  }
0x5a: {  	_ =	shalt  }
0x5b: {  	_ =	shalt  }
0x5c: {  	_ =	shalt  }
0x5d: {  	_ =	shalt  }
0x5e: {  	_ =	shalt  }
0x5f: {  	_ =	shalt  }
0x60: {  	_ =	shalt  }
0x61: {  	_ =	shalt  }
0x62: {  	_ =	shalt  }
0x63: {  	_ =	shalt  }
0x64: {  	_ =	shalt  }
0x65: {  	_ =	shalt  }
0x66: {  	_ =	shalt  }
0x67: {  	_ =	shalt  }
0x68: {  	_ =	shalt  }
0x69: {  	_ =	shalt  }
0x6a: {  	_ =	shalt  }
0x6b: {  	_ =	shalt  }
0x6c: {  	_ =	shalt  }
0x6d: {  	_ =	shalt  }
0x6e: {  	_ =	shalt  }
0x6f: {  	_ =	shalt  }
0x70: {  	_ =	shalt  }
0x71: {  	_ =	shalt  }
0x72: {  	_ =	shalt  }
0x73: {  	_ =	shalt  }
0x74: {  	_ =	shalt  }
0x75: {  	_ =	shalt  }
0x76: {  	_ =	shalt  }
0x77: {  	_ =	shalt  }
0x78: {  	_ =	shalt  }
0x79: {  	_ =	shalt  }
0x7a: {  	_ =	shalt  }
0x7b: {  	_ =	shalt  }
0x7c: {  	_ =	shalt  }
0x7d: {  	_ =	shalt  }
0x7e: {  	_ =	shalt  }
0x7f: {  	_ =	shalt  }
0x80: {  	_ =	shalt  }
0x81: {  	_ =	shalt  }
0x82: {  	_ =	shalt  }
0x83: {  	_ =	shalt  }
0x84: {  	_ =	shalt  }
0x85: {  	_ =	shalt  }
0x86: {  	_ =	shalt  }
0x87: {  	_ =	shalt  }
.Lfunc_end0:
.L_simem_size_0:
called_computation_lowered:
.L_overlay_start_0:
0x88: {  	s2 =	sld [smem:$0x3FD9]  }
0x89: {  	s3 =	sld [smem:$0x3FFE];
	_ =	sdelay $0x1  }
0x8a: {  	s1 =	srdreg.scid  }
0x8b: {  	s0 =	sand.u32 $0x1, s1  }
0x8c: {  	s17 =	sshll.u32 s0, $0xA;
	s2 =	sadd.s32 s3, s2  }
0x8d: {  	s2 =	sadd.s32 s2, s17  }
0x8e: {  	[smem:$0x3FC5] =	sst s2  }
0x8f: {  	_ = 	snop  }
0x90: {  	s2 =	sld [smem:$0x3FC9]  }
0x91: {  	s18 =	sld [smem:$0x3FD0];
	(tm) =	ssettm $0x1  }
0x92: {  	s4 =	sld [smem:$0x3FFB];
	_ =	sdelay $0x3  }
0x93: {  	_ =	strace s4  }
0x94: {  	s4 =	sld [smem:$0x3FFC];
	_ =	sdelay $0x3  }
0x95: {  	_ =	strace s4  }
0x96: {  	s4 =	sld [smem:$0x3FFD];
	_ =	sdelay $0x3  }
0x97: {  	_ =	strace s4  }
0x98: {  	_ =	strace $0x8FFFFFFF  }
0x99: {  	s19 =	sld [smem:$0x3FDB];
	_ =	sdelay $0x1  }
0x9a: {  	s5 =	simm.s32 $_scs_section_size  }
0x9b: {  	s6 =	simm.s32 $_size__tile_overlayer_lowered;
	s7 =	simm.s32 $_tile_overlayer_lowered  }
0x9c: {  	s22 =	simm.s32 $0x1BFF;
	s21 =	sshll.u32 s7, $0x1;
	s4 =	sadd.s32 s5, s19  }
0x9d: {  	s8 =	simm.s32 $0x0;
	s20 =	sshll.u32 s6, $0x1;
	s6 =	sadd.s32 s21, s4  }
0x9e: {  	[timem:s8], [sflag:s22] =	dma.local [hbm:s6], s20  }
0x9f: {  	_ =	swait.ge [sflag:s22], s20  }
0xa0: {  	s5 =	ssub.s32 $0x0, s20;
	[sflag:s22] =	ssyncset.done $0x0  }
0xa1: {  	[sflag:s22] =	ssyncadd.s32 s5;
	_ =	sdelay $0x1  }
0xa2: {  	s23 =	simm.s32 $0x1B8B  }
0xa3: {  	_ =	swait.ge [sflag:s23], $0x1  }
0xa4: {  	[sflag:s23] =	ssyncset.done $0x0  }
0xa5: {  	s25 =	simm.s32 $0x1B8E;
	s24 =	sld [smem:$0x3FFE];
	[sflag:s23] =	ssyncadd.s32 $0xFFFFFFFF  }
0xa6: {  	s26 =	simm.s32 $execute0_lowered;
	[smem:$0x3FD2] =	sst s25  }
0xa7: {  	s6 =	sshll.u32 s26, $0x1;
	_ =	strace $0x80000046;
	[dreg:$0x1] =	wrdreg $0xFFFFFFFF  }
0xa8: {  	s28 =	simm.s32 $_size_execute0_lowered;
	s4 =	sadd.s32 s4, s6;
	[dreg:$0x0] =	wrdreg $0x0  }
0xa9: {  	s6 =	sshll.u32 s28, $0x1;
	[dreg:$0x2] =	wrdreg s4  }
0xaa: {  	[dreg:$0x3] =	wrdreg s6  }
0xab: {  	[dreg:$0x4] =	wrdreg $0xC0  }
0xac: {  	_ =	task [dreg:s8], $0x5FFFF  }
0xad: {  	[dreg:$0x1] =	wrdreg $0xFFFFFFFF  }
0xae: {  	[dreg:$0x0] =	wrdreg $0x60  }
0xaf: {  	[dreg:$0x2] =	wrdreg s2  }
0xb0: {  	[dreg:$0x3] =	wrdreg s24  }
0xb1: {  	[dreg:$0x4] =	wrdreg s18  }
0xb2: {  	[dreg:$0x5] =	wrdreg $0x0  }
0xb3: {  	[dreg:$0x6] =	wrdreg $0x9  }
0xb4: {  	_ =	task.clear_ibuf [dreg:s8], $0x7FFFF;
	_ =	strace $0x90000046  }
0xb5: {  	s29 =	simm.s32 $0x9;
	_ =	strace $0x80000048  }
0xb6: {  	_ =	swait.ge [sflag:s29], $0x1  }
0xb7: {  	[sflag:s29] =	ssyncadd.s32 $0xFFFFFFFF  }
0xb8: {  	_ =	strace $0x90000048  }
0xb9: {  	_ =	sfence  }
0xba: {  	s30 =	sld [smem:$0x0];
	_ =	sdelay $0x2  }
0xbb: {  	s31 =	sshll.u32 s1, $0xD;
	s1 =	sshrl.u32 s1, $0x2  }
0xbc: {  	s3 =	sand.u32 $0x4000, s31;
	s1 =	sadd.s32 s1, s30  }
0xbd: {  	s0 =	sor.u32 s3, s0;
	s1 =	sshll.u32 s1, $0x11  }
0xbe: {  	s0 =	sor.u32 s1, s0  }
0xbf: {  	s0 =	sadd.s32 $0x8F2B, s0  }
0xc0: {  	[sflag:s0] =	ssyncadd.remote.s32 $0x1  }
0xc1: {  	_ =	sfence.sel $0xFFFF  }
0xc2: {  	[dreg:$0x0] =	wrdreg $0xFFFFFFFF;
	(pc) =	sbr.abs _section_cstart, $3  }
0xc3: {  	[dreg:$0x1] =	wrdreg $0xFFFFFFFF  }
0xc4: {  	_ =	task.clear_ibuf [dreg:s8], $0x2FFFF;
	_ =	strace $0x9FFFFFFF  }
0xc5: {  	(tm) =	ssettm $0x7FFFFFFF  }
tec
execute0_lowered:
.L_overlay_start_1:
0x0: {  	(tag) =	ssettag $0x1  }
0x1: {  	s0 =	rddreg [dreg:$0x0]  }
0x2: {  	s1 =	rddreg [dreg:$0x1]  }
0x3: {  	s6 =	rddreg [dreg:$0x2];
	s2 =	srdreg.scid;
	s7 =	simm.s32 $0x0  }
0x4: {  	s3 =	stileid.u32;
	s2 =	sand.u32 $0x1, s2;
	[smem:$0x7FF] =	sst s7  }
0x5: {  	s4 =	sshll.u32 s3, $0x8;
	s1 =	sadd.s32 $0x400, s1;
	s5 =	sshll.u32 s2, $0x7  }
0x6: {  	_ =	strace $0x80000047;
	[dreg:$0x6] =	wrdreg s1;
	s4 =	sor.u32 s5, s4  }
0x7: {  	s0 =	sadd.s32 s4, s0;
	[dreg:$0x5] =	wrdreg s4;
	s31 =	sor.u32 $0xFFFFF000, s4  }
0x8: {  	s9 =	sadd.s32 $0xE000, s0;
	[dreg:$0x1e] =	wrdreg s31  }
0x9: {  	s10 =	sadd.s32 $0xF000, s0;
	[dreg:$0x7] =	wrdreg s9  }
0xa: {  	s11 =	sadd.s32 $0x10000, s0;
	[dreg:$0x8] =	wrdreg s10  }
0xb: {  	s12 =	sadd.s32 $0x11000, s0;
	[dreg:$0x9] =	wrdreg s11  }
0xc: {  	s13 =	sadd.s32 $0x12000, s0;
	[dreg:$0xa] =	wrdreg s12  }
0xd: {  	s14 =	sadd.s32 $0x13000, s0;
	[dreg:$0xb] =	wrdreg s13  }
0xe: {  	s15 =	sadd.s32 $0x14000, s0;
	[dreg:$0xc] =	wrdreg s14  }
0xf: {  	s16 =	sadd.s32 $0x15000, s0;
	[dreg:$0xd] =	wrdreg s15  }
0x10: {  	s17 =	sadd.s32 $0x16000, s0;
	[dreg:$0xe] =	wrdreg s16  }
0x11: {  	s18 =	sadd.s32 $0x17000, s0;
	[dreg:$0xf] =	wrdreg s17  }
0x12: {  	s19 =	sadd.s32 $0x18000, s0;
	[dreg:$0x10] =	wrdreg s18  }
0x13: {  	s20 =	sadd.s32 $0x19000, s0;
	[dreg:$0x11] =	wrdreg s19  }
0x14: {  	s21 =	sadd.s32 $0x1A000, s0;
	[dreg:$0x12] =	wrdreg s20  }
0x15: {  	s22 =	sadd.s32 $0x1B000, s0;
	[dreg:$0x13] =	wrdreg s21  }
0x16: {  	s23 =	sadd.s32 $0x1C000, s0;
	[dreg:$0x14] =	wrdreg s22  }
0x17: {  	s24 =	sadd.s32 $0x1D000, s0;
	[dreg:$0x15] =	wrdreg s23  }
0x18: {  	s25 =	sadd.s32 $0x1E000, s0;
	[dreg:$0x16] =	wrdreg s24  }
0x19: {  	s26 =	sadd.s32 $0x1F000, s0;
	[dreg:$0x17] =	wrdreg s25  }
0x1a: {  	v0 =	vimm.s32 $0xECA86420;
	vm0 =	vcmask $0xB08;
	vm1 =	vcmask $0x1310;
	s2 =	ssub.s32 $0x2, s2;
	s28 =	sadd.s32 $0x20000, s0;
	[dreg:$0x18] =	wrdreg s26  }
0x1b: {  	vm2 =	vcmask $0x1B18;
	vm3 =	vcmask $0x300;
	vm4 =	vcmask $0x2320;
	s8 =	sshrl.u32 s2, $0x1;
	s29 =	sadd.s32 $0x21000, s0;
	[dreg:$0x19] =	wrdreg s28  }
0x1c: {  	vm5 =	vcmask $0x2B28;
	vm6 =	vcmask $0x3330;
	vm7 =	vcmask $0x3B38;
	s1 =	ssub.s32 s2, s8;
	s0 =	sadd.s32 $0x22000, s0;
	[dreg:$0x1a] =	wrdreg s29  }
0x1d: {  	v1 =	vlaneseq.u32;
	vm8 =	vmmov $0xff;
	vm9 =	vcmask $0x704;
	s30 =	sshll.u32 s4, $0x4;
	s1 =	smax.u32 s1, $0x1;
	[dreg:$0x1b] =	wrdreg s0  }
0x1e: {  	vm10 =	vcmask $0xF0C;
	vm11 =	vcmask $0x1714;
	v0 =	vunpack.c.l.s4.s8 v0;
	s0 =	sadd.s32 s6, s30;
	[dreg:$0x1d] =	wrdreg s1  }
0x1f: {  	vm12 =	vcmask $0x1F1C;
	vm13 =	vcmask $0x2724;
	vm14 =	vcmask $0x2F2C;
	[dreg:$0x1c] =	wrdreg s0;
	s0 =	sadd.s32 $0x310000, s0  }
0x20: {  	vm15 =	vcmask $0x3734;
	p0 =	sne.s32 s3, $0x0;
	v1 =	vmul.u32 $0x2, v1;
	v0 =	vunpack.c.0.s8.s32 v0;
	s2 =	simm.s32 $0x0;
	[dreg:$0x1f] =	wrdreg s0  }
.LBB2_1:
0x21: {  	[smem:$0x7F4] =	sst s2  }
0x22: {  	s0 =	rddreg [dreg:$0x3]  }
0x23: {  	s1 =	simm.s32 @!p0 $0x1C04;
	s2 =	rddreg [dreg:$0x6];
	s0 =	sshrl.u32 @!p0 s0, $0x3  }
0x24: {  	[spmem:s0], [sflag:s1] =	dma.local @!p0 [hbm:s2], $0x7E00  }
0x25: {  	s0 =	simm.s32 @!p0 $0x4  }
0x26: {  	_ =	swait.ge @!p0 [sflag:s0], $0x7E00  }
0x27: {  	[sflag:s0] =	ssyncset.done @!p0 $0x0  }
0x28: {  	[sflag:s0] =	ssyncadd.s32 @!p0 $0xFFFF8200  }
0x29: {  	[bflag:$0x0] =	sbarrier.arrive $0xFFFF  }
0x2a: {  	s4 =	simm.s32 $0x3F00;
	s8 =	rddreg [dreg:$0x7]  }
0x2b: {  	[tilespmem:s4], [sflag:$0x1] =	stream.linear.gather [hbm4b:s8+s7], $0x400, $0x38;
	[tilespmem:$0x1D580] =	vst v63  }
0x2c: {  	s10 =	simm.s32 $0x4300;
	s9 =	rddreg [dreg:$0x8]  }
0x2d: {  	[tilespmem:s10], [sflag:$0x1] =	stream.linear.gather [hbm4b:s9+s7], $0x400, $0x38;
	[tilespmem:$0x1D580] =	vst v63  }
0x2e: {  	s12 =	simm.s32 $0x4700;
	s11 =	rddreg [dreg:$0x9]  }
0x2f: {  	[tilespmem:s12], [sflag:$0x1] =	stream.linear.gather [hbm4b:s11+s7], $0x400, $0x38;
	[tilespmem:$0x1D580] =	vst v63  }
0x30: {  	s14 =	simm.s32 $0x4B00;
	s13 =	rddreg [dreg:$0xa]  }
0x31: {  	[tilespmem:s14], [sflag:$0x1] =	stream.linear.gather [hbm4b:s13+s7], $0x400, $0x38;
	[tilespmem:$0x1D580] =	vst v63  }
0x32: {  	s16 =	simm.s32 $0x4F00;
	s15 =	rddreg [dreg:$0xb]  }
0x33: {  	[tilespmem:s16], [sflag:$0x1] =	stream.linear.gather [hbm4b:s15+s7], $0x400, $0x38;
	[tilespmem:$0x1D580] =	vst v63  }
0x34: {  	s18 =	simm.s32 $0x5300;
	s3 =	simm.s32 $0x5700;
	s17 =	rddreg [dreg:$0xc]  }
0x35: {  	[tilespmem:s18], [sflag:$0x1] =	stream.linear.gather [hbm4b:s17+s7], $0x400, $0x38;
	[tilespmem:$0x1D580] =	vst v63  }
0x36: {  	s1 =	simm.s32 $0x400;
	s2 =	simm.s32 $0x8000;
	s19 =	rddreg [dreg:$0xd]  }
0x37: {  	[tilespmem:s3], [sflag:$0x1] =	stream.strided.gather [hbm4b:s19+s1], $0x0, s2, s1, $0x38;
	[tilespmem:$0x1D580] =	vst v63  }
0x38: {  	_ = 	snop  }
0x39: {  	[tilespmem:s3], [sflag:$0x1] =	stream.linear.gather [hbm4b:s19+s7], $0x100, $0x38;
	[tilespmem:$0x1D580] =	vst v63  }
0x3a: {  	s5 =	simm.s32 $0x5B00;
	s20 =	rddreg [dreg:$0xe]  }
0x3b: {  	[tilespmem:s5], [sflag:$0x1] =	stream.linear.gather [hbm4b:s20+s7], $0x400, $0x38;
	[tilespmem:$0x1D580] =	vst v63  }
0x3c: {  	s22 =	simm.s32 $0x5F00;
	s21 =	rddreg [dreg:$0xf]  }
0x3d: {  	[tilespmem:s22], [sflag:$0x1] =	stream.linear.gather [hbm4b:s21+s7], $0x400, $0x38;
	[tilespmem:$0x1D580] =	vst v63  }
0x3e: {  	s24 =	simm.s32 $0x6300;
	s23 =	rddreg [dreg:$0x10]  }
0x3f: {  	[tilespmem:s24], [sflag:$0x1] =	stream.linear.gather [hbm4b:s23+s7], $0x400, $0x38;
	[tilespmem:$0x1D580] =	vst v63  }
0x40: {  	s26 =	simm.s32 $0x6700;
	s25 =	rddreg [dreg:$0x11]  }
0x41: {  	[tilespmem:s26], [sflag:$0x1] =	stream.linear.gather [hbm4b:s25+s7], $0x400, $0x38;
	[tilespmem:$0x1D580] =	vst v63  }
0x42: {  	s29 =	simm.s32 $0x6B00;
	s28 =	rddreg [dreg:$0x12]  }
0x43: {  	[tilespmem:s29], [sflag:$0x1] =	stream.linear.gather [hbm4b:s28+s7], $0x400, $0x38;
	[tilespmem:$0x1D580] =	vst v63  }
0x44: {  	s31 =	simm.s32 $0x6F00;
	s30 =	rddreg [dreg:$0x13]  }
0x45: {  	[tilespmem:s31], [sflag:$0x1] =	stream.linear.gather [hbm4b:s30+s7], $0x400, $0x38;
	[tilespmem:$0x1D580] =	vst v63  }
0x46: {  	s6 =	simm.s32 $0x7300;
	s3 =	rddreg [dreg:$0x14]  }
0x47: {  	[tilespmem:s6], [sflag:$0x1] =	stream.strided.gather [hbm4b:s3+s1], $0x0, s2, s1, $0x38;
	[tilespmem:$0x1D580] =	vst v63  }
0x48: {  	_ = 	snop  }
0x49: {  	[tilespmem:s6], [sflag:$0x1] =	stream.linear.gather [hbm4b:s3+s7], $0x100, $0x38;
	[tilespmem:$0x1D580] =	vst v63  }
0x4a: {  	s8 =	rddreg [dreg:$0x15];
	s6 =	simm.s32 $0x7700  }
0x4b: {  	[tilespmem:s6], [sflag:$0x1] =	stream.linear.gather [hbm4b:s8+s7], $0x400, $0x38;
	[tilespmem:$0x1D580] =	vst v63  }
0x4c: {  	s9 =	rddreg [dreg:$0x16];
	s10 =	simm.s32 $0x7B00  }
0x4d: {  	[tilespmem:s10], [sflag:$0x1] =	stream.linear.gather [hbm4b:s9+s7], $0x400, $0x38;
	[tilespmem:$0x1D580] =	vst v63  }
0x4e: {  	s11 =	rddreg [dreg:$0x17];
	s12 =	simm.s32 $0x7F00  }
0x4f: {  	[tilespmem:s12], [sflag:$0x1] =	stream.linear.gather [hbm4b:s11+s7], $0x400, $0x38;
	[tilespmem:$0x1D580] =	vst v63  }
0x50: {  	s13 =	rddreg [dreg:$0x18];
	s14 =	simm.s32 $0x8300  }
0x51: {  	[tilespmem:s14], [sflag:$0x1] =	stream.linear.gather [hbm4b:s13+s7], $0x400, $0x38;
	[tilespmem:$0x1D580] =	vst v63  }
0x52: {  	s15 =	rddreg [dreg:$0x19];
	s16 =	simm.s32 $0x8700  }
0x53: {  	[tilespmem:s16], [sflag:$0x1] =	stream.linear.gather [hbm4b:s15+s7], $0x400, $0x38;
	[tilespmem:$0x1D580] =	vst v63  }
0x54: {  	s17 =	rddreg [dreg:$0x1a];
	s18 =	simm.s32 $0x8B00  }
0x55: {  	[tilespmem:s18], [sflag:$0x1] =	stream.linear.gather [hbm4b:s17+s7], $0x400, $0x38;
	[tilespmem:$0x1D580] =	vst v63  }
0x56: {  	s19 =	rddreg [dreg:$0x1b];
	s20 =	simm.s32 $0x8F00  }
0x57: {  	[tilespmem:s20], [sflag:$0x1] =	stream.strided.gather [hbm4b:s19+s1], $0x0, s2, s1, $0x38;
	[tilespmem:$0x1D580] =	vst v63  }
0x58: {  	s21 =	simm.s32 $0x1  }
0x59: {  	[tilespmem:s20], [sflag:$0x1] =	stream.linear.gather [hbm4b:s19+s7], $0x100, $0x38;
	[tilespmem:$0x1D580] =	vst v63  }
0x5a: {  	_ =	swait.ge [sflag:s21], $0x400  }
0x5b: {  	[sflag:s21] =	ssyncset.done $0x0  }
0x5c: {  	[sflag:s21] =	ssyncadd.s32 $0xFFFFFC00  }
0x5d: {  	_ =	swait.ge [sflag:s21], $0x400  }
0x5e: {  	[sflag:s21] =	ssyncset.done $0x0  }
0x5f: {  	[sflag:s21] =	ssyncadd.s32 $0xFFFFFC00  }
0x60: {  	_ =	swait.ge [sflag:s21], $0x400  }
0x61: {  	[sflag:s21] =	ssyncset.done $0x0  }
0x62: {  	[sflag:s21] =	ssyncadd.s32 $0xFFFFFC00  }
0x63: {  	_ =	swait.ge [sflag:s21], $0x400  }
0x64: {  	[sflag:s21] =	ssyncset.done $0x0  }
0x65: {  	[sflag:s21] =	ssyncadd.s32 $0xFFFFFC00  }
0x66: {  	_ =	swait.ge [sflag:s21], $0x400  }
0x67: {  	[sflag:s21] =	ssyncset.done $0x0  }
0x68: {  	[sflag:s21] =	ssyncadd.s32 $0xFFFFFC00  }
0x69: {  	_ =	swait.ge [sflag:s21], $0x400  }
0x6a: {  	[sflag:s21] =	ssyncset.done $0x0  }
0x6b: {  	[sflag:s21] =	ssyncadd.s32 $0xFFFFFC00  }
0x6c: {  	_ =	swait.ge [sflag:s21], $0x100  }
0x6d: {  	[sflag:s21] =	ssyncset.done $0x0  }
0x6e: {  	[sflag:s21] =	ssyncadd.s32 $0xFFFFFF00  }
0x6f: {  	_ =	swait.ge [sflag:s21], $0x400  }
0x70: {  	[sflag:s21] =	ssyncset.done $0x0  }
0x71: {  	[sflag:s21] =	ssyncadd.s32 $0xFFFFFC00  }
0x72: {  	_ =	swait.ge [sflag:s21], $0x400  }
0x73: {  	[sflag:s21] =	ssyncset.done $0x0  }
0x74: {  	[sflag:s21] =	ssyncadd.s32 $0xFFFFFC00  }
0x75: {  	_ =	swait.ge [sflag:s21], $0x400  }
0x76: {  	[sflag:s21] =	ssyncset.done $0x0  }
0x77: {  	[sflag:s21] =	ssyncadd.s32 $0xFFFFFC00  }
0x78: {  	_ =	swait.ge [sflag:s21], $0x400  }
0x79: {  	[sflag:s21] =	ssyncset.done $0x0  }
0x7a: {  	[sflag:s21] =	ssyncadd.s32 $0xFFFFFC00  }
0x7b: {  	_ =	swait.ge [sflag:s21], $0x400  }
0x7c: {  	[sflag:s21] =	ssyncset.done $0x0  }
0x7d: {  	[sflag:s21] =	ssyncadd.s32 $0xFFFFFC00  }
0x7e: {  	_ =	swait.ge [sflag:s21], $0x400  }
0x7f: {  	[sflag:s21] =	ssyncset.done $0x0  }
0x80: {  	[sflag:s21] =	ssyncadd.s32 $0xFFFFFC00  }
0x81: {  	_ =	swait.ge [sflag:s21], $0x100  }
0x82: {  	[sflag:s21] =	ssyncset.done $0x0  }
0x83: {  	[sflag:s21] =	ssyncadd.s32 $0xFFFFFF00  }
0x84: {  	_ =	swait.ge [sflag:s21], $0x400  }
0x85: {  	[sflag:s21] =	ssyncset.done $0x0  }
0x86: {  	[sflag:s21] =	ssyncadd.s32 $0xFFFFFC00  }
0x87: {  	_ =	swait.ge [sflag:s21], $0x400  }
0x88: {  	[sflag:s21] =	ssyncset.done $0x0  }
0x89: {  	[sflag:s21] =	ssyncadd.s32 $0xFFFFFC00  }
0x8a: {  	_ =	swait.ge [sflag:s21], $0x400  }
0x8b: {  	[sflag:s21] =	ssyncset.done $0x0  }
0x8c: {  	[sflag:s21] =	ssyncadd.s32 $0xFFFFFC00  }
0x8d: {  	_ =	swait.ge [sflag:s21], $0x400  }
0x8e: {  	[sflag:s21] =	ssyncset.done $0x0  }
0x8f: {  	[sflag:s21] =	ssyncadd.s32 $0xFFFFFC00  }
0x90: {  	_ =	swait.ge [sflag:s21], $0x400  }
0x91: {  	[sflag:s21] =	ssyncset.done $0x0  }
0x92: {  	[sflag:s21] =	ssyncadd.s32 $0xFFFFFC00  }
0x93: {  	_ =	swait.ge [sflag:s21], $0x400  }
0x94: {  	[sflag:s21] =	ssyncset.done $0x0  }
0x95: {  	[sflag:s21] =	ssyncadd.s32 $0xFFFFFC00  }
0x96: {  	s22 =	simm.s32 $0x7800;
	_ =	swait.ge [sflag:s21], $0x100  }
0x97: {  	s23 =	simm.s32 $0x5C00;
	[smem:$0x7F5] =	sst s22  }
0x98: {  	s24 =	simm.s32 $0x4000;
	[smem:$0x7F6] =	sst s23  }
0x99: {  	s25 =	simm.s32 $0x7880;
	[smem:$0x7F7] =	sst s24  }
0x9a: {  	s26 =	simm.s32 $0x5C80;
	[smem:$0x7F8] =	sst s25  }
0x9b: {  	s28 =	simm.s32 $0x4080;
	[smem:$0x7F9] =	sst s26  }
0x9c: {  	s29 =	simm.s32 $0x7900;
	[smem:$0x7FA] =	sst s28  }
0x9d: {  	s30 =	simm.s32 $0x5D00;
	[smem:$0x7FB] =	sst s29  }
0x9e: {  	s31 =	simm.s32 $0x4100;
	[sflag:s21] =	ssyncset.done $0x0;
	[smem:$0x7FC] =	sst s30  }
0x9f: {  	s1 =	simm.s32 $0x0;
	[smem:$0x7FD] =	sst s31;
	[sflag:s21] =	ssyncadd.s32 $0xFFFFFF00  }
.LBB2_2:
0xa0: {  	p1 =	seq.s32 s1, $0x0  }
0xa1: {  	s0 =	simm.s32 @!p1 $0x3  }
0xa2: {  	s31 =	smul.u32 $0x5, s1;
	_ =	swait.ge @!p1 [sflag:s0], $0x4000  }
0xa3: {  	[smem:$0x7EF] =	sst s1  }
0xa4: {  	v3 =	vmov s5;
	[smem:$0x7F0] =	sst s31  }
0xa5: {  	[smem:$0x7F1] =	sst s4  }
0xa6: {  	[sflag:s0] =	ssyncset.done @!p1 $0x0;
	[smem:$0x7F2] =	sst s5  }
0xa7: {  	v2 =	vmov s4;
	v4 =	vmov s6;
	[smem:$0x7F3] =	sst s6;
	[sflag:s0] =	ssyncadd.s32 @!p1 $0xFFFFC000;
	s0 =	simm.s32 $0x0  }
.LBB2_3:
0xa8: {  	s1 =	sshra.s32 s0, $0x2  }
0xa9: {  	v5 =	vld.idx.msk [tilespmem:v3+s1+$0x0 ss:$0x1], $0xffff;
	_ =	sdelay $0x4  }
0xaa: {  	(v2sf) =	vpush v5, $0xD;
	_ =	sdelay $0x1  }
0xab: {  	(v2sf) =	vpush v5, $0xC;
	_ =	sdelay $0x1  }
0xac: {  	(v2sf) =	vpush v5, $0xE;
	_ =	sdelay $0x1  }
0xad: {  	(v2sf) =	vpush v5, $0xF;
	_ =	sdelay $0x1  }
0xae: {  	(v2sf) =	vpush v5, $0x9;
	_ =	sdelay $0x1  }
0xaf: {  	(v2sf) =	vpush v5, $0x8;
	_ =	sdelay $0x1  }
0xb0: {  	(v2sf) =	vpush v5, $0xA;
	_ =	sdelay $0x1  }
0xb1: {  	(v2sf) =	vpush v5, $0xB  }
0xb2: {  	s19 =	spop (v2sf)  }
0xb3: {  	[smem:$0x7ED] =	sst s0;
	(v2sf) =	vpush v5, $0x0;
	s4 =	smulhi.u32 $0x2AAAAAAB, s19;
	s0 =	sshra.s32 s19, $0x1F  }
0xb4: {  	s20 =	spop (v2sf);
	s5 =	smul.u32 $0x2AAAAAAB, s0  }
0xb5: {  	(v2sf) =	vpush v5, $0x1;
	s6 =	smulhi.u32 $0x2AAAAAAB, s20;
	s0 =	sshra.s32 s20, $0x1F  }
0xb6: {  	s21 =	spop (v2sf);
	s7 =	smul.u32 $0x2AAAAAAB, s0  }
0xb7: {  	(v2sf) =	vpush v5, $0x2;
	s10 =	smulhi.u32 $0x2AAAAAAB, s21;
	s0 =	sshra.s32 s21, $0x1F  }
0xb8: {  	s22 =	spop (v2sf);
	s11 =	smul.u32 $0x2AAAAAAB, s0  }
0xb9: {  	(v2sf) =	vpush v5, $0x3;
	s12 =	smulhi.u32 $0x2AAAAAAB, s22;
	s0 =	sshra.s32 s22, $0x1F  }
0xba: {  	s23 =	spop (v2sf);
	s13 =	smul.u32 $0x2AAAAAAB, s0  }
0xbb: {  	s17 =	smulhi.u32 $0x2AAAAAAB, s23;
	s0 =	sshra.s32 s23, $0x1F  }
0xbc: {  	s24 =	spop (v2sf);
	s18 =	smul.u32 $0x2AAAAAAB, s0  }
0xbd: {  	[smem:$0x7EE] =	sst s1;
	(v2sf) =	vpush v5, $0x4;
	s19 =	smulhi.u32 $0x2AAAAAAB, s24;
	s0 =	sshra.s32 s24, $0x1F  }
0xbe: {  	s8 =	sadd.s32 s7, s6;
	s25 =	spop (v2sf);
	s23 =	smul.u32 $0x2AAAAAAB, s0  }
0xbf: {  	v6 =	vld.idx.msk [tilespmem:v4+s1+$0x0 ss:$0x1], $0xffff;
	(v2sf) =	vpush v5, $0x5;
	[smem:$0x7DF] =	sst s8;
	s24 =	smulhi.u32 $0x2AAAAAAB, s25;
	s0 =	sshra.s32 s25, $0x1F  }
0xc0: {  	s11 =	sadd.s32 s11, s10;
	s26 =	spop (v2sf);
	s25 =	smul.u32 $0x2AAAAAAB, s0  }
0xc1: {  	(v2sf) =	vpush v5, $0x6;
	[smem:$0x7E2] =	sst s11;
	s29 =	smulhi.u32 $0x2AAAAAAB, s26;
	s0 =	sshra.s32 s26, $0x1F  }
0xc2: {  	s13 =	sadd.s32 s13, s12;
	s28 =	spop (v2sf);
	s31 =	smul.u32 $0x2AAAAAAB, s0  }
0xc3: {  	(v2sf) =	vpush v5, $0x7;
	[smem:$0x7E4] =	sst s13;
	s16 =	sadd.s32 s18, s17;
	s30 =	smulhi.u32 $0x2AAAAAAB, s28  }
0xc4: {  	(v2sf) =	vpush v6, $0xD;
	s1 =	sshra.s32 s28, $0x1F;
	s3 =	spop (v2sf);
	[smem:$0x7E3] =	sst s16  }
0xc5: {  	(v2sf) =	vpush v6, $0xC;
	[smem:$0x7DC] =	sst s30;
	s30 =	smul.u32 $0x2AAAAAAB, s1  }
0xc6: {  	s17 =	sadd.s32 s23, s19;
	s9 =	spop (v2sf);
	s1 =	smulhi.u32 $0x2AAAAAAB, s3  }
0xc7: {  	(v2sf) =	vpush v6, $0xE;
	[smem:$0x7E1] =	sst s17;
	s28 =	sadd.s32 s25, s24;
	s26 =	smulhi.u32 $0x2AAAAAAB, s9  }
0xc8: {  	s3 =	sshra.s32 s3, $0x1F;
	(v2sf) =	vpush v6, $0xF;
	s15 =	spop (v2sf);
	[smem:$0x7E5] =	sst s28  }
0xc9: {  	s9 =	sshra.s32 s9, $0x1F;
	s2 =	smul.u32 $0x2AAAAAAB, s3;
	s28 =	sld [smem:$0x7DC]  }
0xca: {  	(v2sf) =	vpush v6, $0x9;
	s22 =	smul.u32 $0x2AAAAAAB, s9;
	s3 =	sadd.s32 s5, s4;
	[smem:$0x7DD] =	sst s1  }
0xcb: {  	s20 =	smulhi.u32 $0x2AAAAAAB, s15;
	s4 =	sshra.s32 s15, $0x1F;
	(v2sf) =	vpush v6, $0x8;
	[smem:$0x7E0] =	sst s3  }
0xcc: {  	s15 =	smul.u32 $0x2AAAAAAB, s4;
	(v2sf) =	vpush v6, $0xA;
	s9 =	spop (v2sf)  }
0xcd: {  	[smem:$0x7DE] =	sst s2;
	s21 =	smulhi.u32 $0x2AAAAAAB, s9;
	s6 =	sshra.s32 s9, $0x1F  }
0xce: {  	s1 =	sadd.s32 s31, s29;
	s14 =	spop (v2sf);
	s12 =	smul.u32 $0x2AAAAAAB, s6  }
0xcf: {  	[smem:$0x7E6] =	sst s1;
	(v2sf) =	vpush v6, $0xB;
	s13 =	smulhi.u32 $0x2AAAAAAB, s14;
	s6 =	sshra.s32 s14, $0x1F  }
0xd0: {  	s18 =	spop (v2sf);
	s19 =	smul.u32 $0x2AAAAAAB, s6  }
0xd1: {  	s22 =	sadd.s32 s22, s26;
	s23 =	smulhi.u32 $0x2AAAAAAB, s18;
	s6 =	sshra.s32 s18, $0x1F  }
0xd2: {  	s26 =	sadd.s32 s15, s20;
	s2 =	spop (v2sf);
	s24 =	smul.u32 $0x2AAAAAAB, s6  }
0xd3: {  	s25 =	smulhi.u32 $0x2AAAAAAB, s2;
	s6 =	sshra.s32 s2, $0x1F;
	s29 =	spop (v2sf)  }
0xd4: {  	s31 =	smul.u32 $0x2AAAAAAB, s6;
	s3 =	sshra.s32 s29, $0x1F;
	s14 =	spop (v2sf)  }
0xd5: {  	s15 =	sadd.s32 s19, s13;
	s16 =	smul.u32 $0x88888889, s3;
	s4 =	sshra.s32 s14, $0x1F  }
0xd6: {  	s11 =	spop (v2sf);
	s19 =	sadd.s32 s24, s23;
	s23 =	smulhi.u32 $0x88888889, s14  }
0xd7: {  	s6 =	smul.u32 $0x88888889, s4;
	s5 =	sshra.s32 s11, $0x1F;
	s2 =	spop (v2sf)  }
0xd8: {  	s30 =	sadd.s32 s30, s28;
	(v2sf) =	vpush v6, $0x1;
	s5 =	smul.u32 $0x88888889, s5;
	s7 =	sshra.s32 s2, $0x1F  }
0xd9: {  	s17 =	spop (v2sf);
	s13 =	ssub.s32 s23, s14;
	s14 =	smulhi.u32 $0x88888889, s2  }
0xda: {  	s7 =	smul.u32 $0x88888889, s7;
	s8 =	sshra.s32 s17, $0x1F;
	s4 =	spop (v2sf)  }
0xdb: {  	(v2sf) =	vpush v6, $0x0;
	s8 =	smul.u32 $0x88888889, s8;
	s9 =	sshra.s32 s4, $0x1F;
	s1 =	spop (v2sf)  }
0xdc: {  	s28 =	sld [smem:$0x7DD];
	s10 =	smul.u32 $0x88888889, s9;
	s18 =	sshra.s32 s1, $0x1F  }
0xdd: {  	s20 =	sadd.s32 s31, s25;
	s9 =	smul.u32 $0x88888889, s18;
	s18 =	sld [smem:$0x7DE]  }
0xde: {  	s31 =	sadd.s32 s6, s13;
	s3 =	spop (v2sf);
	s13 =	smulhi.u32 $0x88888889, s1  }
0xdf: {  	s2 =	ssub.s32 s14, s2;
	s14 =	smulhi.u32 $0x88888889, s3  }
0xe0: {  	(v2sf) =	vpush v6, $0x2;
	s0 =	sshra.s32 s3, $0x1F;
	s28 =	sadd.s32 s18, s28;
	s18 =	smulhi.u32 $0x88888889, s29  }
0xe1: {  	s0 =	smul.u32 $0x88888889, s0  }
0xe2: {  	s21 =	sadd.s32 s12, s21;
	s12 =	ssub.s32 s18, s29;
	s29 =	smulhi.u32 $0x88888889, s11  }
0xe3: {  	s23 =	sadd.s32 s7, s2;
	s18 =	smulhi.u32 $0x88888889, s17  }
0xe4: {  	s1 =	ssub.s32 s13, s1;
	s24 =	sadd.s32 s16, s12;
	s16 =	ssub.s32 s29, s11  }
0xe5: {  	(v2sf) =	vpush v6, $0x3;
	s29 =	smulhi.u32 $0x88888889, s4;
	s12 =	ssub.s32 s18, s17;
	s18 =	ssub.s32 s14, s3  }
0xe6: {  	s11 =	sld [smem:$0x7DF];
	s25 =	sadd.s32 s5, s16;
	s5 =	sadd.s32 s8, s12  }
0xe7: {  	(v2sf) =	vpush v6, $0x4;
	s16 =	spop (v2sf);
	s12 =	sadd.s32 s9, s1;
	s9 =	sld [smem:$0x7E0]  }
0xe8: {  	s0 =	sadd.s32 s0, s18;
	s18 =	sld [smem:$0x7E1];
	s4 =	ssub.s32 s29, s4  }
0xe9: {  	(v2sf) =	vpush v6, $0x5;
	s17 =	smulhi.u32 $0x88888889, s16;
	s6 =	sshra.s32 s16, $0x1F;
	s4 =	sadd.s32 s10, s4  }
0xea: {  	s2 =	smul.u32 $0x88888889, s6;
	s7 =	sshrl.u32 s11, $0x1F;
	s6 =	spop (v2sf)  }
0xeb: {  	(v2sf) =	vpush v6, $0x6;
	v9 =	vmov s11;
	s29 =	ssub.s32 s17, s16;
	s8 =	sshrl.u32 s9, $0x1F;
	s10 =	sshrl.u32 s18, $0x1F  }
0xec: {  	(v2sf) =	vpush v6, $0x7;
	v7 =	vmov s7;
	s13 =	smulhi.u32 $0x88888889, s6;
	s16 =	sld [smem:$0x7E3];
	v9 =	vsel vm0, s9, v9;
	s9 =	sshrl.u32 s26, $0x1F  }
0xed: {  	v14 =	vmov s4;
	v7 =	vsel vm0, s8, v7;
	v8 =	vmov s10;
	s29 =	sadd.s32 s2, s29;
	s10 =	sld [smem:$0x7E2];
	s8 =	sshra.s32 s6, $0x1F  }
0xee: {  	v57 =	vsel vm0, s5, v14;
	s5 =	sshrl.u32 s20, $0x1F;
	s1 =	ssub.s32 s13, s6;
	s13 =	sld [smem:$0x7E4]  }
0xef: {  	s6 =	spop (v2sf);
	s2 =	smul.u32 $0x88888889, s8;
	s17 =	sshrl.u32 s16, $0x1F  }
0xf0: {  	v10 =	vmov s18;
	s8 =	sshrl.u32 s30, $0x1F;
	s14 =	sshrl.u32 s10, $0x1F;
	v8 =	vsel vm0, s17, v8;
	s17 =	sld [smem:$0x7E5]  }
0xf1: {  	v12 =	vmov s30;
	s11 =	sshra.s32 s6, $0x1F;
	v10 =	vsel vm0, s16, v10;
	s16 =	sshrl.u32 s28, $0x1F;
	v7 =	vsel vm1, s14, v7;
	s14 =	sld [smem:$0x7E6]  }
0xf2: {  	v12 =	vnsel vm3, $0x0, v12;
	v11 =	vmov s8;
	s8 =	sshrl.u32 s22, $0x1F;
	v9 =	vsel vm1, s10, v9;
	s10 =	sshrl.u32 s21, $0x1F;
	s1 =	sadd.s32 s2, s1  }
0xf3: {  	v12 =	vsel vm0, s28, v12;
	s3 =	sshrl.u32 s13, $0x1F;
	v9 =	vsel vm2, s13, v9;
	s13 =	smulhi.u32 $0x88888889, s6;
	s7 =	sshrl.u32 s17, $0x1F;
	v10 =	vsel vm1, s17, v10  }
0xf4: {  	v7 =	vsel vm2, s3, v7;
	s3 =	smul.u32 $0x88888889, s11;
	v8 =	vsel vm1, s7, v8;
	s7 =	sshrl.u32 s14, $0x1F;
	v10 =	vsel vm2, s14, v10;
	s14 =	spop (v2sf)  }
0xf5: {  	v12 =	vsel vm1, s22, v12;
	v11 =	vnsel vm3, $0x0, v11;
	s11 =	sshrl.u32 s15, $0x1F;
	s17 =	smulhi.u32 $0x88888889, s14;
	s18 =	sshra.s32 s14, $0x1F  }
0xf6: {  	v13 =	vmov s31;
	v12 =	vsel vm2, s26, v12;
	v11 =	vsel vm0, s16, v11;
	s6 =	ssub.s32 s13, s6;
	s16 =	spop (v2sf);
	s4 =	smul.u32 $0x88888889, s18  }
0xf7: {  	v13 =	vsel vm0, s24, v13;
	v12 =	vsel vm4, s21, v12;
	s3 =	sadd.s32 s3, s6;
	s24 =	smulhi.u32 $0x88888889, s16;
	s31 =	sshra.s32 s16, $0x1F  }
0xf8: {  	v12 =	vsel vm5, s15, v12;
	v13 =	vsel vm1, s25, v13;
	v8 =	vsel vm2, s7, v8;
	s7 =	sshrl.u32 s19, $0x1F;
	s25 =	smul.u32 $0x88888889, s31;
	s6 =	spop (v2sf)  }
0xf9: {  	v12 =	vsel vm6, s19, v12;
	v58 =	vsel vm2, s23, v13;
	v59 =	vmov s1;
	s30 =	ssub.s32 s17, s14;
	s31 =	smulhi.u32 $0x88888889, s6;
	s14 =	sshra.s32 s6, $0x1F  }
0xfa: {  	v11 =	vsel vm1, s8, v11;
	v9 =	vcombine.low v10, v9;
	v10 =	vnsel vm3, $0x0, v59;
	s1 =	sadd.s32 s4, s30;
	s18 =	spop (v2sf);
	s17 =	smul.u32 $0x88888889, s14  }
0xfb: {  	v12 =	vsel vm7, s20, v12;
	v11 =	vsel vm2, s9, v11;
	v10 =	vsel vm0, s29, v10;
	s22 =	ssub.s32 s24, s16;
	s23 =	smulhi.u32 $0x88888889, s18;
	s24 =	sshra.s32 s18, $0x1F  }
0xfc: {  	v12 =	vperm.xlane v12, v1;
	v11 =	vsel vm4, s10, v11;
	v10 =	vsel vm1, s3, v10;
	s25 =	sadd.s32 s25, s22;
	s28 =	spop (v2sf);
	s26 =	smul.u32 $0x88888889, s24  }
0xfd: {  	v11 =	vsel vm5, s11, v11;
	v7 =	vcombine.low v8, v7;
	v10 =	vsel vm2, s1, v10;
	s29 =	ssub.s32 s31, s6;
	s30 =	smulhi.u32 $0x88888889, s28;
	s31 =	sshra.s32 s28, $0x1F  }
0xfe: {  	v8 =	vsel vm1, s12, v57;
	v11 =	vsel vm6, s7, v11;
	v10 =	vsel vm4, s25, v10;
	s7 =	sadd.s32 s17, s29;
	s10 =	ssub.s32 s23, s18;
	s11 =	smul.u32 $0x88888889, s31  }
0xff: {  	v8 =	vsel vm2, s0, v8;
	v11 =	vsel vm7, s5, v11;
	v10 =	vsel vm5, s7, v10;
	s12 =	sadd.s32 s26, s10;
	s13 =	ssub.s32 s30, s28  }
0x100: {  	v9 =	vperm.xlane v9, v0;
	v8 =	vcombine.low v8, v58;
	v10 =	vsel vm6, s12, v10;
	s14 =	sadd.s32 s11, s13  }
0x101: {  	v7 =	vperm.xlane v7, v0;
	v11 =	vperm.xlane v11, v1;
	v10 =	vsel vm7, s14, v10  }
0x102: {  	v8 =	vperm.xlane v8, v0;
	v10 =	vperm.xlane v10, v1  }
0x103: {  	v9 =	vsel vm8, v12, v9  }
0x104: {  	v7 =	vsel vm8, v11, v7;
	v9 =	vshrl.u32 v9, $0x2;
	v8 =	vsel vm8, v10, v8  }
0x105: {  	v7 =	vadd.s32 v7, v9;
	v8 =	vadd.s32 v6, v8  }
0x106: {  	v7 =	vmul.u32 $0x18, v7;
	v60 =	vshrl.u32 v8, $0x1F;
	v8 =	vshra.s32 v8, $0x5  }
0x107: {  	v8 =	vadd.s32 v60, v8  }
0x108: {  	v5 =	vsub.s32 v5, v7;
	v7 =	vmul.u32 $0x3C, v8  }
0x109: {  	v5 =	vmul.u32 $0x3C, v5  }
0x10a: {  	v6 =	vsub.s32 v6, v7  }
0x10b: {  	v5 =	vadd.s32 v6, v5  }
0x10c: {  	v5 =	vshll.u32 v5, $0x10  }
0x10d: {  	v6 =	vshra.s32 v5, $0x10  }
0x10e: {  	(v2sf) =	vpush v6, $0x0  }
0x10f: {  	(v2sf) =	vpush v6, $0xF  }
0x110: {  	(v2sf) =	vpush v6, $0x1  }
0x111: {  	(v2sf) =	vpush v6, $0x2  }
0x112: {  	(v2sf) =	vpush v6, $0x3  }
0x113: {  	(v2sf) =	vpush v6, $0x4  }
0x114: {  	(v2sf) =	vpush v6, $0x5  }
0x115: {  	(v2sf) =	vpush v6, $0x6  }
0x116: {  	(v2sf) =	vpush v6, $0x7  }
0x117: {  	(v2sf) =	vpush v6, $0x8  }
0x118: {  	(v2sf) =	vpush v6, $0x9;
	_ =	sdelay $0x4  }
0x119: {  	(v2sf) =	vpush v6, $0xA;
	s15 =	spop (v2sf)  }
0x11a: {  	(v2sf) =	vpush v6, $0xB;
	s17 =	spop (v2sf)  }
0x11b: {  	s23 =	sld [smem:$0x7EE];
	s16 =	sshra.s32 s15, $0x1F;
	(v2sf) =	vpush v6, $0xC;
	s18 =	spop (v2sf)  }
0x11c: {  	s0 =	sxor.u32 s16, s15;
	s19 =	spop (v2sf)  }
0x11d: {  	s0 =	ssub.s32 s0, s16;
	s20 =	spop (v2sf)  }
0x11e: {  	v5 =	vld.idx.msk [tilespmem:v2+s23+$0x0 ss:$0x1], $0xffff;
	(drf) =	sdiv.u32 s0, $0x5;
	s0 =	sshra.s32 s17, $0x1F;
	s21 =	spop (v2sf)  }
0x11f: {  	(v2sf) =	vpush v6, $0xD;
	s23 =	sshra.s32 s19, $0x1F;
	s2 =	sxor.u32 s0, s17;
	s22 =	spop (v2sf)  }
0x120: {  	s17 =	sshra.s32 s18, $0x1F;
	s28 =	sxor.u32 s23, s19;
	s24 =	spop (v2sf)  }
0x121: {  	s10 =	sshra.s32 s20, $0x1F;
	s2 =	ssub.s32 s2, s0;
	s9 =	spop (v2sf)  }
0x122: {  	(v2sf) =	vpush v6, $0xE;
	s3 =	sxor.u32 s17, s18;
	(drf) =	sdiv.u32 s2, $0x5;
	s11 =	spop (v2sf)  }
0x123: {  	s30 =	ssub.s32 s28, s23;
	s31 =	sxor.u32 s10, s20;
	s12 =	spop (v2sf);
	(v2sf) =	vpush v5, $0xD  }
0x124: {  	s13 =	sshra.s32 s21, $0x1F;
	s3 =	ssub.s32 s3, s17;
	s6 =	sshra.s32 s22, $0x1F  }
0x125: {  	(drf) =	sdiv.u32 s3, $0x5;
	s3 =	ssub.s32 s31, s10;
	s19 =	sxor.u32 s6, s22;
	(v2sf) =	vpush v5, $0xC  }
0x126: {  	[smem:$0x7E9] =	sst s6;
	(drf) =	sdiv.u32 s30, $0x5;
	s20 =	ssub.s32 s19, s6;
	(v2sf) =	vpush v5, $0xE  }
0x127: {  	(drf) =	sdiv.u32 s3, $0x5;
	s31 =	sshra.s32 s12, $0x1F;
	s25 =	spop (drf)  }
0x128: {  	s14 =	spop (v2sf);
	[smem:$0x7EC] =	sst s31;
	s2 =	sxor.u32 s16, s25  }
0x129: {  	s6 =	sxor.u32 s31, s12;
	s1 =	ssub.s32 s2, s16;
	s15 =	spop (v2sf)  }
0x12a: {  	s2 =	sxor.u32 s13, s21;
	s21 =	sshra.s32 s24, $0x1F;
	s16 =	spop (v2sf);
	(v2sf) =	vpush v5, $0xF  }
0x12b: {  	[smem:$0x7E8] =	sst s1;
	s26 =	spop (drf);
	s18 =	ssub.s32 s2, s13  }
0x12c: {  	[smem:$0x7EA] =	sst s21;
	s22 =	sxor.u32 s21, s24;
	s24 =	sshra.s32 s9, $0x1F  }
0x12d: {  	s29 =	sxor.u32 s0, s26;
	(drf) =	sdiv.u32 s18, $0x5;
	[smem:$0x7EB] =	sst s24  }
0x12e: {  	s3 =	ssub.s32 s22, s21;
	s25 =	sxor.u32 s24, s9;
	s26 =	spop (v2sf)  }
0x12f: {  	(v2sf) =	vpush v5, $0x9;
	s9 =	ssub.s32 s6, s31;
	s18 =	sshra.s32 s15, $0x1F;
	(drf) =	sdiv.u32 s20, $0x5  }
0x130: {  	s0 =	ssub.s32 s29, s0;
	s28 =	ssub.s32 s25, s24;
	s29 =	spop (drf)  }
0x131: {  	s20 =	sshra.s32 s11, $0x1F;
	s2 =	spop (v2sf);
	(v2sf) =	vpush v5, $0x8;
	[smem:$0x7E7] =	sst s0  }
0x132: {  	s15 =	sxor.u32 s18, s15;
	(drf) =	sdiv.u32 s3, $0x5;
	s24 =	spop (v2sf);
	(v2sf) =	vpush v5, $0xA  }
0x133: {  	s30 =	sxor.u32 s20, s11;
	s7 =	sxor.u32 s17, s29;
	s11 =	sshra.s32 s14, $0x1F  }
0x134: {  	s21 =	ssub.s32 s15, s18;
	s15 =	sshra.s32 s26, $0x1F;
	s4 =	spop (v2sf);
	(v2sf) =	vpush v5, $0xB  }
0x135: {  	(drf) =	sdiv.u32 s28, $0x5;
	s0 =	ssub.s32 s30, s20;
	s12 =	spop (v2sf);
	(v2sf) =	vpush v5, $0x1  }
0x136: {  	s14 =	sxor.u32 s11, s14;
	s30 =	sshra.s32 s16, $0x1F;
	(drf) =	sdiv.u32 s0, $0x5  }
0x137: {  	s22 =	sxor.u32 s30, s16;
	(drf) =	sdiv.u32 s9, $0x5;
	s9 =	ssub.s32 s14, s11  }
0x138: {  	s8 =	sxor.u32 s15, s26;
	s14 =	ssub.s32 s22, s30;
	(drf) =	sdiv.u32 s9, $0x5  }
0x139: {  	s9 =	sshra.s32 s2, $0x1F;
	(drf) =	sdiv.u32 s21, $0x5;
	s16 =	spop (v2sf);
	(v2sf) =	vpush v5, $0x0  }
0x13a: {  	s8 =	ssub.s32 s8, s15;
	s5 =	sxor.u32 s9, s2;
	(drf) =	sdiv.u32 s14, $0x5  }
0x13b: {  	s25 =	spop (drf);
	s5 =	ssub.s32 s5, s9;
	(drf) =	sdiv.u32 s8, $0x5  }
0x13c: {  	s17 =	ssub.s32 s7, s17;
	s26 =	sshra.s32 s24, $0x1F;
	(drf) =	sdiv.u32 s5, $0x5  }
0x13d: {  	s8 =	sxor.u32 s23, s25;
	s14 =	smul.u32 $0x92492493, s26;
	s28 =	sshra.s32 s4, $0x1F  }
0x13e: {  	s21 =	smul.u32 $0x92492493, s28;
	s29 =	sshra.s32 s12, $0x1F;
	s19 =	spop (v2sf);
	(v2sf) =	vpush v5, $0x2  }
0x13f: {  	s23 =	ssub.s32 s8, s23;
	s8 =	smul.u32 $0x92492493, s29;
	s31 =	sshra.s32 s16, $0x1F  }
0x140: {  	s22 =	smul.u32 $0x92492493, s31;
	s0 =	sshra.s32 s19, $0x1F;
	s25 =	spop (v2sf)  }
0x141: {  	s26 =	smul.u32 $0x92492493, s0;
	s1 =	sshra.s32 s25, $0x1F;
	s28 =	spop (v2sf)  }
0x142: {  	s3 =	spop (drf);
	s29 =	smul.u32 $0x92492493, s1;
	s2 =	sshra.s32 s28, $0x1F  }
0x143: {  	s5 =	sxor.u32 s10, s3;
	(v2sf) =	vpush v5, $0x3;
	s31 =	spop (v2sf);
	s6 =	smul.u32 $0x92492493, s2  }
0x144: {  	s7 =	sshra.s32 s31, $0x1F;
	s3 =	spop (v2sf);
	s2 =	smulhi.u32 $0x92492493, s24  }
0x145: {  	s1 =	spop (drf);
	s7 =	smul.u32 $0x92492493, s7;
	s0 =	sshra.s32 s3, $0x1F  }
0x146: {  	s5 =	ssub.s32 s5, s10;
	s1 =	sxor.u32 s13, s1;
	(v2sf) =	vpush v5, $0x4;
	s10 =	smul.u32 $0x92492493, s0  }
0x147: {  	s1 =	ssub.s32 s1, s13;
	s13 =	ssub.s32 s2, s24;
	s24 =	smulhi.u32 $0x92492493, s4  }
0x148: {  	s0 =	smulhi.u32 $0x92492493, s12;
	s13 =	sadd.s32 s14, s13;
	s14 =	spop (v2sf)  }
0x149: {  	s2 =	ssub.s32 s24, s4;
	s4 =	smulhi.u32 $0x92492493, s16;
	s24 =	sshra.s32 s14, $0x1F  }
0x14a: {  	(v2sf) =	vpush v5, $0x5;
	s0 =	ssub.s32 s0, s12;
	s12 =	smul.u32 $0x92492493, s24  }
0x14b: {  	s24 =	sadd.s32 s8, s0;
	s8 =	ssub.s32 s4, s16;
	s16 =	smulhi.u32 $0x92492493, s19  }
0x14c: {  	s2 =	sadd.s32 s21, s2;
	s21 =	smulhi.u32 $0x92492493, s25;
	s0 =	sadd.s32 s22, s8  }
0x14d: {  	(v2sf) =	vpush v5, $0x6;
	s8 =	spop (v2sf);
	s4 =	ssub.s32 s16, s19;
	s19 =	smulhi.u32 $0x92492493, s28  }
0x14e: {  	s22 =	sshra.s32 s8, $0x1F;
	s16 =	ssub.s32 s21, s25;
	s25 =	smulhi.u32 $0x92492493, s31  }
0x14f: {  	(v2sf) =	vpush v5, $0x7;
	s21 =	smul.u32 $0x92492493, s22  }
0x150: {  	s4 =	sadd.s32 s26, s4;
	s16 =	sadd.s32 s29, s16;
	s26 =	smulhi.u32 $0x92492493, s3  }
0x151: {  	s29 =	smulhi.u32 $0x92492493, s14;
	s19 =	ssub.s32 s19, s28;
	s22 =	ssub.s32 s25, s31  }
0x152: {  	s28 =	smulhi.u32 $0x92492493, s8;
	s6 =	sadd.s32 s6, s19;
	s19 =	spop (v2sf)  }
0x153: {  	s7 =	sadd.s32 s7, s22;
	s3 =	ssub.s32 s26, s3;
	s26 =	ssub.s32 s29, s14  }
0x154: {  	s31 =	sshra.s32 s19, $0x1F;
	s3 =	sadd.s32 s10, s3;
	s10 =	sadd.s32 s12, s26  }
0x155: {  	s25 =	smulhi.u32 $0x92492493, s19;
	s8 =	ssub.s32 s28, s8;
	s12 =	spop (v2sf)  }
0x156: {  	s22 =	smul.u32 $0x92492493, s31;
	s31 =	sld [smem:$0x7E7];
	s29 =	sshra.s32 s12, $0x1F  }
0x157: {  	s8 =	sadd.s32 s21, s8;
	s21 =	smul.u32 $0x92492493, s29;
	s29 =	sld [smem:$0x7E8]  }
0x158: {  	v7 =	vmov s10;
	s14 =	smulhi.u32 $0x92492493, s12  }
0x159: {  	s26 =	spop (v2sf);
	s19 =	ssub.s32 s25, s19;
	v7 =	vnsel vm3, $0x0, v7;
	v6 =	vmov s31  }
0x15a: {  	s19 =	sadd.s32 s22, s19;
	v7 =	vsel vm0, s3, v7;
	s12 =	ssub.s32 s14, s12;
	s31 =	smulhi.u32 $0x92492493, s26;
	v6 =	vsel vm3, s29, v6  }
0x15b: {  	s22 =	sshra.s32 s26, $0x1F;
	s3 =	spop (drf);
	v7 =	vsel vm1, s8, v7;
	s12 =	sadd.s32 s21, s12;
	v6 =	vsel vm9, s17, v6  }
0x15c: {  	v7 =	vsel vm2, s19, v7;
	s14 =	ssub.s32 s31, s26;
	s17 =	smul.u32 $0x92492493, s22;
	v6 =	vsel vm0, s23, v6;
	s23 =	spop (v2sf)  }
0x15d: {  	v7 =	vsel vm4, s12, v7;
	s12 =	sld [smem:$0x7EC];
	s25 =	smulhi.u32 $0x92492493, s23;
	s26 =	sshra.s32 s23, $0x1F  }
0x15e: {  	v61 =	vmov s2;
	s28 =	sadd.s32 s17, s14;
	s31 =	spop (v2sf);
	s29 =	smul.u32 $0x92492493, s26  }
0x15f: {  	v8 =	vsel vm0, s13, v61;
	v62 =	vmov s16;
	s17 =	spop (drf);
	s13 =	smulhi.u32 $0x92492493, s31;
	s16 =	sshra.s32 s31, $0x1F  }
0x160: {  	s22 =	spop (drf);
	s10 =	ssub.s32 s25, s23;
	s23 =	sld [smem:$0x7E9]  }
0x161: {  	v9 =	vsel vm0, s4, v62;
	s19 =	smul.u32 $0x92492493, s16;
	s25 =	sld [smem:$0x7EA]  }
0x162: {  	v8 =	vsel vm1, s24, v8;
	v9 =	vsel vm1, s6, v9;
	v7 =	vsel vm5, s28, v7;
	s28 =	spop (drf);
	s21 =	ssub.s32 s13, s31;
	s31 =	sld [smem:$0x7EB]  }
0x163: {  	v8 =	vsel vm2, s0, v8;
	v9 =	vsel vm2, s7, v9;
	v6 =	vsel vm10, s5, v6;
	s4 =	sadd.s32 s29, s10;
	s5 =	spop (drf);
	s3 =	sxor.u32 s23, s3  }
0x164: {  	v8 =	vcombine.low v9, v8;
	v6 =	vsel vm1, s1, v6;
	v7 =	vsel vm6, s4, v7;
	s0 =	sadd.s32 s19, s21;
	s26 =	sxor.u32 s25, s17;
	s24 =	ssub.s32 s3, s23  }
0x165: {  	s7 =	sxor.u32 s20, s28;
	v7 =	vsel vm7, s0, v7;
	s29 =	ssub.s32 s26, s25;
	s2 =	sxor.u32 s31, s22;
	v6 =	vsel vm11, s24, v6  }
0x166: {  	v8 =	vperm.xlane v8, v0;
	s8 =	spop (drf);
	s10 =	ssub.s32 s7, s20;
	v7 =	vperm.xlane v7, v1;
	s6 =	ssub.s32 s2, s31;
	v6 =	vsel vm2, s29, v6  }
0x167: {  	s0 =	sxor.u32 s12, s5;
	s13 =	spop (drf);
	s14 =	sxor.u32 s11, s8;
	v6 =	vsel vm12, s6, v6  }
0x168: {  	s0 =	ssub.s32 s0, s12;
	s16 =	spop (drf);
	s17 =	ssub.s32 s14, s11;
	v7 =	vsel vm8, v7, v8;
	v6 =	vsel vm4, s10, v6  }
0x169: {  	s19 =	sxor.u32 s18, s13;
	s20 =	spop (drf);
	s22 =	sxor.u32 s30, s16;
	v7 =	vadd.s32 v5, v7;
	v6 =	vsel vm13, s0, v6  }
0x16a: {  	s21 =	ssub.s32 s19, s18;
	s23 =	ssub.s32 s22, s30;
	s30 =	sld [smem:$0x7ED];
	v63 =	vshrl.u32 v7, $0x1F;
	v7 =	vshrl.u32 v7, $0x2;
	v6 =	vsel vm5, s17, v6  }
0x16b: {  	s24 =	sxor.u32 s15, s20;
	s25 =	spop (drf);
	v7 =	vadd.s32 v63, v7;
	v6 =	vsel vm14, s21, v6  }
0x16c: {  	s26 =	ssub.s32 s24, s15;
	s28 =	sxor.u32 s9, s25;
	v7 =	vmul.u32 $0x7, v7;
	v6 =	vsel vm6, s23, v6  }
0x16d: {  	s29 =	ssub.s32 s28, s9;
	p2 =	sne.s32 s30, $0x1C0;
	v6 =	vsel vm15, s26, v6  }
.Ltmp0:
0x16e: {  	v5 =	vsub.s32 v5, v7;
	v6 =	vsel vm7, s29, v6;
	(pc) =	sbr.rel @p2 .LBB2_3-.Ltmp0, $4  }
0x16f: {  	s31 =	sld [smem:$0x7EE];
	v5 =	vmul.u32 $0x120, v5;
	v6 =	vshll.u32 v6, $0x10  }
0x170: {  	v6 =	vshra.s32 v6, $0x10  }
0x171: {  	v5 =	vadd.s32 v6, v5  }
0x172: {  	s0 =	sadd.s32 $0x40, s30;
	[tilespmem:s31+$0x9300] =	vst v5  }
0x173: {  	s0 =	rddreg [dreg:$0x3]  }
0x174: {  	s1 =	simm.s32 $0x80;
	s2 =	simm.s32 $0x9300;
	s3 =	simm.s32 $0x9580  }
0x175: {  	[tilespmem:s3], [sflag:$0x2] =	stream.indirect.gather [spmem:s0], $0x80, s2, s1, $0xb8;
	[tilespmem:$0x1D580] =	vst v63  }
0x176: {  	s1 =	sld [smem:$0x7EF];
	_ =	sdelay $0x1  }
0x177: {  	s0 =	simm.s32 @!p1 $0x2  }
0x178: {  	_ =	swait.ge @!p1 [sflag:s0], $0x4000;
	s1 =	smul.u32 @!p1 $0x5000, s1  }
0x179: {  	[sflag:s0] =	ssyncset.done @!p1 $0x0;
	s2 =	rddreg [dreg:$0x1e]  }
0x17a: {  	[sflag:s0] =	ssyncadd.s32 @!p1 $0xFFFFC000;
	s1 =	sadd.s32 @!p1 s2, s1  }
0x17b: {  	s0 =	sshll.u32 @!p1 s1, $0x4;
	s1 =	rddreg [dreg:$0x2]  }
0x17c: {  	s2 =	simm.s32 @!p1 $0x19580;
	s0 =	sadd.s32 @!p1 s1, s0;
	s1 =	simm.s32 @!p1 $0x0  }
0x17d: {  	[hbm4b:s0+s1] =	stream.linear.scatter @!p1 [tilespmem:s2], [sflag:$0x3], $0x4000, $0x38;
	[tilespmem:$0x1D580] =	vst v63  }
0x17e: {  	s0 =	sld [smem:$0x7F0];
	_ =	sdelay $0x2  }
0x17f: {  	s1 =	sadd.s32 @!p1 $0x1, s0;
	s0 =	simm.s32 @!p1 $0x3  }
0x180: {  	s1 =	simm.s32 @p1 $0x1;
	_ =	swait.ge @!p1 [sflag:s0], $0x4000  }
0x181: {  	[smem:$0x7DB] =	sst s1;
	s1 =	sshll.u32 s1, $0x7  }
0x182: {  	s1 =	sand.u32 $0x3FFFFF80, s1  }
0x183: {  	s31 =	sadd.s32 $0x5B00, s1  }
0x184: {  	v3 =	vmov s31;
	_ =	sdelay $0x1  }
0x185: {  	[sflag:s0] =	ssyncset.done @!p1 $0x0;
	s30 =	sadd.s32 $0x7700, s1;
	s1 =	sadd.s32 $0x3F00, s1  }
0x186: {  	[sflag:s0] =	ssyncadd.s32 @!p1 $0xFFFFC000;
	s0 =	simm.s32 $0x0;
	v2 =	vmov s1;
	v4 =	vmov s30  }
.LBB2_5:
0x187: {  	s1 =	sshra.s32 s0, $0x2  }
0x188: {  	v5 =	vld.idx.msk [tilespmem:v3+s1+$0x0 ss:$0x1], $0xffff;
	_ =	sdelay $0x4  }
0x189: {  	(v2sf) =	vpush v5, $0xD;
	_ =	sdelay $0x1  }
0x18a: {  	(v2sf) =	vpush v5, $0xC;
	_ =	sdelay $0x1  }
0x18b: {  	(v2sf) =	vpush v5, $0xE;
	_ =	sdelay $0x1  }
0x18c: {  	(v2sf) =	vpush v5, $0xF;
	_ =	sdelay $0x1  }
0x18d: {  	(v2sf) =	vpush v5, $0x9;
	_ =	sdelay $0x1  }
0x18e: {  	(v2sf) =	vpush v5, $0x8  }
0x18f: {  	(v2sf) =	vpush v5, $0xA;
	_ =	sdelay $0x1  }
0x190: {  	(v2sf) =	vpush v5, $0xB;
	_ =	sdelay $0x1  }
0x191: {  	(v2sf) =	vpush v5, $0x0;
	s19 =	spop (v2sf)  }
0x192: {  	[smem:$0x7D9] =	sst s0;
	s4 =	smulhi.u32 $0x2AAAAAAB, s19;
	s0 =	sshra.s32 s19, $0x1F  }
0x193: {  	(v2sf) =	vpush v5, $0x1;
	s20 =	spop (v2sf);
	s5 =	smul.u32 $0x2AAAAAAB, s0  }
0x194: {  	s6 =	smulhi.u32 $0x2AAAAAAB, s20;
	s0 =	sshra.s32 s20, $0x1F  }
0x195: {  	(v2sf) =	vpush v5, $0x2;
	s21 =	spop (v2sf);
	s7 =	smul.u32 $0x2AAAAAAB, s0  }
0x196: {  	s8 =	smulhi.u32 $0x2AAAAAAB, s21;
	s0 =	sshra.s32 s21, $0x1F  }
0x197: {  	s22 =	spop (v2sf);
	s2 =	smul.u32 $0x2AAAAAAB, s0  }
0x198: {  	(v2sf) =	vpush v5, $0x3;
	s11 =	smulhi.u32 $0x2AAAAAAB, s22;
	s0 =	sshra.s32 s22, $0x1F  }
0x199: {  	s23 =	spop (v2sf);
	s12 =	smul.u32 $0x2AAAAAAB, s0  }
0x19a: {  	[smem:$0x7DA] =	sst s1;
	s14 =	smulhi.u32 $0x2AAAAAAB, s23;
	s0 =	sshra.s32 s23, $0x1F  }
0x19b: {  	s24 =	spop (v2sf);
	s7 =	sadd.s32 s7, s6;
	s17 =	smul.u32 $0x2AAAAAAB, s0  }
0x19c: {  	(v2sf) =	vpush v5, $0x4;
	s19 =	smulhi.u32 $0x2AAAAAAB, s24;
	s0 =	sshra.s32 s24, $0x1F;
	s25 =	spop (v2sf)  }
0x19d: {  	[smem:$0x7CA] =	sst s7;
	s10 =	sadd.s32 s2, s8;
	s20 =	smul.u32 $0x2AAAAAAB, s0  }
0x19e: {  	v6 =	vld.idx.msk [tilespmem:v4+s1+$0x0 ss:$0x1], $0xffff;
	(v2sf) =	vpush v5, $0x5;
	s21 =	smulhi.u32 $0x2AAAAAAB, s25;
	s0 =	sshra.s32 s25, $0x1F;
	s26 =	spop (v2sf)  }
0x19f: {  	[smem:$0x7CD] =	sst s10;
	s12 =	sadd.s32 s12, s11;
	s22 =	smul.u32 $0x2AAAAAAB, s0  }
0x1a0: {  	(v2sf) =	vpush v5, $0x6;
	s23 =	smulhi.u32 $0x2AAAAAAB, s26;
	s0 =	sshra.s32 s26, $0x1F;
	s28 =	spop (v2sf)  }
0x1a1: {  	(v2sf) =	vpush v5, $0x7;
	[smem:$0x7CF] =	sst s12;
	s18 =	sadd.s32 s17, s14;
	s24 =	smul.u32 $0x2AAAAAAB, s0  }
0x1a2: {  	s29 =	smulhi.u32 $0x2AAAAAAB, s28;
	s1 =	sshra.s32 s28, $0x1F;
	s3 =	spop (v2sf)  }
0x1a3: {  	(v2sf) =	vpush v6, $0xD;
	[smem:$0x7CE] =	sst s18;
	s20 =	sadd.s32 s20, s19;
	s30 =	smul.u32 $0x2AAAAAAB, s1  }
0x1a4: {  	(v2sf) =	vpush v6, $0xC;
	s31 =	smulhi.u32 $0x2AAAAAAB, s3;
	s3 =	sshra.s32 s3, $0x1F;
	s9 =	spop (v2sf)  }
0x1a5: {  	[smem:$0x7CC] =	sst s20;
	s1 =	smul.u32 $0x2AAAAAAB, s3  }
0x1a6: {  	(v2sf) =	vpush v6, $0xE;
	[smem:$0x7C6] =	sst s29;
	s28 =	smulhi.u32 $0x2AAAAAAB, s9  }
0x1a7: {  	s9 =	sshra.s32 s9, $0x1F;
	s15 =	spop (v2sf);
	[smem:$0x7C7] =	sst s30  }
0x1a8: {  	(v2sf) =	vpush v6, $0xF;
	s3 =	sadd.s32 s5, s4;
	[smem:$0x7C8] =	sst s31;
	s26 =	smul.u32 $0x2AAAAAAB, s9  }
0x1a9: {  	[smem:$0x7CB] =	sst s3;
	s25 =	smulhi.u32 $0x2AAAAAAB, s15;
	s4 =	sshra.s32 s15, $0x1F  }
0x1aa: {  	(v2sf) =	vpush v6, $0x9;
	s31 =	sadd.s32 s22, s21;
	[smem:$0x7C9] =	sst s1;
	s15 =	smul.u32 $0x2AAAAAAB, s4  }
0x1ab: {  	(v2sf) =	vpush v6, $0x8;
	[smem:$0x7D0] =	sst s31;
	s1 =	sadd.s32 s24, s23;
	s9 =	spop (v2sf)  }
0x1ac: {  	s23 =	sld [smem:$0x7C6];
	(v2sf) =	vpush v6, $0xA;
	s13 =	smulhi.u32 $0x2AAAAAAB, s9;
	s6 =	sshra.s32 s9, $0x1F  }
0x1ad: {  	s16 =	spop (v2sf);
	s12 =	smul.u32 $0x2AAAAAAB, s6  }
0x1ae: {  	[smem:$0x7D1] =	sst s1;
	s29 =	smulhi.u32 $0x2AAAAAAB, s16;
	s6 =	sshra.s32 s16, $0x1F  }
0x1af: {  	s26 =	sadd.s32 s26, s28;
	s30 =	spop (v2sf);
	s19 =	smul.u32 $0x2AAAAAAB, s6  }
0x1b0: {  	(v2sf) =	vpush v6, $0xB;
	s21 =	smulhi.u32 $0x2AAAAAAB, s30;
	s6 =	sshra.s32 s30, $0x1F;
	s2 =	spop (v2sf)  }
0x1b1: {  	s15 =	sadd.s32 s15, s25;
	s30 =	sld [smem:$0x7C7];
	s22 =	smul.u32 $0x2AAAAAAB, s6  }
0x1b2: {  	s24 =	smulhi.u32 $0x2AAAAAAB, s2;
	s6 =	sshra.s32 s2, $0x1F;
	s31 =	spop (v2sf)  }
0x1b3: {  	s14 =	smul.u32 $0x2AAAAAAB, s6;
	s3 =	sshra.s32 s31, $0x1F;
	s16 =	spop (v2sf)  }
0x1b4: {  	[smem:$0x7D2] =	sst s15;
	s18 =	smul.u32 $0x88888889, s3;
	s4 =	sshra.s32 s16, $0x1F  }
0x1b5: {  	s11 =	spop (v2sf);
	s21 =	sadd.s32 s22, s21;
	s22 =	smulhi.u32 $0x88888889, s16  }
0x1b6: {  	s23 =	sadd.s32 s30, s23;
	s7 =	smul.u32 $0x88888889, s4;
	s5 =	sshra.s32 s11, $0x1F  }
0x1b7: {  	(v2sf) =	vpush v6, $0x1;
	s3 =	spop (v2sf);
	s14 =	sadd.s32 s14, s24;
	s24 =	smulhi.u32 $0x88888889, s11  }
0x1b8: {  	(v2sf) =	vpush v6, $0x0;
	s30 =	sld [smem:$0x7C8];
	s6 =	smul.u32 $0x88888889, s5;
	s8 =	sshra.s32 s3, $0x1F  }
0x1b9: {  	s28 =	sadd.s32 s12, s13;
	s1 =	spop (v2sf);
	s17 =	smul.u32 $0x88888889, s8  }
0x1ba: {  	s9 =	sshra.s32 s1, $0x1F;
	s5 =	spop (v2sf);
	s15 =	smulhi.u32 $0x88888889, s1  }
0x1bb: {  	s25 =	sadd.s32 s19, s29;
	s8 =	smul.u32 $0x88888889, s9;
	s2 =	spop (v2sf)  }
0x1bc: {  	s29 =	ssub.s32 s22, s16;
	s16 =	smulhi.u32 $0x88888889, s5;
	s20 =	sshra.s32 s2, $0x1F  }
0x1bd: {  	(v2sf) =	vpush v6, $0x2;
	s10 =	sshra.s32 s5, $0x1F;
	s9 =	smul.u32 $0x88888889, s20;
	s20 =	sld [smem:$0x7C9]  }
0x1be: {  	s7 =	sadd.s32 s7, s29;
	s11 =	ssub.s32 s24, s11;
	s10 =	smul.u32 $0x88888889, s10  }
0x1bf: {  	s29 =	sadd.s32 s6, s11;
	s4 =	spop (v2sf);
	s19 =	smulhi.u32 $0x88888889, s2  }
0x1c0: {  	(v2sf) =	vpush v6, $0x3;
	s0 =	sshra.s32 s4, $0x1F;
	s30 =	sadd.s32 s20, s30;
	s20 =	smulhi.u32 $0x88888889, s31  }
0x1c1: {  	(v2sf) =	vpush v6, $0x4;
	s1 =	ssub.s32 s15, s1;
	s5 =	ssub.s32 s16, s5;
	s0 =	smul.u32 $0x88888889, s0  }
0x1c2: {  	s2 =	ssub.s32 s19, s2;
	s12 =	ssub.s32 s20, s31;
	s31 =	smulhi.u32 $0x88888889, s3  }
0x1c3: {  	s6 =	sadd.s32 s10, s5;
	s19 =	sadd.s32 s9, s2;
	s20 =	smulhi.u32 $0x88888889, s4  }
0x1c4: {  	s9 =	sld [smem:$0x7CB];
	s18 =	sadd.s32 s18, s12;
	s12 =	sadd.s32 s8, s1  }
0x1c5: {  	s3 =	ssub.s32 s31, s3;
	s1 =	ssub.s32 s20, s4;
	s20 =	sld [smem:$0x7CC]  }
0x1c6: {  	s24 =	sadd.s32 s17, s3;
	s22 =	spop (v2sf);
	s5 =	sadd.s32 s0, s1  }
0x1c7: {  	(v2sf) =	vpush v6, $0x5;
	s31 =	smulhi.u32 $0x88888889, s22;
	s11 =	sshra.s32 s22, $0x1F;
	s15 =	spop (v2sf)  }
0x1c8: {  	s1 =	smul.u32 $0x88888889, s11;
	s11 =	sld [smem:$0x7CA];
	s17 =	sshrl.u32 s20, $0x1F  }
0x1c9: {  	(v2sf) =	vpush v6, $0x6;
	s10 =	ssub.s32 s31, s22;
	s22 =	smulhi.u32 $0x88888889, s15;
	v8 =	vmov s17;
	s17 =	sld [smem:$0x7D0]  }
0x1ca: {  	s31 =	sadd.s32 s1, s10;
	s10 =	sld [smem:$0x7CD]  }
0x1cb: {  	(v2sf) =	vpush v6, $0x7;
	s13 =	sshrl.u32 s11, $0x1F;
	s0 =	ssub.s32 s22, s15;
	s22 =	sld [smem:$0x7D1]  }
0x1cc: {  	s16 =	sshrl.u32 s9, $0x1F;
	s3 =	spop (v2sf);
	v7 =	vmov s13;
	s13 =	sld [smem:$0x7CF]  }
0x1cd: {  	v10 =	vmov s20;
	s20 =	sshrl.u32 s30, $0x1F;
	s15 =	sshra.s32 s15, $0x1F;
	v9 =	vmov s11;
	v7 =	vsel vm0, s16, v7;
	s16 =	sld [smem:$0x7CE]  }
0x1ce: {  	v12 =	vmov s23;
	s11 =	sshra.s32 s3, $0x1F;
	s8 =	sshrl.u32 s17, $0x1F;
	v9 =	vsel vm0, s9, v9;
	s1 =	sshrl.u32 s10, $0x1F  }
0x1cf: {  	v13 =	vmov s7;
	v9 =	vsel vm1, s10, v9;
	s10 =	sshrl.u32 s28, $0x1F;
	v7 =	vsel vm1, s1, v7;
	s1 =	smul.u32 $0x88888889, s15;
	s15 =	spop (v2sf)  }
0x1d0: {  	v12 =	vnsel vm3, $0x0, v12;
	v13 =	vsel vm0, s18, v13;
	s4 =	sshrl.u32 s13, $0x1F;
	s18 =	spop (v2sf);
	s2 =	sshrl.u32 s16, $0x1F;
	v10 =	vsel vm0, s16, v10  }
0x1d1: {  	v14 =	vmov s6;
	s16 =	sshra.s32 s15, $0x1F;
	v8 =	vsel vm0, s2, v8;
	s2 =	smul.u32 $0x88888889, s11;
	v10 =	vsel vm1, s17, v10;
	s17 =	sld [smem:$0x7D2]  }
0x1d2: {  	v12 =	vsel vm0, s30, v12;
	v7 =	vsel vm2, s4, v7;
	s4 =	sshrl.u32 s22, $0x1F;
	s6 =	smul.u32 $0x88888889, s16;
	v8 =	vsel vm1, s8, v8;
	s8 =	sshrl.u32 s23, $0x1F  }
0x1d3: {  	v12 =	vsel vm1, s26, v12;
	s0 =	sadd.s32 s1, s0;
	s11 =	sshrl.u32 s25, $0x1F;
	v10 =	vsel vm2, s22, v10;
	s22 =	smulhi.u32 $0x88888889, s3;
	v11 =	vmov s8  }
0x1d4: {  	v57 =	vsel vm0, s12, v14;
	s23 =	smulhi.u32 $0x88888889, s15;
	v8 =	vsel vm2, s4, v8;
	s8 =	sshrl.u32 s26, $0x1F;
	v11 =	vnsel vm3, $0x0, v11;
	s9 =	sshrl.u32 s17, $0x1F  }
0x1d5: {  	v7 =	vcombine.low v8, v7;
	v8 =	vsel vm1, s19, v57;
	s3 =	ssub.s32 s22, s3;
	s19 =	smulhi.u32 $0x88888889, s18;
	v11 =	vsel vm0, s20, v11;
	s20 =	sshra.s32 s18, $0x1F  }
0x1d6: {  	v13 =	vsel vm1, s29, v13;
	v9 =	vsel vm2, s13, v9;
	s23 =	ssub.s32 s23, s15;
	v8 =	vsel vm2, s5, v8;
	s5 =	spop (v2sf);
	s22 =	smul.u32 $0x88888889, s20  }
0x1d7: {  	v58 =	vsel vm2, s24, v13;
	v59 =	vmov s0;
	v9 =	vcombine.low v10, v9;
	s2 =	sadd.s32 s2, s3;
	s24 =	smulhi.u32 $0x88888889, s5;
	s29 =	sshra.s32 s5, $0x1F  }
0x1d8: {  	v10 =	vnsel vm3, $0x0, v59;
	v12 =	vsel vm2, s17, v12;
	s0 =	sadd.s32 s6, s23;
	v11 =	vsel vm1, s8, v11;
	s15 =	spop (v2sf);
	s8 =	smul.u32 $0x88888889, s29  }
0x1d9: {  	v10 =	vsel vm0, s31, v10;
	v12 =	vsel vm4, s28, v12;
	v9 =	vperm.xlane v9, v0;
	s16 =	ssub.s32 s19, s18;
	s18 =	smulhi.u32 $0x88888889, s15;
	s19 =	sshra.s32 s15, $0x1F  }
0x1da: {  	v7 =	vperm.xlane v7, v0;
	v8 =	vcombine.low v8, v58;
	v10 =	vsel vm1, s2, v10;
	s23 =	spop (v2sf);
	s20 =	sadd.s32 s22, s16;
	s22 =	smul.u32 $0x88888889, s19  }
0x1db: {  	v12 =	vsel vm5, s25, v12;
	v11 =	vsel vm2, s9, v11;
	v10 =	vsel vm2, s0, v10;
	s24 =	ssub.s32 s24, s5;
	s26 =	smulhi.u32 $0x88888889, s23;
	s28 =	sshra.s32 s23, $0x1F  }
0x1dc: {  	v12 =	vsel vm6, s21, v12;
	v11 =	vsel vm4, s10, v11;
	v10 =	vsel vm4, s20, v10;
	s0 =	sadd.s32 s8, s24;
	s29 =	ssub.s32 s18, s15;
	s30 =	smul.u32 $0x88888889, s28  }
0x1dd: {  	s4 =	sshrl.u32 s21, $0x1F;
	v12 =	vsel vm7, s14, v12;
	v11 =	vsel vm5, s11, v11;
	v10 =	vsel vm5, s0, v10;
	s31 =	sadd.s32 s22, s29;
	s1 =	ssub.s32 s26, s23  }
0x1de: {  	s7 =	sshrl.u32 s14, $0x1F;
	v8 =	vperm.xlane v8, v0;
	v11 =	vsel vm6, s4, v11;
	v10 =	vsel vm6, s31, v10;
	s1 =	sadd.s32 s30, s1  }
0x1df: {  	v12 =	vperm.xlane v12, v1;
	v11 =	vsel vm7, s7, v11;
	v10 =	vsel vm7, s1, v10  }
0x1e0: {  	v11 =	vperm.xlane v11, v1;
	v10 =	vperm.xlane v10, v1  }
0x1e1: {  	v9 =	vsel vm8, v12, v9  }
0x1e2: {  	v9 =	vshrl.u32 v9, $0x2;
	v7 =	vsel vm8, v11, v7;
	v8 =	vsel vm8, v10, v8  }
0x1e3: {  	v7 =	vadd.s32 v7, v9;
	v8 =	vadd.s32 v6, v8  }
0x1e4: {  	v7 =	vmul.u32 $0x18, v7;
	v60 =	vshrl.u32 v8, $0x1F;
	v8 =	vshra.s32 v8, $0x5  }
0x1e5: {  	v8 =	vadd.s32 v60, v8  }
0x1e6: {  	v5 =	vsub.s32 v5, v7;
	v7 =	vmul.u32 $0x3C, v8  }
0x1e7: {  	v5 =	vmul.u32 $0x3C, v5  }
0x1e8: {  	v6 =	vsub.s32 v6, v7  }
0x1e9: {  	v5 =	vadd.s32 v6, v5  }
0x1ea: {  	v5 =	vshll.u32 v5, $0x10  }
0x1eb: {  	v6 =	vshra.s32 v5, $0x10  }
0x1ec: {  	(v2sf) =	vpush v6, $0x0  }
0x1ed: {  	(v2sf) =	vpush v6, $0xF  }
0x1ee: {  	(v2sf) =	vpush v6, $0x1  }
0x1ef: {  	(v2sf) =	vpush v6, $0x2;
	_ =	sdelay $0x1  }
0x1f0: {  	(v2sf) =	vpush v6, $0x3  }
0x1f1: {  	(v2sf) =	vpush v6, $0x4  }
0x1f2: {  	(v2sf) =	vpush v6, $0x5  }
0x1f3: {  	(v2sf) =	vpush v6, $0x6  }
0x1f4: {  	(v2sf) =	vpush v6, $0x7  }
0x1f5: {  	(v2sf) =	vpush v6, $0x8  }
0x1f6: {  	(v2sf) =	vpush v6, $0x9  }
0x1f7: {  	(v2sf) =	vpush v6, $0xA;
	_ =	sdelay $0x2  }
0x1f8: {  	s2 =	spop (v2sf);
	(v2sf) =	vpush v6, $0xB  }
0x1f9: {  	s3 =	sshra.s32 s2, $0x1F;
	s4 =	spop (v2sf)  }
0x1fa: {  	(v2sf) =	vpush v6, $0xC;
	s0 =	sxor.u32 s3, s2;
	s5 =	spop (v2sf)  }
0x1fb: {  	s17 =	sld [smem:$0x7DA];
	s0 =	ssub.s32 s0, s3;
	s6 =	spop (v2sf)  }
0x1fc: {  	s24 =	sshra.s32 s5, $0x1F;
	(drf) =	sdiv.u32 s0, $0x5;
	s0 =	sshra.s32 s4, $0x1F  }
0x1fd: {  	(v2sf) =	vpush v6, $0xD;
	s7 =	spop (v2sf);
	s23 =	sshra.s32 s6, $0x1F;
	s2 =	sxor.u32 s0, s4  }
0x1fe: {  	v5 =	vld.idx.msk [tilespmem:v2+s17+$0x0 ss:$0x1], $0xffff;
	s8 =	spop (v2sf);
	s22 =	sxor.u32 s23, s6;
	s2 =	ssub.s32 s2, s0  }
0x1ff: {  	(v2sf) =	vpush v6, $0xE;
	s10 =	sshra.s32 s7, $0x1F;
	s9 =	spop (v2sf);
	(drf) =	sdiv.u32 s2, $0x5  }
0x200: {  	s26 =	ssub.s32 s22, s23;
	s28 =	sxor.u32 s10, s7;
	s18 =	spop (v2sf)  }
0x201: {  	s13 =	sshra.s32 s8, $0x1F;
	s30 =	sshra.s32 s9, $0x1F;
	s19 =	spop (v2sf)  }
0x202: {  	s29 =	sxor.u32 s13, s8;
	[smem:$0x7D6] =	sst s30;
	s12 =	spop (v2sf)  }
0x203: {  	s31 =	ssub.s32 s29, s13;
	s7 =	sshra.s32 s18, $0x1F;
	s14 =	spop (v2sf);
	(v2sf) =	vpush v5, $0xD  }
0x204: {  	[smem:$0x7D7] =	sst s7;
	s17 =	sshra.s32 s19, $0x1F;
	s20 =	spop (v2sf);
	(v2sf) =	vpush v5, $0xC  }
0x205: {  	s8 =	sxor.u32 s7, s18;
	[smem:$0x7D8] =	sst s17;
	s11 =	spop (drf)  }
0x206: {  	s18 =	sxor.u32 s17, s19;
	(v2sf) =	vpush v5, $0xE;
	s2 =	sxor.u32 s3, s11;
	s11 =	sshra.s32 s20, $0x1F  }
0x207: {  	s1 =	ssub.s32 s2, s3;
	s3 =	sxor.u32 s24, s5;
	s15 =	spop (v2sf)  }
0x208: {  	s2 =	sxor.u32 s30, s9;
	[smem:$0x7D4] =	sst s1;
	s21 =	spop (drf)  }
0x209: {  	s3 =	ssub.s32 s3, s24;
	s16 =	spop (v2sf);
	(v2sf) =	vpush v5, $0xF;
	s6 =	ssub.s32 s2, s30  }
0x20a: {  	s30 =	sshra.s32 s12, $0x1F;
	s1 =	sxor.u32 s11, s20;
	s20 =	sshra.s32 s15, $0x1F  }
0x20b: {  	(drf) =	sdiv.u32 s3, $0x5;
	s25 =	sxor.u32 s0, s21;
	s3 =	ssub.s32 s28, s10  }
0x20c: {  	s19 =	spop (v2sf);
	s21 =	ssub.s32 s18, s17;
	s28 =	sshra.s32 s14, $0x1F  }
0x20d: {  	(v2sf) =	vpush v5, $0x9;
	s2 =	sxor.u32 s20, s15;
	s15 =	sshra.s32 s16, $0x1F;
	(drf) =	sdiv.u32 s26, $0x5  }
0x20e: {  	s0 =	ssub.s32 s25, s0;
	s25 =	sxor.u32 s30, s12;
	s26 =	spop (v2sf)  }
0x20f: {  	s17 =	sshra.s32 s19, $0x1F;
	(drf) =	sdiv.u32 s3, $0x5;
	s3 =	ssub.s32 s8, s7  }
0x210: {  	[smem:$0x7D3] =	sst s0;
	s29 =	ssub.s32 s25, s30;
	(drf) =	sdiv.u32 s31, $0x5  }
0x211: {  	(v2sf) =	vpush v5, $0x8;
	s8 =	sxor.u32 s17, s19;
	s31 =	sxor.u32 s28, s14;
	(drf) =	sdiv.u32 s6, $0x5  }
0x212: {  	s8 =	ssub.s32 s8, s17;
	(drf) =	sdiv.u32 s3, $0x5;
	s4 =	spop (v2sf);
	(v2sf) =	vpush v5, $0xA  }
0x213: {  	s9 =	ssub.s32 s31, s28;
	(drf) =	sdiv.u32 s21, $0x5;
	s5 =	spop (v2sf);
	(v2sf) =	vpush v5, $0xB  }
0x214: {  	s6 =	sxor.u32 s15, s16;
	s3 =	ssub.s32 s2, s20;
	(drf) =	sdiv.u32 s29, $0x5  }
0x215: {  	(drf) =	sdiv.u32 s9, $0x5;
	s9 =	ssub.s32 s1, s11;
	s25 =	spop (v2sf);
	(v2sf) =	vpush v5, $0x1  }
0x216: {  	s14 =	ssub.s32 s6, s15;
	s22 =	spop (drf);
	(drf) =	sdiv.u32 s9, $0x5  }
0x217: {  	s9 =	sshra.s32 s26, $0x1F;
	s0 =	sxor.u32 s24, s22;
	s21 =	spop (drf)  }
0x218: {  	(drf) =	sdiv.u32 s3, $0x5;
	s7 =	sxor.u32 s9, s26;
	s16 =	spop (v2sf);
	(v2sf) =	vpush v5, $0x0  }
0x219: {  	s22 =	sshra.s32 s4, $0x1F;
	(drf) =	sdiv.u32 s14, $0x5;
	s18 =	ssub.s32 s0, s24  }
0x21a: {  	s19 =	ssub.s32 s7, s9;
	s2 =	spop (drf);
	(drf) =	sdiv.u32 s8, $0x5  }
0x21b: {  	s24 =	sshra.s32 s5, $0x1F;
	[smem:$0x7D5] =	sst s18;
	s8 =	smul.u32 $0x92492493, s22  }
0x21c: {  	s12 =	sxor.u32 s23, s21;
	s14 =	smul.u32 $0x92492493, s24;
	s18 =	spop (v2sf);
	(v2sf) =	vpush v5, $0x2  }
0x21d: {  	s23 =	ssub.s32 s12, s23;
	s12 =	sxor.u32 s10, s2;
	s2 =	smulhi.u32 $0x92492493, s4  }
0x21e: {  	s26 =	sshra.s32 s25, $0x1F;
	(drf) =	sdiv.u32 s19, $0x5  }
0x21f: {  	s19 =	smul.u32 $0x92492493, s26;
	s29 =	sshra.s32 s16, $0x1F  }
0x220: {  	s21 =	smul.u32 $0x92492493, s29;
	s31 =	sshra.s32 s18, $0x1F;
	s22 =	spop (v2sf)  }
0x221: {  	s24 =	smul.u32 $0x92492493, s31;
	s0 =	sshra.s32 s22, $0x1F;
	s26 =	spop (v2sf)  }
0x222: {  	(v2sf) =	vpush v5, $0x3;
	s29 =	smul.u32 $0x92492493, s0;
	s1 =	sshra.s32 s26, $0x1F;
	s31 =	spop (v2sf)  }
0x223: {  	s6 =	smul.u32 $0x92492493, s1;
	s3 =	sshra.s32 s31, $0x1F;
	s1 =	spop (drf)  }
0x224: {  	s7 =	smul.u32 $0x92492493, s3;
	s3 =	spop (v2sf);
	s1 =	sxor.u32 s13, s1  }
0x225: {  	(v2sf) =	vpush v5, $0x4;
	s0 =	sshra.s32 s3, $0x1F;
	s1 =	ssub.s32 s1, s13;
	s13 =	smulhi.u32 $0x92492493, s5  }
0x226: {  	s12 =	ssub.s32 s12, s10;
	s4 =	ssub.s32 s2, s4;
	s10 =	smul.u32 $0x92492493, s0  }
0x227: {  	s0 =	sadd.s32 s8, s4;
	s4 =	smulhi.u32 $0x92492493, s25;
	s8 =	spop (v2sf)  }
0x228: {  	s2 =	ssub.s32 s13, s5;
	s13 =	smulhi.u32 $0x92492493, s16;
	s5 =	sshra.s32 s8, $0x1F  }
0x229: {  	(v2sf) =	vpush v5, $0x5;
	s2 =	sadd.s32 s14, s2;
	s4 =	ssub.s32 s4, s25;
	s14 =	smul.u32 $0x92492493, s5  }
0x22a: {  	s5 =	sadd.s32 s19, s4;
	s16 =	ssub.s32 s13, s16;
	s19 =	smulhi.u32 $0x92492493, s18  }
0x22b: {  	s4 =	spop (v2sf);
	s13 =	sadd.s32 s21, s16;
	s21 =	smulhi.u32 $0x92492493, s22  }
0x22c: {  	(v2sf) =	vpush v5, $0x6;
	s25 =	sshra.s32 s4, $0x1F;
	s16 =	ssub.s32 s19, s18;
	s18 =	smulhi.u32 $0x92492493, s26  }
0x22d: {  	s19 =	ssub.s32 s21, s22;
	s21 =	smul.u32 $0x92492493, s25  }
0x22e: {  	(v2sf) =	vpush v5, $0x7;
	s25 =	smulhi.u32 $0x92492493, s31  }
0x22f: {  	s18 =	ssub.s32 s18, s26;
	s26 =	smulhi.u32 $0x92492493, s3  }
0x230: {  	s16 =	sadd.s32 s24, s16;
	s19 =	sadd.s32 s29, s19;
	s29 =	smulhi.u32 $0x92492493, s8  }
0x231: {  	s6 =	sadd.s32 s6, s18;
	s18 =	spop (v2sf);
	s22 =	ssub.s32 s25, s31  }
0x232: {  	s31 =	sshra.s32 s18, $0x1F;
	s8 =	ssub.s32 s29, s8;
	s29 =	smulhi.u32 $0x92492493, s4  }
0x233: {  	s7 =	sadd.s32 s7, s22;
	s3 =	ssub.s32 s26, s3;
	s24 =	smulhi.u32 $0x92492493, s18  }
0x234: {  	s22 =	smul.u32 $0x92492493, s31;
	s8 =	sadd.s32 s14, s8;
	s14 =	spop (v2sf)  }
0x235: {  	s4 =	ssub.s32 s29, s4;
	s31 =	sshra.s32 s14, $0x1F;
	s29 =	sld [smem:$0x7D3]  }
0x236: {  	s4 =	sadd.s32 s21, s4;
	s21 =	smul.u32 $0x92492493, s31;
	s31 =	sld [smem:$0x7D4]  }
0x237: {  	s3 =	sadd.s32 s10, s3;
	s10 =	smulhi.u32 $0x92492493, s14;
	s18 =	ssub.s32 s24, s18;
	v7 =	vmov s8  }
0x238: {  	s25 =	spop (v2sf);
	s8 =	sadd.s32 s22, s18;
	v7 =	vnsel vm3, $0x0, v7;
	s22 =	sld [smem:$0x7D6];
	v6 =	vmov s29  }
0x239: {  	v62 =	vmov s19;
	s24 =	sshra.s32 s25, $0x1F;
	v7 =	vsel vm0, s3, v7;
	s3 =	spop (drf);
	v6 =	vsel vm3, s31, v6;
	s31 =	sld [smem:$0x7D5]  }
0x23a: {  	v9 =	vsel vm0, s16, v62;
	s10 =	ssub.s32 s10, s14;
	s29 =	smulhi.u32 $0x92492493, s25;
	s16 =	spop (drf)  }
0x23b: {  	s18 =	smul.u32 $0x92492493, s24;
	s10 =	sadd.s32 s21, s10;
	s26 =	spop (v2sf)  }
0x23c: {  	s14 =	ssub.s32 s29, s25;
	s29 =	smulhi.u32 $0x92492493, s26;
	v6 =	vsel vm9, s31, v6;
	s31 =	sshra.s32 s26, $0x1F  }
0x23d: {  	v7 =	vsel vm1, s4, v7;
	s3 =	sxor.u32 s22, s3;
	s25 =	spop (v2sf);
	s24 =	smul.u32 $0x92492493, s31  }
0x23e: {  	v61 =	vmov s2;
	v7 =	vsel vm2, s8, v7;
	v6 =	vsel vm0, s23, v6;
	s23 =	sadd.s32 s18, s14;
	s26 =	ssub.s32 s29, s26;
	s29 =	smulhi.u32 $0x92492493, s25  }
0x23f: {  	v8 =	vsel vm0, s0, v61;
	v7 =	vsel vm4, s10, v7;
	s31 =	sshra.s32 s25, $0x1F;
	s0 =	sadd.s32 s24, s26;
	s24 =	sld [smem:$0x7D7]  }
0x240: {  	v8 =	vsel vm1, s5, v8;
	v9 =	vsel vm1, s6, v9;
	s18 =	smul.u32 $0x92492493, s31;
	v7 =	vsel vm5, s23, v7;
	s23 =	ssub.s32 s3, s22;
	s3 =	sld [smem:$0x7D8]  }
0x241: {  	v8 =	vsel vm2, s13, v8;
	v9 =	vsel vm2, s7, v9;
	s21 =	spop (drf);
	v6 =	vsel vm10, s12, v6;
	s19 =	ssub.s32 s29, s25  }
0x242: {  	v8 =	vcombine.low v9, v8;
	v6 =	vsel vm1, s1, v6;
	s29 =	spop (drf);
	v7 =	vsel vm6, s0, v7;
	s26 =	sadd.s32 s18, s19;
	s25 =	sxor.u32 s24, s16  }
0x243: {  	v6 =	vsel vm11, s23, v6;
	s6 =	spop (drf);
	s5 =	sxor.u32 s3, s21;
	v7 =	vsel vm7, s26, v7;
	s31 =	ssub.s32 s25, s24  }
0x244: {  	v8 =	vperm.xlane v8, v0;
	s2 =	sxor.u32 s30, s29;
	s8 =	spop (drf);
	s7 =	ssub.s32 s5, s3;
	v7 =	vperm.xlane v7, v1;
	v6 =	vsel vm2, s31, v6  }
0x245: {  	s10 =	ssub.s32 s2, s30;
	s0 =	sxor.u32 s28, s6;
	s30 =	sld [smem:$0x7D9];
	v6 =	vsel vm12, s7, v6  }
0x246: {  	s12 =	spop (drf);
	s0 =	ssub.s32 s0, s28;
	s13 =	sxor.u32 s11, s8;
	v7 =	vsel vm8, v7, v8;
	v6 =	vsel vm4, s10, v6  }
0x247: {  	s14 =	spop (drf);
	s16 =	ssub.s32 s13, s11;
	s18 =	sxor.u32 s20, s12;
	v7 =	vadd.s32 v5, v7;
	v6 =	vsel vm13, s0, v6  }
0x248: {  	s19 =	spop (drf);
	s21 =	ssub.s32 s18, s20;
	s22 =	sxor.u32 s15, s14;
	v63 =	vshrl.u32 v7, $0x1F;
	v7 =	vshrl.u32 v7, $0x2;
	v6 =	vsel vm5, s16, v6  }
0x249: {  	s23 =	ssub.s32 s22, s15;
	s24 =	sxor.u32 s17, s19;
	s25 =	spop (drf);
	v7 =	vadd.s32 v63, v7;
	v6 =	vsel vm14, s21, v6  }
0x24a: {  	s26 =	ssub.s32 s24, s17;
	s28 =	sxor.u32 s9, s25;
	v7 =	vmul.u32 $0x7, v7;
	v6 =	vsel vm6, s23, v6  }
0x24b: {  	p2 =	sne.s32 s30, $0x1C0;
	s29 =	ssub.s32 s28, s9;
	v6 =	vsel vm15, s26, v6  }
.Ltmp1:
0x24c: {  	v5 =	vsub.s32 v5, v7;
	v6 =	vsel vm7, s29, v6;
	(pc) =	sbr.rel @p2 .LBB2_5-.Ltmp1, $4  }
0x24d: {  	s31 =	sld [smem:$0x7DA];
	v5 =	vmul.u32 $0x120, v5;
	v6 =	vshll.u32 v6, $0x10  }
0x24e: {  	v6 =	vshra.s32 v6, $0x10  }
0x24f: {  	v5 =	vadd.s32 v6, v5  }
0x250: {  	s0 =	sadd.s32 $0x40, s30;
	[tilespmem:s31+$0x9380] =	vst v5  }
0x251: {  	s0 =	sld [smem:$0x7EF]  }
0x252: {  	s1 =	rddreg [dreg:$0x3];
	s2 =	simm.s32 $0x80  }
0x253: {  	s3 =	simm.s32 $0x9380;
	s4 =	simm.s32 $0xD580;
	s22 =	simm.s32 $0x2  }
0x254: {  	[tilespmem:s4], [sflag:$0x2] =	stream.indirect.gather [spmem:s1], $0x80, s3, s2, $0xb8;
	[tilespmem:$0x1D580] =	vst v63  }
0x255: {  	_ =	swait.ge [sflag:s22], $0x4000;
	s0 =	smul.u32 $0x5000, s0  }
0x256: {  	s23 =	rddreg [dreg:$0x5];
	[sflag:s22] =	ssyncset.done $0x0  }
0x257: {  	[sflag:s22] =	ssyncadd.s32 $0xFFFFC000;
	s0 =	sor.u32 s23, s0  }
0x258: {  	s24 =	rddreg [dreg:$0x2];
	s0 =	sshll.u32 s0, $0x4  }
0x259: {  	s25 =	simm.s32 $0x0;
	s26 =	simm.s32 $0x9580;
	s0 =	sadd.s32 s24, s0  }
0x25a: {  	[hbm4b:s0+s25] =	stream.linear.scatter [tilespmem:s26], [sflag:$0x3], $0x4000, $0x38;
	[tilespmem:$0x1D580] =	vst v63  }
0x25b: {  	s0 =	simm.s32 @!p1 $0x3  }
0x25c: {  	_ =	swait.ge @!p1 [sflag:s0], $0x4000  }
0x25d: {  	s30 =	sld [smem:$0x7F6]  }
0x25e: {  	s28 =	sld [smem:$0x7F0]  }
0x25f: {  	s29 =	sld [smem:$0x7F7]  }
0x260: {  	s31 =	sld [smem:$0x7F5];
	v3 =	vmov s30;
	_ =	sdelay $0x1  }
0x261: {  	[sflag:s0] =	ssyncset.done @!p1 $0x0;
	s1 =	sadd.s32 $0x2, s28  }
0x262: {  	[sflag:s0] =	ssyncadd.s32 @!p1 $0xFFFFC000;
	v2 =	vmov s29;
	v4 =	vmov s31;
	[smem:$0x7C5] =	sst s1;
	s1 =	simm.s32 $0x0  }
.LBB2_7:
0x263: {  	s20 =	sshra.s32 s1, $0x2  }
0x264: {  	v5 =	vld.idx.msk [tilespmem:v3+s20+$0x0 ss:$0x1], $0xffff;
	_ =	sdelay $0x4  }
0x265: {  	(v2sf) =	vpush v5, $0xD;
	_ =	sdelay $0x1  }
0x266: {  	(v2sf) =	vpush v5, $0xC;
	_ =	sdelay $0x1  }
0x267: {  	(v2sf) =	vpush v5, $0xE;
	_ =	sdelay $0x1  }
0x268: {  	(v2sf) =	vpush v5, $0xF;
	_ =	sdelay $0x1  }
0x269: {  	(v2sf) =	vpush v5, $0x9;
	_ =	sdelay $0x1  }
0x26a: {  	(v2sf) =	vpush v5, $0x8  }
0x26b: {  	(v2sf) =	vpush v5, $0xA;
	_ =	sdelay $0x1  }
0x26c: {  	(v2sf) =	vpush v5, $0xB;
	_ =	sdelay $0x1  }
0x26d: {  	(v2sf) =	vpush v5, $0x0;
	s0 =	spop (v2sf)  }
0x26e: {  	s4 =	smulhi.u32 $0x2AAAAAAB, s0;
	s0 =	sshra.s32 s0, $0x1F  }
0x26f: {  	(v2sf) =	vpush v5, $0x1;
	s21 =	spop (v2sf);
	s5 =	smul.u32 $0x2AAAAAAB, s0  }
0x270: {  	s6 =	smulhi.u32 $0x2AAAAAAB, s21;
	s0 =	sshra.s32 s21, $0x1F  }
0x271: {  	s22 =	spop (v2sf);
	s7 =	smul.u32 $0x2AAAAAAB, s0  }
0x272: {  	(v2sf) =	vpush v5, $0x2;
	s8 =	smulhi.u32 $0x2AAAAAAB, s22;
	s0 =	sshra.s32 s22, $0x1F  }
0x273: {  	s23 =	spop (v2sf);
	s2 =	smul.u32 $0x2AAAAAAB, s0  }
0x274: {  	[smem:$0x7C3] =	sst s1;
	(v2sf) =	vpush v5, $0x3;
	s11 =	smulhi.u32 $0x2AAAAAAB, s23;
	s0 =	sshra.s32 s23, $0x1F  }
0x275: {  	s24 =	spop (v2sf);
	s12 =	smul.u32 $0x2AAAAAAB, s0  }
0x276: {  	[smem:$0x7C4] =	sst s20;
	s18 =	smulhi.u32 $0x2AAAAAAB, s24;
	s0 =	sshra.s32 s24, $0x1F  }
0x277: {  	(v2sf) =	vpush v5, $0x4;
	s25 =	spop (v2sf);
	s7 =	sadd.s32 s7, s6;
	s14 =	smul.u32 $0x2AAAAAAB, s0  }
0x278: {  	s17 =	smulhi.u32 $0x2AAAAAAB, s25;
	s0 =	sshra.s32 s25, $0x1F;
	s26 =	spop (v2sf)  }
0x279: {  	v6 =	vld.idx.msk [tilespmem:v4+s20+$0x0 ss:$0x1], $0xffff;
	(v2sf) =	vpush v5, $0x5;
	[smem:$0x7B5] =	sst s7;
	s10 =	sadd.s32 s2, s8;
	s19 =	smul.u32 $0x2AAAAAAB, s0  }
0x27a: {  	s21 =	smulhi.u32 $0x2AAAAAAB, s26;
	s0 =	sshra.s32 s26, $0x1F;
	s28 =	spop (v2sf)  }
0x27b: {  	(v2sf) =	vpush v5, $0x6;
	[smem:$0x7B8] =	sst s10;
	s12 =	sadd.s32 s12, s11;
	s22 =	smul.u32 $0x2AAAAAAB, s0  }
0x27c: {  	(v2sf) =	vpush v5, $0x7;
	s23 =	smulhi.u32 $0x2AAAAAAB, s28;
	s0 =	sshra.s32 s28, $0x1F;
	s29 =	spop (v2sf)  }
0x27d: {  	[smem:$0x7BA] =	sst s12;
	s24 =	smul.u32 $0x2AAAAAAB, s0  }
0x27e: {  	(v2sf) =	vpush v6, $0xD;
	s18 =	sadd.s32 s14, s18;
	s30 =	smulhi.u32 $0x2AAAAAAB, s29;
	s3 =	spop (v2sf)  }
0x27f: {  	s1 =	sshra.s32 s29, $0x1F;
	(v2sf) =	vpush v6, $0xC;
	[smem:$0x7B9] =	sst s18;
	s31 =	smulhi.u32 $0x2AAAAAAB, s3  }
0x280: {  	s3 =	sshra.s32 s3, $0x1F;
	[smem:$0x7B2] =	sst s30;
	s30 =	smul.u32 $0x2AAAAAAB, s1  }
0x281: {  	s20 =	sadd.s32 s19, s17;
	(v2sf) =	vpush v6, $0xE;
	s9 =	spop (v2sf);
	s1 =	smul.u32 $0x2AAAAAAB, s3  }
0x282: {  	[smem:$0x7B7] =	sst s20;
	s29 =	sadd.s32 s22, s21;
	(v2sf) =	vpush v6, $0xF;
	s25 =	smulhi.u32 $0x2AAAAAAB, s9  }
0x283: {  	s9 =	sshra.s32 s9, $0x1F;
	s15 =	spop (v2sf);
	[smem:$0x7BB] =	sst s29;
	(v2sf) =	vpush v6, $0x9  }
0x284: {  	s3 =	sadd.s32 s5, s4;
	[smem:$0x7B3] =	sst s31;
	s26 =	smul.u32 $0x2AAAAAAB, s9;
	(v2sf) =	vpush v6, $0x8  }
0x285: {  	[smem:$0x7B6] =	sst s3;
	s16 =	smulhi.u32 $0x2AAAAAAB, s15;
	s4 =	sshra.s32 s15, $0x1F;
	(v2sf) =	vpush v6, $0xA  }
0x286: {  	s13 =	smul.u32 $0x2AAAAAAB, s4;
	s9 =	spop (v2sf)  }
0x287: {  	[smem:$0x7B4] =	sst s1;
	s10 =	smulhi.u32 $0x2AAAAAAB, s9;
	s6 =	sshra.s32 s9, $0x1F  }
0x288: {  	s31 =	sadd.s32 s24, s23;
	s15 =	spop (v2sf);
	s12 =	smul.u32 $0x2AAAAAAB, s6  }
0x289: {  	[smem:$0x7BC] =	sst s31;
	(v2sf) =	vpush v6, $0xB;
	s14 =	smulhi.u32 $0x2AAAAAAB, s15;
	s6 =	sshra.s32 s15, $0x1F  }
0x28a: {  	s28 =	spop (v2sf);
	s19 =	smul.u32 $0x2AAAAAAB, s6  }
0x28b: {  	s21 =	smulhi.u32 $0x2AAAAAAB, s28;
	s6 =	sshra.s32 s28, $0x1F;
	s1 =	spop (v2sf)  }
0x28c: {  	s28 =	sld [smem:$0x7B2];
	s22 =	smul.u32 $0x2AAAAAAB, s6  }
0x28d: {  	s24 =	smulhi.u32 $0x2AAAAAAB, s1;
	s6 =	sshra.s32 s1, $0x1F;
	s29 =	spop (v2sf)  }
0x28e: {  	s31 =	smul.u32 $0x2AAAAAAB, s6;
	s2 =	sshra.s32 s29, $0x1F;
	s18 =	spop (v2sf)  }
0x28f: {  	s14 =	sadd.s32 s19, s14;
	s20 =	smul.u32 $0x88888889, s2;
	s3 =	sshra.s32 s18, $0x1F  }
0x290: {  	s11 =	spop (v2sf);
	s21 =	sadd.s32 s22, s21;
	s19 =	smulhi.u32 $0x88888889, s18  }
0x291: {  	(v2sf) =	vpush v6, $0x1;
	s7 =	smul.u32 $0x88888889, s3;
	s3 =	spop (v2sf);
	s22 =	sadd.s32 s31, s24  }
0x292: {  	s24 =	smulhi.u32 $0x88888889, s11;
	s5 =	sshra.s32 s3, $0x1F;
	s1 =	spop (v2sf)  }
0x293: {  	s4 =	sshra.s32 s11, $0x1F;
	s17 =	smul.u32 $0x88888889, s5;
	s5 =	spop (v2sf)  }
0x294: {  	(v2sf) =	vpush v6, $0x0;
	s23 =	sadd.s32 s30, s28;
	s6 =	smul.u32 $0x88888889, s4;
	s2 =	spop (v2sf)  }
0x295: {  	s28 =	sld [smem:$0x7B3];
	s31 =	smulhi.u32 $0x88888889, s3;
	s15 =	sshra.s32 s2, $0x1F  }
0x296: {  	s8 =	sshra.s32 s1, $0x1F;
	s30 =	smul.u32 $0x88888889, s15;
	s15 =	sld [smem:$0x7B4]  }
0x297: {  	s8 =	smul.u32 $0x88888889, s8;
	s9 =	sshra.s32 s5, $0x1F  }
0x298: {  	s9 =	smul.u32 $0x88888889, s9;
	s4 =	spop (v2sf)  }
0x299: {  	s0 =	sshra.s32 s4, $0x1F;
	s28 =	sadd.s32 s15, s28;
	s15 =	smulhi.u32 $0x88888889, s29  }
0x29a: {  	s26 =	sadd.s32 s26, s25;
	s16 =	sadd.s32 s13, s16;
	s25 =	smul.u32 $0x88888889, s0  }
0x29b: {  	s10 =	sadd.s32 s12, s10;
	(v2sf) =	vpush v6, $0x2;
	s0 =	ssub.s32 s15, s29;
	s15 =	smulhi.u32 $0x88888889, s1  }
0x29c: {  	s11 =	ssub.s32 s24, s11;
	s29 =	ssub.s32 s19, s18;
	s18 =	smulhi.u32 $0x88888889, s5  }
0x29d: {  	(v2sf) =	vpush v6, $0x3;
	s3 =	ssub.s32 s31, s3;
	s19 =	smulhi.u32 $0x88888889, s2;
	s13 =	sadd.s32 s20, s0  }
0x29e: {  	s0 =	sadd.s32 s7, s29;
	s29 =	sadd.s32 s6, s11;
	s20 =	smulhi.u32 $0x88888889, s4  }
0x29f: {  	s1 =	ssub.s32 s15, s1;
	s5 =	ssub.s32 s18, s5;
	s2 =	ssub.s32 s19, s2  }
0x2a0: {  	(v2sf) =	vpush v6, $0x4;
	s12 =	sadd.s32 s8, s1;
	s31 =	spop (v2sf);
	s1 =	ssub.s32 s20, s4  }
0x2a1: {  	s20 =	sld [smem:$0x7B5];
	s8 =	smulhi.u32 $0x88888889, s31;
	s15 =	sshra.s32 s31, $0x1F  }
0x2a2: {  	s19 =	sadd.s32 s30, s2;
	s2 =	smul.u32 $0x88888889, s15;
	s15 =	sld [smem:$0x7B7]  }
0x2a3: {  	(v2sf) =	vpush v6, $0x5;
	s6 =	sadd.s32 s9, s5;
	s9 =	sld [smem:$0x7B6];
	s4 =	spop (v2sf)  }
0x2a4: {  	s5 =	sadd.s32 s25, s1;
	s30 =	smulhi.u32 $0x88888889, s4;
	s11 =	ssub.s32 s8, s31  }
0x2a5: {  	(v2sf) =	vpush v6, $0x6;
	s31 =	sadd.s32 s2, s11;
	s11 =	sld [smem:$0x7B8];
	s25 =	sshrl.u32 s15, $0x1F  }
0x2a6: {  	s24 =	sadd.s32 s17, s3;
	v8 =	vmov s25;
	s25 =	sld [smem:$0x7B9]  }
0x2a7: {  	v12 =	vmov s23;
	(v2sf) =	vpush v6, $0x7;
	s17 =	sshrl.u32 s20, $0x1F;
	s1 =	ssub.s32 s30, s4;
	s30 =	sld [smem:$0x7BB]  }
0x2a8: {  	v12 =	vnsel vm3, $0x0, v12;
	s18 =	sshrl.u32 s9, $0x1F;
	v7 =	vmov s17;
	s17 =	sld [smem:$0x7BA]  }
0x2a9: {  	v12 =	vsel vm0, s28, v12;
	v10 =	vmov s15;
	s15 =	sshrl.u32 s23, $0x1F;
	s3 =	sshrl.u32 s11, $0x1F;
	s7 =	sshrl.u32 s25, $0x1F  }
0x2aa: {  	v13 =	vmov s0;
	v7 =	vsel vm0, s18, v7;
	s18 =	sshrl.u32 s30, $0x1F;
	v8 =	vsel vm0, s7, v8;
	s7 =	sshra.s32 s4, $0x1F;
	s4 =	spop (v2sf)  }
0x2ab: {  	v9 =	vmov s20;
	v11 =	vmov s15;
	v8 =	vsel vm1, s18, v8;
	s18 =	sld [smem:$0x7BC];
	s2 =	smul.u32 $0x88888889, s7;
	s20 =	sshra.s32 s4, $0x1F  }
0x2ac: {  	v11 =	vnsel vm3, $0x0, v11;
	v7 =	vsel vm1, s3, v7;
	v10 =	vsel vm0, s25, v10;
	s25 =	sshrl.u32 s28, $0x1F;
	s3 =	smul.u32 $0x88888889, s20;
	s20 =	spop (v2sf)  }
0x2ad: {  	v9 =	vsel vm0, s9, v9;
	s9 =	sshrl.u32 s16, $0x1F;
	s8 =	sshrl.u32 s17, $0x1F;
	v10 =	vsel vm1, s30, v10;
	v11 =	vsel vm0, s25, v11;
	s25 =	smulhi.u32 $0x88888889, s20  }
0x2ae: {  	v13 =	vsel vm0, s13, v13;
	v7 =	vsel vm2, s8, v7;
	s30 =	sshra.s32 s20, $0x1F;
	s8 =	sshrl.u32 s18, $0x1F;
	v10 =	vsel vm2, s18, v10;
	s18 =	smulhi.u32 $0x88888889, s4  }
0x2af: {  	v12 =	vsel vm1, s26, v12;
	v14 =	vmov s6;
	v13 =	vsel vm1, s29, v13;
	s23 =	sadd.s32 s2, s1;
	s13 =	spop (v2sf);
	s2 =	smul.u32 $0x88888889, s30  }
0x2b0: {  	v57 =	vsel vm0, s12, v14;
	s15 =	sshrl.u32 s14, $0x1F;
	v9 =	vsel vm1, s11, v9;
	s11 =	sshrl.u32 s10, $0x1F;
	s29 =	smulhi.u32 $0x88888889, s13;
	v8 =	vsel vm2, s8, v8  }
0x2b1: {  	v12 =	vsel vm2, s16, v12;
	s30 =	sshra.s32 s13, $0x1F;
	s8 =	sshrl.u32 s26, $0x1F;
	s20 =	ssub.s32 s25, s20;
	v7 =	vcombine.low v8, v7;
	v8 =	vsel vm1, s19, v57  }
0x2b2: {  	v12 =	vsel vm4, s10, v12;
	s4 =	ssub.s32 s18, s4;
	s19 =	spop (v2sf);
	v8 =	vsel vm2, s5, v8;
	s5 =	smul.u32 $0x88888889, s30  }
0x2b3: {  	v58 =	vsel vm2, s24, v13;
	v9 =	vsel vm2, s17, v9;
	v59 =	vmov s23;
	s0 =	sadd.s32 s2, s20;
	s23 =	smulhi.u32 $0x88888889, s19;
	s24 =	sshra.s32 s19, $0x1F  }
0x2b4: {  	v9 =	vcombine.low v10, v9;
	v10 =	vnsel vm3, $0x0, v59;
	v11 =	vsel vm1, s8, v11;
	s29 =	ssub.s32 s29, s13;
	s28 =	spop (v2sf);
	s25 =	smul.u32 $0x88888889, s24  }
0x2b5: {  	v12 =	vsel vm5, s14, v12;
	v10 =	vsel vm0, s31, v10;
	s3 =	sadd.s32 s3, s4;
	v11 =	vsel vm2, s9, v11;
	s30 =	smulhi.u32 $0x88888889, s28;
	s31 =	sshra.s32 s28, $0x1F  }
0x2b6: {  	v12 =	vsel vm6, s21, v12;
	v11 =	vsel vm4, s11, v11;
	v10 =	vsel vm1, s3, v10;
	s13 =	spop (v2sf);
	s9 =	sadd.s32 s5, s29;
	s11 =	smul.u32 $0x88888889, s31  }
0x2b7: {  	v12 =	vsel vm7, s22, v12;
	v10 =	vsel vm2, s0, v10;
	s16 =	ssub.s32 s23, s19;
	s17 =	smulhi.u32 $0x88888889, s13;
	s18 =	sshra.s32 s13, $0x1F  }
0x2b8: {  	v12 =	vperm.xlane v12, v1;
	v9 =	vperm.xlane v9, v0;
	v10 =	vsel vm4, s9, v10;
	s0 =	sadd.s32 s25, s16;
	s19 =	ssub.s32 s30, s28;
	s20 =	smul.u32 $0x88888889, s18  }
0x2b9: {  	s7 =	sshrl.u32 s21, $0x1F;
	v8 =	vcombine.low v8, v58;
	v11 =	vsel vm5, s15, v11;
	v10 =	vsel vm5, s0, v10;
	s23 =	sadd.s32 s11, s19;
	s1 =	ssub.s32 s17, s13  }
0x2ba: {  	s6 =	sshrl.u32 s22, $0x1F;
	v7 =	vperm.xlane v7, v0;
	v11 =	vsel vm6, s7, v11;
	v10 =	vsel vm6, s23, v10;
	s24 =	sadd.s32 s20, s1  }
0x2bb: {  	v8 =	vperm.xlane v8, v0;
	v11 =	vsel vm7, s6, v11;
	v10 =	vsel vm7, s24, v10  }
0x2bc: {  	v11 =	vperm.xlane v11, v1;
	v10 =	vperm.xlane v10, v1  }
0x2bd: {  	v9 =	vsel vm8, v12, v9  }
0x2be: {  	v9 =	vshrl.u32 v9, $0x2;
	v7 =	vsel vm8, v11, v7;
	v8 =	vsel vm8, v10, v8  }
0x2bf: {  	v7 =	vadd.s32 v7, v9;
	v8 =	vadd.s32 v6, v8  }
0x2c0: {  	v7 =	vmul.u32 $0x18, v7;
	v60 =	vshrl.u32 v8, $0x1F;
	v8 =	vshra.s32 v8, $0x5  }
0x2c1: {  	v8 =	vadd.s32 v60, v8  }
0x2c2: {  	v5 =	vsub.s32 v5, v7;
	v7 =	vmul.u32 $0x3C, v8  }
0x2c3: {  	v5 =	vmul.u32 $0x3C, v5  }
0x2c4: {  	v6 =	vsub.s32 v6, v7  }
0x2c5: {  	v5 =	vadd.s32 v6, v5  }
0x2c6: {  	v5 =	vshll.u32 v5, $0x10  }
0x2c7: {  	v6 =	vshra.s32 v5, $0x10  }
0x2c8: {  	(v2sf) =	vpush v6, $0x0  }
0x2c9: {  	(v2sf) =	vpush v6, $0xF;
	_ =	sdelay $0x1  }
0x2ca: {  	(v2sf) =	vpush v6, $0x1  }
0x2cb: {  	(v2sf) =	vpush v6, $0x2  }
0x2cc: {  	(v2sf) =	vpush v6, $0x3  }
0x2cd: {  	(v2sf) =	vpush v6, $0x4  }
0x2ce: {  	(v2sf) =	vpush v6, $0x5  }
0x2cf: {  	(v2sf) =	vpush v6, $0x6  }
0x2d0: {  	(v2sf) =	vpush v6, $0x7  }
0x2d1: {  	(v2sf) =	vpush v6, $0x8  }
0x2d2: {  	(v2sf) =	vpush v6, $0x9;
	_ =	sdelay $0x2  }
0x2d3: {  	(v2sf) =	vpush v6, $0xA  }
0x2d4: {  	s25 =	spop (v2sf)  }
0x2d5: {  	(v2sf) =	vpush v6, $0xB;
	s26 =	sshra.s32 s25, $0x1F;
	s29 =	spop (v2sf)  }
0x2d6: {  	s13 =	sld [smem:$0x7C4];
	(v2sf) =	vpush v6, $0xC;
	s0 =	sxor.u32 s26, s25;
	s30 =	sshra.s32 s29, $0x1F  }
0x2d7: {  	s7 =	spop (v2sf);
	s0 =	ssub.s32 s0, s26;
	s2 =	sxor.u32 s30, s29  }
0x2d8: {  	s8 =	spop (v2sf);
	s16 =	sshra.s32 s7, $0x1F;
	(drf) =	sdiv.u32 s0, $0x5  }
0x2d9: {  	s2 =	ssub.s32 s2, s30;
	s9 =	spop (v2sf);
	s3 =	sxor.u32 s16, s7  }
0x2da: {  	v5 =	vld.idx.msk [tilespmem:v2+s13+$0x0 ss:$0x1], $0xffff;
	(v2sf) =	vpush v6, $0xD;
	s23 =	sshra.s32 s8, $0x1F;
	(drf) =	sdiv.u32 s2, $0x5;
	s11 =	spop (v2sf)  }
0x2db: {  	s3 =	ssub.s32 s3, s16;
	s20 =	sxor.u32 s23, s8;
	s12 =	spop (v2sf)  }
0x2dc: {  	s10 =	sshra.s32 s9, $0x1F;
	(drf) =	sdiv.u32 s3, $0x5;
	s14 =	spop (v2sf)  }
0x2dd: {  	s22 =	ssub.s32 s20, s23;
	s24 =	sxor.u32 s10, s9;
	s18 =	spop (v2sf)  }
0x2de: {  	(v2sf) =	vpush v6, $0xE;
	s13 =	sshra.s32 s11, $0x1F;
	(drf) =	sdiv.u32 s22, $0x5;
	s29 =	spop (v2sf)  }
0x2df: {  	s25 =	ssub.s32 s24, s10;
	s2 =	sxor.u32 s13, s11;
	s31 =	spop (v2sf);
	(v2sf) =	vpush v5, $0xD  }
0x2e0: {  	(drf) =	sdiv.u32 s25, $0x5;
	s2 =	ssub.s32 s2, s13;
	(v2sf) =	vpush v5, $0xC  }
0x2e1: {  	s7 =	sshra.s32 s14, $0x1F;
	(drf) =	sdiv.u32 s2, $0x5  }
0x2e2: {  	[smem:$0x7C0] =	sst s7;
	s9 =	sshra.s32 s18, $0x1F;
	s15 =	spop (v2sf);
	(v2sf) =	vpush v5, $0xE  }
0x2e3: {  	s8 =	sxor.u32 s7, s14;
	[smem:$0x7C1] =	sst s9;
	s28 =	spop (drf)  }
0x2e4: {  	s2 =	ssub.s32 s8, s7;
	s25 =	sshra.s32 s31, $0x1F;
	s17 =	spop (v2sf)  }
0x2e5: {  	s31 =	sxor.u32 s25, s31;
	s6 =	sxor.u32 s26, s28;
	s28 =	spop (v2sf);
	(v2sf) =	vpush v5, $0xF  }
0x2e6: {  	s11 =	ssub.s32 s31, s25;
	s19 =	spop (drf);
	s1 =	ssub.s32 s6, s26  }
0x2e7: {  	s21 =	sxor.u32 s30, s19;
	s26 =	sshra.s32 s12, $0x1F;
	[smem:$0x7BE] =	sst s1  }
0x2e8: {  	s19 =	sxor.u32 s9, s18;
	s22 =	spop (drf);
	[smem:$0x7BF] =	sst s26  }
0x2e9: {  	s5 =	sxor.u32 s26, s12;
	s0 =	ssub.s32 s21, s30;
	s20 =	spop (v2sf);
	(v2sf) =	vpush v5, $0x9  }
0x2ea: {  	s21 =	ssub.s32 s19, s9;
	s30 =	sshra.s32 s29, $0x1F;
	s9 =	sshra.s32 s15, $0x1F  }
0x2eb: {  	s6 =	ssub.s32 s5, s26;
	[smem:$0x7BD] =	sst s0;
	s24 =	sxor.u32 s30, s29  }
0x2ec: {  	s0 =	sxor.u32 s16, s22;
	s1 =	sxor.u32 s9, s15;
	s15 =	sshra.s32 s17, $0x1F  }
0x2ed: {  	(drf) =	sdiv.u32 s6, $0x5;
	s26 =	spop (v2sf);
	(v2sf) =	vpush v5, $0x8;
	s29 =	ssub.s32 s24, s30  }
0x2ee: {  	(drf) =	sdiv.u32 s2, $0x5;
	s2 =	sxor.u32 s15, s17;
	s4 =	spop (v2sf);
	(v2sf) =	vpush v5, $0xA  }
0x2ef: {  	s17 =	sshra.s32 s28, $0x1F;
	(drf) =	sdiv.u32 s21, $0x5;
	s5 =	spop (v2sf);
	(v2sf) =	vpush v5, $0xB  }
0x2f0: {  	s6 =	ssub.s32 s2, s15;
	s3 =	sxor.u32 s17, s28;
	s21 =	spop (drf)  }
0x2f1: {  	s28 =	sshra.s32 s26, $0x1F;
	(drf) =	sdiv.u32 s29, $0x5;
	s24 =	spop (v2sf);
	(v2sf) =	vpush v5, $0x1  }
0x2f2: {  	s7 =	ssub.s32 s3, s17;
	(drf) =	sdiv.u32 s11, $0x5;
	s11 =	ssub.s32 s1, s9  }
0x2f3: {  	s12 =	sxor.u32 s28, s26;
	(drf) =	sdiv.u32 s11, $0x5;
	s11 =	sshra.s32 s20, $0x1F  }
0x2f4: {  	(drf) =	sdiv.u32 s6, $0x5;
	s8 =	sxor.u32 s11, s20;
	s19 =	spop (v2sf);
	(v2sf) =	vpush v5, $0x0  }
0x2f5: {  	s2 =	spop (drf);
	(drf) =	sdiv.u32 s7, $0x5;
	s8 =	ssub.s32 s8, s11  }
0x2f6: {  	s20 =	ssub.s32 s12, s28;
	s12 =	sxor.u32 s23, s21;
	(drf) =	sdiv.u32 s8, $0x5  }
0x2f7: {  	s23 =	ssub.s32 s12, s23;
	s12 =	sxor.u32 s10, s2;
	s2 =	smulhi.u32 $0x92492493, s4  }
0x2f8: {  	s22 =	sshra.s32 s4, $0x1F;
	(drf) =	sdiv.u32 s20, $0x5;
	s18 =	spop (v2sf);
	(v2sf) =	vpush v5, $0x2  }
0x2f9: {  	[smem:$0x7C2] =	sst s25;
	s8 =	smul.u32 $0x92492493, s22;
	s25 =	sshra.s32 s5, $0x1F  }
0x2fa: {  	s14 =	smul.u32 $0x92492493, s25;
	s26 =	sshra.s32 s24, $0x1F  }
0x2fb: {  	s16 =	ssub.s32 s0, s16;
	s20 =	smul.u32 $0x92492493, s26;
	s29 =	sshra.s32 s19, $0x1F  }
0x2fc: {  	s21 =	smul.u32 $0x92492493, s29;
	s31 =	sshra.s32 s18, $0x1F;
	s22 =	spop (v2sf)  }
0x2fd: {  	(v2sf) =	vpush v5, $0x3;
	s25 =	smul.u32 $0x92492493, s31;
	s0 =	sshra.s32 s22, $0x1F;
	s26 =	spop (v2sf)  }
0x2fe: {  	s29 =	smul.u32 $0x92492493, s0;
	s1 =	sshra.s32 s26, $0x1F;
	s31 =	spop (v2sf)  }
0x2ff: {  	s6 =	smul.u32 $0x92492493, s1;
	s3 =	sshra.s32 s31, $0x1F;
	s1 =	spop (drf)  }
0x300: {  	s7 =	smul.u32 $0x92492493, s3;
	s3 =	spop (v2sf);
	s1 =	sxor.u32 s13, s1  }
0x301: {  	(v2sf) =	vpush v5, $0x4;
	s0 =	sshra.s32 s3, $0x1F;
	s1 =	ssub.s32 s1, s13;
	s13 =	smulhi.u32 $0x92492493, s5  }
0x302: {  	s12 =	ssub.s32 s12, s10;
	s4 =	ssub.s32 s2, s4;
	s10 =	smul.u32 $0x92492493, s0  }
0x303: {  	s0 =	sadd.s32 s8, s4;
	s4 =	smulhi.u32 $0x92492493, s24;
	s8 =	spop (v2sf)  }
0x304: {  	(v2sf) =	vpush v5, $0x5;
	s2 =	ssub.s32 s13, s5;
	s13 =	smulhi.u32 $0x92492493, s19;
	s5 =	sshra.s32 s8, $0x1F  }
0x305: {  	s2 =	sadd.s32 s14, s2;
	s4 =	ssub.s32 s4, s24;
	s14 =	smul.u32 $0x92492493, s5  }
0x306: {  	s5 =	sadd.s32 s20, s4;
	s19 =	ssub.s32 s13, s19;
	s20 =	smulhi.u32 $0x92492493, s18  }
0x307: {  	(v2sf) =	vpush v5, $0x6;
	s4 =	spop (v2sf);
	s13 =	sadd.s32 s21, s19;
	s21 =	smulhi.u32 $0x92492493, s22  }
0x308: {  	s19 =	smulhi.u32 $0x92492493, s26;
	s24 =	sshra.s32 s4, $0x1F  }
0x309: {  	(v2sf) =	vpush v5, $0x7;
	s18 =	ssub.s32 s20, s18;
	s20 =	ssub.s32 s21, s22;
	s21 =	smul.u32 $0x92492493, s24  }
0x30a: {  	s18 =	sadd.s32 s25, s18;
	s25 =	smulhi.u32 $0x92492493, s31  }
0x30b: {  	s19 =	ssub.s32 s19, s26;
	s26 =	smulhi.u32 $0x92492493, s3;
	s20 =	sadd.s32 s29, s20  }
0x30c: {  	s6 =	sadd.s32 s6, s19;
	s19 =	spop (v2sf);
	s29 =	smulhi.u32 $0x92492493, s8  }
0x30d: {  	s22 =	ssub.s32 s25, s31;
	s3 =	ssub.s32 s26, s3;
	s26 =	smulhi.u32 $0x92492493, s4  }
0x30e: {  	s31 =	sshra.s32 s19, $0x1F;
	s24 =	smulhi.u32 $0x92492493, s19;
	s7 =	sadd.s32 s7, s22  }
0x30f: {  	s22 =	smul.u32 $0x92492493, s31;
	s3 =	sadd.s32 s10, s3;
	s8 =	ssub.s32 s29, s8  }
0x310: {  	s31 =	sld [smem:$0x7BD];
	s8 =	sadd.s32 s14, s8;
	s14 =	spop (v2sf)  }
0x311: {  	s4 =	ssub.s32 s26, s4;
	s10 =	smulhi.u32 $0x92492493, s14;
	s29 =	sshra.s32 s14, $0x1F  }
0x312: {  	s4 =	sadd.s32 s21, s4;
	s21 =	smul.u32 $0x92492493, s29;
	s29 =	sld [smem:$0x7BE]  }
0x313: {  	v62 =	vmov s20;
	s20 =	sld [smem:$0x7BF];
	s19 =	ssub.s32 s24, s19;
	s25 =	spop (v2sf);
	v7 =	vmov s8  }
0x314: {  	s19 =	sadd.s32 s22, s19;
	v6 =	vmov s31;
	s31 =	smulhi.u32 $0x92492493, s25;
	v7 =	vnsel vm3, $0x0, v7;
	s10 =	ssub.s32 s10, s14  }
0x315: {  	s26 =	sshra.s32 s25, $0x1F;
	v7 =	vsel vm0, s3, v7;
	s3 =	spop (drf);
	s10 =	sadd.s32 s21, s10;
	v6 =	vsel vm3, s29, v6  }
0x316: {  	s14 =	ssub.s32 s31, s25;
	v6 =	vsel vm9, s16, v6;
	s16 =	smul.u32 $0x92492493, s26;
	s29 =	spop (v2sf)  }
0x317: {  	v61 =	vmov s2;
	s3 =	sxor.u32 s20, s3;
	s31 =	smulhi.u32 $0x92492493, s29;
	s22 =	sshra.s32 s29, $0x1F  }
0x318: {  	v8 =	vsel vm0, s0, v61;
	v7 =	vsel vm1, s4, v7;
	s21 =	ssub.s32 s3, s20;
	s25 =	spop (v2sf);
	s24 =	smul.u32 $0x92492493, s22  }
0x319: {  	v8 =	vsel vm1, s5, v8;
	v7 =	vsel vm2, s19, v7;
	s22 =	sld [smem:$0x7C0];
	s26 =	ssub.s32 s31, s29;
	s29 =	smulhi.u32 $0x92492493, s25  }
0x31a: {  	v9 =	vsel vm0, s18, v62;
	v7 =	vsel vm4, s10, v7;
	s10 =	spop (drf);
	v6 =	vsel vm0, s23, v6;
	s23 =	sadd.s32 s16, s14;
	s31 =	sshra.s32 s25, $0x1F  }
0x31b: {  	v8 =	vsel vm2, s13, v8;
	v9 =	vsel vm1, s6, v9;
	s16 =	smul.u32 $0x92492493, s31;
	s18 =	ssub.s32 s29, s25;
	s29 =	sld [smem:$0x7C1]  }
0x31c: {  	v9 =	vsel vm2, s7, v9;
	s19 =	spop (drf);
	v6 =	vsel vm10, s12, v6;
	v7 =	vsel vm5, s23, v7;
	s0 =	sadd.s32 s24, s26;
	s23 =	sxor.u32 s22, s10  }
0x31d: {  	v8 =	vcombine.low v9, v8;
	v6 =	vsel vm1, s1, v6;
	v7 =	vsel vm6, s0, v7;
	s25 =	spop (drf);
	s10 =	sld [smem:$0x7C2];
	s24 =	sadd.s32 s16, s18  }
0x31e: {  	v6 =	vsel vm11, s21, v6;
	s26 =	ssub.s32 s23, s22;
	s5 =	spop (drf);
	v7 =	vsel vm7, s24, v7;
	s31 =	sxor.u32 s29, s19  }
0x31f: {  	v8 =	vperm.xlane v8, v0;
	s2 =	sxor.u32 s30, s25;
	v6 =	vsel vm2, s26, v6;
	s7 =	spop (drf);
	v7 =	vperm.xlane v7, v1;
	s6 =	ssub.s32 s31, s29  }
0x320: {  	s8 =	ssub.s32 s2, s30;
	s30 =	sld [smem:$0x7C3];
	s0 =	sxor.u32 s10, s5;
	v6 =	vsel vm12, s6, v6  }
0x321: {  	s12 =	spop (drf);
	s13 =	sxor.u32 s9, s7;
	s0 =	ssub.s32 s0, s10;
	v7 =	vsel vm8, v7, v8;
	v6 =	vsel vm4, s8, v6  }
0x322: {  	s14 =	spop (drf);
	s16 =	ssub.s32 s13, s9;
	s18 =	sxor.u32 s15, s12;
	v7 =	vadd.s32 v5, v7;
	v6 =	vsel vm13, s0, v6  }
0x323: {  	s19 =	spop (drf);
	s20 =	ssub.s32 s18, s15;
	s21 =	sxor.u32 s17, s14;
	v63 =	vshrl.u32 v7, $0x1F;
	v7 =	vshrl.u32 v7, $0x2;
	v6 =	vsel vm5, s16, v6  }
0x324: {  	s22 =	ssub.s32 s21, s17;
	s23 =	sxor.u32 s11, s19;
	s24 =	spop (drf);
	v7 =	vadd.s32 v63, v7;
	v6 =	vsel vm14, s20, v6  }
0x325: {  	s25 =	ssub.s32 s23, s11;
	s26 =	sxor.u32 s28, s24;
	v7 =	vmul.u32 $0x7, v7;
	v6 =	vsel vm6, s22, v6  }
0x326: {  	p2 =	sne.s32 s30, $0x1C0;
	s29 =	ssub.s32 s26, s28;
	v6 =	vsel vm15, s25, v6  }
.Ltmp2:
0x327: {  	v5 =	vsub.s32 v5, v7;
	v6 =	vsel vm7, s29, v6;
	(pc) =	sbr.rel @p2 .LBB2_7-.Ltmp2, $4  }
0x328: {  	s31 =	sld [smem:$0x7C4];
	v5 =	vmul.u32 $0x120, v5;
	v6 =	vshll.u32 v6, $0x10  }
0x329: {  	v6 =	vshra.s32 v6, $0x10  }
0x32a: {  	v5 =	vadd.s32 v6, v5  }
0x32b: {  	s1 =	sadd.s32 $0x40, s30;
	[tilespmem:s31+$0x9400] =	vst v5  }
0x32c: {  	s0 =	rddreg [dreg:$0x3];
	s1 =	simm.s32 $0x80  }
0x32d: {  	s2 =	simm.s32 $0x9400;
	s3 =	simm.s32 $0x11580;
	s22 =	simm.s32 $0x2  }
0x32e: {  	[tilespmem:s3], [sflag:$0x2] =	stream.indirect.gather [spmem:s0], $0x80, s2, s1, $0xb8;
	[tilespmem:$0x1D580] =	vst v63  }
0x32f: {  	_ =	swait.ge [sflag:s22], $0x4000  }
0x330: {  	s23 =	sld [smem:$0x7DB];
	_ =	sdelay $0x1  }
0x331: {  	s25 =	simm.s32 $0x0  }
0x332: {  	[sflag:s22] =	ssyncset.done $0x0;
	s24 =	rddreg [dreg:$0x1c];
	s0 =	sshll.u32 s23, $0x10  }
0x333: {  	s26 =	simm.s32 $0xD580;
	[sflag:s22] =	ssyncadd.s32 $0xFFFFC000;
	s0 =	sadd.s32 s0, s24  }
0x334: {  	[hbm4b:s0+s25] =	stream.linear.scatter [tilespmem:s26], [sflag:$0x3], $0x4000, $0x38;
	[tilespmem:$0x1D580] =	vst v63  }
0x335: {  	s0 =	simm.s32 @!p1 $0x3  }
0x336: {  	_ =	swait.ge @!p1 [sflag:s0], $0x4000  }
0x337: {  	s30 =	sld [smem:$0x7F9]  }
0x338: {  	s28 =	sld [smem:$0x7F0]  }
0x339: {  	s29 =	sld [smem:$0x7FA]  }
0x33a: {  	s31 =	sld [smem:$0x7F8];
	v3 =	vmov s30;
	_ =	sdelay $0x1  }
0x33b: {  	[sflag:s0] =	ssyncset.done @!p1 $0x0;
	s1 =	sadd.s32 $0x3, s28  }
0x33c: {  	[sflag:s0] =	ssyncadd.s32 @!p1 $0xFFFFC000;
	v2 =	vmov s29;
	v4 =	vmov s31;
	[smem:$0x7B1] =	sst s1;
	s1 =	simm.s32 $0x0  }
.LBB2_9:
0x33d: {  	s19 =	sshra.s32 s1, $0x2  }
0x33e: {  	v5 =	vld.idx.msk [tilespmem:v3+s19+$0x0 ss:$0x1], $0xffff;
	_ =	sdelay $0x4  }
0x33f: {  	(v2sf) =	vpush v5, $0xD;
	_ =	sdelay $0x1  }
0x340: {  	(v2sf) =	vpush v5, $0xC;
	_ =	sdelay $0x1  }
0x341: {  	(v2sf) =	vpush v5, $0xE;
	_ =	sdelay $0x1  }
0x342: {  	(v2sf) =	vpush v5, $0xF;
	_ =	sdelay $0x1  }
0x343: {  	(v2sf) =	vpush v5, $0x9;
	_ =	sdelay $0x1  }
0x344: {  	(v2sf) =	vpush v5, $0x8;
	_ =	sdelay $0x1  }
0x345: {  	(v2sf) =	vpush v5, $0xA;
	_ =	sdelay $0x1  }
0x346: {  	(v2sf) =	vpush v5, $0xB  }
0x347: {  	s0 =	spop (v2sf)  }
0x348: {  	(v2sf) =	vpush v5, $0x0;
	s4 =	smulhi.u32 $0x2AAAAAAB, s0;
	s0 =	sshra.s32 s0, $0x1F  }
0x349: {  	s20 =	spop (v2sf);
	s5 =	smul.u32 $0x2AAAAAAB, s0  }
0x34a: {  	(v2sf) =	vpush v5, $0x1;
	s6 =	smulhi.u32 $0x2AAAAAAB, s20;
	s0 =	sshra.s32 s20, $0x1F  }
0x34b: {  	s21 =	spop (v2sf);
	s7 =	smul.u32 $0x2AAAAAAB, s0  }
0x34c: {  	(v2sf) =	vpush v5, $0x2;
	s8 =	smulhi.u32 $0x2AAAAAAB, s21;
	s0 =	sshra.s32 s21, $0x1F  }
0x34d: {  	s22 =	spop (v2sf);
	s11 =	smul.u32 $0x2AAAAAAB, s0  }
0x34e: {  	s12 =	smulhi.u32 $0x2AAAAAAB, s22;
	s0 =	sshra.s32 s22, $0x1F  }
0x34f: {  	(v2sf) =	vpush v5, $0x3;
	s23 =	spop (v2sf);
	s2 =	smul.u32 $0x2AAAAAAB, s0  }
0x350: {  	s10 =	smulhi.u32 $0x2AAAAAAB, s23;
	s0 =	sshra.s32 s23, $0x1F  }
0x351: {  	s24 =	spop (v2sf);
	s17 =	smul.u32 $0x2AAAAAAB, s0  }
0x352: {  	[smem:$0x7B0] =	sst s19;
	v6 =	vld.idx.msk [tilespmem:v4+s19+$0x0 ss:$0x1], $0xffff;
	s19 =	smulhi.u32 $0x2AAAAAAB, s24;
	s0 =	sshra.s32 s24, $0x1F  }
0x353: {  	s25 =	spop (v2sf);
	s20 =	smul.u32 $0x2AAAAAAB, s0  }
0x354: {  	[smem:$0x7AF] =	sst s1;
	(v2sf) =	vpush v5, $0x4;
	s21 =	smulhi.u32 $0x2AAAAAAB, s25;
	s0 =	sshra.s32 s25, $0x1F  }
0x355: {  	s14 =	sadd.s32 s7, s6;
	s26 =	spop (v2sf);
	s22 =	smul.u32 $0x2AAAAAAB, s0  }
0x356: {  	(v2sf) =	vpush v5, $0x5;
	[smem:$0x7A1] =	sst s14;
	s23 =	smulhi.u32 $0x2AAAAAAB, s26;
	s0 =	sshra.s32 s26, $0x1F  }
0x357: {  	s18 =	sadd.s32 s11, s8;
	s28 =	spop (v2sf);
	s24 =	smul.u32 $0x2AAAAAAB, s0  }
0x358: {  	(v2sf) =	vpush v5, $0x6;
	[smem:$0x7A3] =	sst s18;
	s29 =	smulhi.u32 $0x2AAAAAAB, s28;
	s1 =	sshra.s32 s28, $0x1F  }
0x359: {  	s3 =	spop (v2sf);
	s30 =	smul.u32 $0x2AAAAAAB, s1  }
0x35a: {  	(v2sf) =	vpush v5, $0x7;
	s31 =	smulhi.u32 $0x2AAAAAAB, s3;
	[smem:$0x79C] =	sst s29  }
0x35b: {  	s3 =	sshra.s32 s3, $0x1F;
	s9 =	spop (v2sf);
	[smem:$0x79D] =	sst s30  }
0x35c: {  	(v2sf) =	vpush v6, $0xD;
	s1 =	smul.u32 $0x2AAAAAAB, s3;
	s29 =	sadd.s32 s2, s12;
	[smem:$0x79E] =	sst s31  }
0x35d: {  	(v2sf) =	vpush v6, $0xC;
	s3 =	smulhi.u32 $0x2AAAAAAB, s9;
	s2 =	sadd.s32 s22, s21;
	[smem:$0x7A5] =	sst s29  }
0x35e: {  	s9 =	sshra.s32 s9, $0x1F;
	s15 =	spop (v2sf);
	[smem:$0x7A6] =	sst s2  }
0x35f: {  	s28 =	smul.u32 $0x2AAAAAAB, s9;
	[smem:$0x79F] =	sst s1  }
0x360: {  	(v2sf) =	vpush v6, $0xE;
	s9 =	sadd.s32 s5, s4;
	s26 =	smulhi.u32 $0x2AAAAAAB, s15;
	[smem:$0x7A0] =	sst s3  }
0x361: {  	(v2sf) =	vpush v6, $0xF;
	s13 =	sshra.s32 s15, $0x1F;
	s31 =	sadd.s32 s17, s10;
	[smem:$0x7A2] =	sst s9  }
0x362: {  	s25 =	smul.u32 $0x2AAAAAAB, s13;
	[smem:$0x7A4] =	sst s31  }
0x363: {  	(v2sf) =	vpush v6, $0x9;
	s3 =	sadd.s32 s24, s23;
	s23 =	sld [smem:$0x79D];
	s15 =	spop (v2sf)  }
0x364: {  	(v2sf) =	vpush v6, $0x8;
	[smem:$0x7A7] =	sst s3;
	s16 =	smulhi.u32 $0x2AAAAAAB, s15;
	s6 =	sshra.s32 s15, $0x1F  }
0x365: {  	(v2sf) =	vpush v6, $0xA;
	s30 =	spop (v2sf);
	s15 =	smul.u32 $0x2AAAAAAB, s6  }
0x366: {  	s25 =	sadd.s32 s25, s26;
	s29 =	smulhi.u32 $0x2AAAAAAB, s30;
	s6 =	sshra.s32 s30, $0x1F  }
0x367: {  	s30 =	sadd.s32 s20, s19;
	s1 =	spop (v2sf);
	s19 =	smul.u32 $0x2AAAAAAB, s6  }
0x368: {  	[smem:$0x7A8] =	sst s25;
	s21 =	smulhi.u32 $0x2AAAAAAB, s1;
	s6 =	sshra.s32 s1, $0x1F  }
0x369: {  	(v2sf) =	vpush v6, $0xB;
	s4 =	spop (v2sf);
	s22 =	smul.u32 $0x2AAAAAAB, s6  }
0x36a: {  	s20 =	sld [smem:$0x79C];
	s24 =	smulhi.u32 $0x2AAAAAAB, s4  }
0x36b: {  	s6 =	sshra.s32 s4, $0x1F;
	s31 =	spop (v2sf);
	s26 =	sadd.s32 s15, s16  }
0x36c: {  	s10 =	smul.u32 $0x2AAAAAAB, s6;
	s5 =	sshra.s32 s31, $0x1F;
	s14 =	spop (v2sf)  }
0x36d: {  	s23 =	sadd.s32 s23, s20;
	s20 =	sld [smem:$0x79F];
	s16 =	smulhi.u32 $0x88888889, s31  }
0x36e: {  	s25 =	sadd.s32 s19, s29;
	s18 =	smul.u32 $0x88888889, s5;
	s7 =	sshra.s32 s14, $0x1F  }
0x36f: {  	(v2sf) =	vpush v6, $0x1;
	s11 =	spop (v2sf);
	s21 =	sadd.s32 s22, s21;
	s7 =	smul.u32 $0x88888889, s7  }
0x370: {  	s8 =	sshra.s32 s11, $0x1F;
	s3 =	spop (v2sf);
	s22 =	smulhi.u32 $0x88888889, s11  }
0x371: {  	(v2sf) =	vpush v6, $0x0;
	s10 =	sadd.s32 s10, s24;
	s15 =	ssub.s32 s16, s31;
	s6 =	smul.u32 $0x88888889, s8  }
0x372: {  	s9 =	sshra.s32 s3, $0x1F;
	s1 =	spop (v2sf);
	s24 =	smulhi.u32 $0x88888889, s3  }
0x373: {  	(v2sf) =	vpush v6, $0x2;
	s18 =	sadd.s32 s18, s15;
	s8 =	smul.u32 $0x88888889, s9;
	s5 =	spop (v2sf)  }
0x374: {  	(v2sf) =	vpush v6, $0x3;
	s12 =	sshra.s32 s1, $0x1F;
	s31 =	smulhi.u32 $0x88888889, s1;
	s2 =	spop (v2sf)  }
0x375: {  	s11 =	ssub.s32 s22, s11;
	s12 =	smul.u32 $0x88888889, s12;
	s17 =	sshra.s32 s2, $0x1F  }
0x376: {  	(v2sf) =	vpush v6, $0x4;
	s13 =	sshra.s32 s5, $0x1F;
	s9 =	smul.u32 $0x88888889, s17;
	s17 =	sld [smem:$0x79E]  }
0x377: {  	s29 =	sadd.s32 s6, s11;
	s16 =	smulhi.u32 $0x88888889, s5;
	s11 =	sld [smem:$0x7A2]  }
0x378: {  	s3 =	ssub.s32 s24, s3;
	s13 =	smul.u32 $0x88888889, s13;
	s4 =	spop (v2sf)  }
0x379: {  	s24 =	sadd.s32 s8, s3;
	s17 =	sadd.s32 s20, s17;
	s20 =	sld [smem:$0x7A0]  }
0x37a: {  	s1 =	ssub.s32 s31, s1;
	s19 =	smulhi.u32 $0x88888889, s2;
	s0 =	sshra.s32 s4, $0x1F  }
0x37b: {  	s1 =	sadd.s32 s12, s1;
	s5 =	ssub.s32 s16, s5;
	s0 =	smul.u32 $0x88888889, s0  }
0x37c: {  	s2 =	ssub.s32 s19, s2;
	s28 =	sadd.s32 s28, s20;
	s20 =	smulhi.u32 $0x88888889, s14  }
0x37d: {  	s6 =	sadd.s32 s13, s5;
	s16 =	sshrl.u32 s11, $0x1F;
	s19 =	sadd.s32 s9, s2  }
0x37e: {  	v14 =	vmov s6;
	s14 =	ssub.s32 s20, s14;
	s20 =	smulhi.u32 $0x88888889, s4;
	s22 =	spop (v2sf)  }
0x37f: {  	v57 =	vsel vm0, s1, v14;
	s1 =	sshrl.u32 s10, $0x1F;
	s7 =	sadd.s32 s7, s14;
	s31 =	smulhi.u32 $0x88888889, s22  }
0x380: {  	(v2sf) =	vpush v6, $0x5;
	s13 =	sshra.s32 s22, $0x1F;
	s15 =	spop (v2sf);
	s9 =	ssub.s32 s20, s4  }
0x381: {  	s2 =	smul.u32 $0x88888889, s13;
	s13 =	sld [smem:$0x7A1];
	s20 =	sshrl.u32 s30, $0x1F  }
0x382: {  	(v2sf) =	vpush v6, $0x6;
	s4 =	spop (v2sf);
	s12 =	ssub.s32 s31, s22;
	s22 =	smulhi.u32 $0x88888889, s15  }
0x383: {  	v10 =	vmov s30;
	v8 =	vmov s20;
	s20 =	sld [smem:$0x7A6];
	s30 =	spop (v2sf);
	s31 =	sadd.s32 s2, s12  }
0x384: {  	(v2sf) =	vpush v6, $0x7;
	v13 =	vmov s7;
	s12 =	sld [smem:$0x7A3];
	s7 =	smulhi.u32 $0x88888889, s30;
	s14 =	sshrl.u32 s13, $0x1F  }
0x385: {  	s5 =	sadd.s32 s0, s9;
	v13 =	vsel vm0, s18, v13;
	s18 =	spop (v2sf);
	v7 =	vmov s14;
	s14 =	sld [smem:$0x7A5]  }
0x386: {  	s0 =	ssub.s32 s22, s15;
	s15 =	sshra.s32 s15, $0x1F;
	v9 =	vmov s13;
	v7 =	vsel vm0, s16, v7;
	s16 =	sld [smem:$0x7A4]  }
0x387: {  	v13 =	vsel vm1, s29, v13;
	s22 =	sld [smem:$0x7A7];
	s13 =	sshra.s32 s4, $0x1F;
	s9 =	sshrl.u32 s20, $0x1F;
	v9 =	vsel vm0, s11, v9  }
0x388: {  	v58 =	vsel vm2, s24, v13;
	s24 =	ssub.s32 s7, s30;
	s2 =	sshrl.u32 s12, $0x1F;
	v9 =	vsel vm1, s12, v9;
	s12 =	sshrl.u32 s26, $0x1F  }
0x389: {  	v7 =	vsel vm1, s2, v7;
	s2 =	smul.u32 $0x88888889, s15;
	s8 =	sshrl.u32 s14, $0x1F;
	s3 =	sshrl.u32 s16, $0x1F;
	v10 =	vsel vm0, s16, v10  }
0x38a: {  	v7 =	vsel vm2, s8, v7;
	s8 =	sshrl.u32 s22, $0x1F;
	s16 =	sshrl.u32 s17, $0x1F;
	v8 =	vsel vm0, s3, v8;
	s3 =	smul.u32 $0x88888889, s13;
	v10 =	vsel vm1, s20, v10  }
0x38b: {  	s0 =	sadd.s32 s2, s0;
	v8 =	vsel vm1, s9, v8;
	s9 =	sshrl.u32 s23, $0x1F;
	v10 =	vsel vm2, s22, v10;
	s22 =	smulhi.u32 $0x88888889, s4  }
0x38c: {  	v12 =	vmov s23;
	s20 =	sld [smem:$0x7A8];
	s13 =	sshrl.u32 s25, $0x1F;
	v8 =	vsel vm2, s8, v8;
	v11 =	vmov s9;
	s9 =	sshrl.u32 s28, $0x1F  }
0x38d: {  	v11 =	vnsel vm3, $0x0, v11;
	v7 =	vcombine.low v8, v7;
	v8 =	vsel vm1, s19, v57;
	s4 =	ssub.s32 s22, s4;
	s19 =	smulhi.u32 $0x88888889, s18;
	s22 =	sshra.s32 s18, $0x1F  }
0x38e: {  	v12 =	vnsel vm3, $0x0, v12;
	s8 =	sshrl.u32 s21, $0x1F;
	v11 =	vsel vm0, s16, v11;
	s16 =	sshra.s32 s30, $0x1F;
	s23 =	smul.u32 $0x88888889, s22  }
0x38f: {  	v12 =	vsel vm0, s17, v12;
	v9 =	vsel vm2, s14, v9;
	s11 =	sshrl.u32 s20, $0x1F;
	v8 =	vsel vm2, s5, v8;
	s5 =	spop (v2sf);
	s6 =	smul.u32 $0x88888889, s16  }
0x390: {  	v12 =	vsel vm1, s28, v12;
	v59 =	vmov s0;
	v9 =	vcombine.low v10, v9;
	s3 =	sadd.s32 s3, s4;
	s29 =	smulhi.u32 $0x88888889, s5;
	s30 =	sshra.s32 s5, $0x1F  }
0x391: {  	v10 =	vnsel vm3, $0x0, v59;
	v12 =	vsel vm2, s20, v12;
	v11 =	vsel vm1, s9, v11;
	s17 =	spop (v2sf);
	s7 =	ssub.s32 s19, s18;
	s16 =	smul.u32 $0x88888889, s30  }
0x392: {  	v10 =	vsel vm0, s31, v10;
	v12 =	vsel vm4, s26, v12;
	v11 =	vsel vm2, s11, v11;
	s18 =	smulhi.u32 $0x88888889, s17;
	s19 =	sshra.s32 s17, $0x1F;
	s22 =	sadd.s32 s23, s7  }
0x393: {  	v9 =	vperm.xlane v9, v0;
	v10 =	vsel vm1, s3, v10;
	s0 =	sadd.s32 s6, s24;
	v11 =	vsel vm4, s12, v11;
	s23 =	smul.u32 $0x88888889, s19;
	s24 =	spop (v2sf)  }
0x394: {  	v8 =	vcombine.low v8, v58;
	s28 =	ssub.s32 s29, s5;
	v11 =	vsel vm5, s13, v11;
	v10 =	vsel vm2, s0, v10;
	s29 =	smulhi.u32 $0x88888889, s24;
	s30 =	sshra.s32 s24, $0x1F  }
0x395: {  	v12 =	vsel vm5, s25, v12;
	s0 =	sadd.s32 s16, s28;
	s31 =	ssub.s32 s18, s17;
	v11 =	vsel vm6, s8, v11;
	v10 =	vsel vm4, s22, v10;
	s5 =	smul.u32 $0x88888889, s30  }
0x396: {  	v12 =	vsel vm6, s21, v12;
	v11 =	vsel vm7, s1, v11;
	v10 =	vsel vm5, s0, v10;
	s1 =	sadd.s32 s23, s31;
	s2 =	ssub.s32 s29, s24  }
0x397: {  	v7 =	vperm.xlane v7, v0;
	v12 =	vsel vm7, s10, v12;
	v10 =	vsel vm6, s1, v10;
	s3 =	sadd.s32 s5, s2  }
0x398: {  	v8 =	vperm.xlane v8, v0;
	v12 =	vperm.xlane v12, v1;
	v10 =	vsel vm7, s3, v10  }
0x399: {  	v11 =	vperm.xlane v11, v1;
	v10 =	vperm.xlane v10, v1  }
0x39a: {  	v9 =	vsel vm8, v12, v9  }
0x39b: {  	v9 =	vshrl.u32 v9, $0x2;
	v7 =	vsel vm8, v11, v7;
	v8 =	vsel vm8, v10, v8  }
0x39c: {  	v7 =	vadd.s32 v7, v9;
	v8 =	vadd.s32 v6, v8  }
0x39d: {  	v7 =	vmul.u32 $0x18, v7;
	v60 =	vshrl.u32 v8, $0x1F;
	v8 =	vshra.s32 v8, $0x5  }
0x39e: {  	v8 =	vadd.s32 v60, v8  }
0x39f: {  	v5 =	vsub.s32 v5, v7;
	v7 =	vmul.u32 $0x3C, v8  }
0x3a0: {  	v5 =	vmul.u32 $0x3C, v5  }
0x3a1: {  	v6 =	vsub.s32 v6, v7  }
0x3a2: {  	v5 =	vadd.s32 v6, v5  }
0x3a3: {  	v5 =	vshll.u32 v5, $0x10  }
0x3a4: {  	v6 =	vshra.s32 v5, $0x10  }
0x3a5: {  	(v2sf) =	vpush v6, $0x0;
	_ =	sdelay $0x1  }
0x3a6: {  	(v2sf) =	vpush v6, $0xF  }
0x3a7: {  	(v2sf) =	vpush v6, $0x1  }
0x3a8: {  	(v2sf) =	vpush v6, $0x2  }
0x3a9: {  	(v2sf) =	vpush v6, $0x3  }
0x3aa: {  	(v2sf) =	vpush v6, $0x4  }
0x3ab: {  	(v2sf) =	vpush v6, $0x5  }
0x3ac: {  	(v2sf) =	vpush v6, $0x6  }
0x3ad: {  	(v2sf) =	vpush v6, $0x7  }
0x3ae: {  	(v2sf) =	vpush v6, $0x8  }
0x3af: {  	(v2sf) =	vpush v6, $0x9;
	_ =	sdelay $0x2  }
0x3b0: {  	(v2sf) =	vpush v6, $0xA  }
0x3b1: {  	s4 =	spop (v2sf)  }
0x3b2: {  	(v2sf) =	vpush v6, $0xB;
	s5 =	sshra.s32 s4, $0x1F  }
0x3b3: {  	s6 =	spop (v2sf);
	(v2sf) =	vpush v6, $0xC;
	s0 =	sxor.u32 s5, s4  }
0x3b4: {  	s18 =	sld [smem:$0x7B0];
	s7 =	spop (v2sf);
	s0 =	ssub.s32 s0, s5  }
0x3b5: {  	s8 =	spop (v2sf);
	s24 =	sshra.s32 s7, $0x1F;
	(drf) =	sdiv.u32 s0, $0x5  }
0x3b6: {  	s0 =	sshra.s32 s6, $0x1F;
	s9 =	spop (v2sf);
	s3 =	sxor.u32 s24, s7  }
0x3b7: {  	v5 =	vld.idx.msk [tilespmem:v2+s18+$0x0 ss:$0x1], $0xffff;
	(v2sf) =	vpush v6, $0xD;
	s23 =	sshra.s32 s8, $0x1F;
	s2 =	sxor.u32 s0, s6;
	s10 =	spop (v2sf)  }
0x3b8: {  	s3 =	ssub.s32 s3, s24;
	s25 =	sxor.u32 s23, s8;
	s15 =	spop (v2sf)  }
0x3b9: {  	s13 =	sshra.s32 s9, $0x1F;
	s2 =	ssub.s32 s2, s0;
	s19 =	spop (v2sf)  }
0x3ba: {  	s28 =	ssub.s32 s25, s23;
	s29 =	sxor.u32 s13, s9;
	s20 =	spop (v2sf)  }
0x3bb: {  	(v2sf) =	vpush v6, $0xE;
	s16 =	sshra.s32 s10, $0x1F;
	(drf) =	sdiv.u32 s2, $0x5;
	s11 =	spop (v2sf)  }
0x3bc: {  	s30 =	ssub.s32 s29, s13;
	s31 =	sshra.s32 s15, $0x1F;
	s12 =	spop (v2sf);
	(v2sf) =	vpush v5, $0xD  }
0x3bd: {  	(drf) =	sdiv.u32 s3, $0x5;
	[smem:$0x7AC] =	sst s31;
	s8 =	sshra.s32 s19, $0x1F;
	(v2sf) =	vpush v5, $0xC  }
0x3be: {  	s2 =	sxor.u32 s16, s10;
	(drf) =	sdiv.u32 s28, $0x5;
	[smem:$0x7AD] =	sst s8  }
0x3bf: {  	s18 =	sshra.s32 s20, $0x1F;
	(drf) =	sdiv.u32 s30, $0x5;
	s14 =	spop (v2sf);
	(v2sf) =	vpush v5, $0xE  }
0x3c0: {  	s9 =	sxor.u32 s8, s19;
	[smem:$0x7AE] =	sst s18;
	s21 =	spop (drf)  }
0x3c1: {  	s19 =	sxor.u32 s18, s20;
	s28 =	sshra.s32 s11, $0x1F;
	s17 =	spop (v2sf)  }
0x3c2: {  	s25 =	sxor.u32 s28, s11;
	s30 =	sshra.s32 s12, $0x1F;
	s3 =	spop (v2sf);
	(v2sf) =	vpush v5, $0xF  }
0x3c3: {  	s29 =	ssub.s32 s25, s28;
	s6 =	sxor.u32 s5, s21;
	s21 =	ssub.s32 s19, s18  }
0x3c4: {  	s1 =	ssub.s32 s6, s5;
	s5 =	ssub.s32 s2, s16;
	s6 =	sxor.u32 s31, s15  }
0x3c5: {  	s2 =	ssub.s32 s9, s8;
	[smem:$0x7AA] =	sst s1;
	s22 =	spop (drf)  }
0x3c6: {  	s9 =	sshra.s32 s14, $0x1F;
	(drf) =	sdiv.u32 s5, $0x5;
	s20 =	spop (v2sf);
	(v2sf) =	vpush v5, $0x9  }
0x3c7: {  	s7 =	ssub.s32 s6, s31;
	s31 =	sxor.u32 s30, s12;
	s1 =	sxor.u32 s9, s14  }
0x3c8: {  	s15 =	sshra.s32 s17, $0x1F;
	s26 =	sxor.u32 s0, s22;
	(drf) =	sdiv.u32 s7, $0x5  }
0x3c9: {  	s22 =	spop (drf);
	s11 =	ssub.s32 s31, s30;
	s0 =	ssub.s32 s26, s0  }
0x3ca: {  	(drf) =	sdiv.u32 s2, $0x5;
	s26 =	spop (v2sf);
	(v2sf) =	vpush v5, $0x8;
	s2 =	sxor.u32 s15, s17  }
0x3cb: {  	s17 =	sshra.s32 s3, $0x1F;
	[smem:$0x7A9] =	sst s0;
	s4 =	spop (v2sf);
	(v2sf) =	vpush v5, $0xA  }
0x3cc: {  	(drf) =	sdiv.u32 s21, $0x5;
	s0 =	sxor.u32 s24, s22;
	s5 =	spop (v2sf);
	(v2sf) =	vpush v5, $0xB  }
0x3cd: {  	s6 =	ssub.s32 s2, s15;
	s3 =	sxor.u32 s17, s3;
	(drf) =	sdiv.u32 s29, $0x5  }
0x3ce: {  	(drf) =	sdiv.u32 s11, $0x5;
	s11 =	ssub.s32 s1, s9;
	s25 =	spop (v2sf);
	(v2sf) =	vpush v5, $0x1  }
0x3cf: {  	s21 =	spop (drf);
	s7 =	ssub.s32 s3, s17;
	(drf) =	sdiv.u32 s11, $0x5  }
0x3d0: {  	s14 =	ssub.s32 s0, s24;
	s11 =	sshra.s32 s20, $0x1F;
	(drf) =	sdiv.u32 s6, $0x5  }
0x3d1: {  	s8 =	sxor.u32 s11, s20;
	s20 =	sshra.s32 s26, $0x1F;
	s18 =	spop (v2sf);
	(v2sf) =	vpush v5, $0x0  }
0x3d2: {  	(drf) =	sdiv.u32 s7, $0x5;
	s8 =	ssub.s32 s8, s11;
	s10 =	sxor.u32 s20, s26  }
0x3d3: {  	s2 =	spop (drf);
	(drf) =	sdiv.u32 s8, $0x5;
	s19 =	ssub.s32 s10, s20  }
0x3d4: {  	[smem:$0x7AB] =	sst s14;
	s12 =	sxor.u32 s13, s2;
	(drf) =	sdiv.u32 s19, $0x5  }
0x3d5: {  	s22 =	sshra.s32 s4, $0x1F;
	s2 =	smulhi.u32 $0x92492493, s4;
	s14 =	spop (v2sf);
	(v2sf) =	vpush v5, $0x2  }
0x3d6: {  	s8 =	smul.u32 $0x92492493, s22;
	s24 =	sshra.s32 s5, $0x1F  }
0x3d7: {  	s10 =	sxor.u32 s23, s21;
	s19 =	smul.u32 $0x92492493, s24;
	s26 =	sshra.s32 s25, $0x1F  }
0x3d8: {  	s23 =	ssub.s32 s10, s23;
	s10 =	smul.u32 $0x92492493, s26;
	s29 =	sshra.s32 s18, $0x1F  }
0x3d9: {  	s21 =	smul.u32 $0x92492493, s29;
	s31 =	sshra.s32 s14, $0x1F;
	s22 =	spop (v2sf)  }
0x3da: {  	s24 =	smul.u32 $0x92492493, s31;
	s0 =	sshra.s32 s22, $0x1F;
	s26 =	spop (v2sf)  }
0x3db: {  	(v2sf) =	vpush v5, $0x3;
	s29 =	smul.u32 $0x92492493, s0;
	s1 =	sshra.s32 s26, $0x1F;
	s31 =	spop (v2sf)  }
0x3dc: {  	s6 =	smul.u32 $0x92492493, s1;
	s3 =	sshra.s32 s31, $0x1F;
	s1 =	spop (drf)  }
0x3dd: {  	s7 =	smul.u32 $0x92492493, s3;
	s3 =	spop (v2sf);
	s1 =	sxor.u32 s16, s1  }
0x3de: {  	(v2sf) =	vpush v5, $0x4;
	s0 =	sshra.s32 s3, $0x1F;
	s1 =	ssub.s32 s1, s16;
	s16 =	smulhi.u32 $0x92492493, s5  }
0x3df: {  	s12 =	ssub.s32 s12, s13;
	s4 =	ssub.s32 s2, s4;
	s13 =	smul.u32 $0x92492493, s0  }
0x3e0: {  	s0 =	sadd.s32 s8, s4;
	s4 =	smulhi.u32 $0x92492493, s25;
	s8 =	spop (v2sf)  }
0x3e1: {  	s2 =	ssub.s32 s16, s5;
	s16 =	smulhi.u32 $0x92492493, s18;
	s5 =	sshra.s32 s8, $0x1F  }
0x3e2: {  	(v2sf) =	vpush v5, $0x5;
	s2 =	sadd.s32 s19, s2;
	s4 =	ssub.s32 s4, s25;
	s19 =	smul.u32 $0x92492493, s5  }
0x3e3: {  	s5 =	sadd.s32 s10, s4;
	s16 =	ssub.s32 s16, s18;
	s18 =	smulhi.u32 $0x92492493, s14  }
0x3e4: {  	s4 =	spop (v2sf);
	s16 =	sadd.s32 s21, s16;
	s21 =	smulhi.u32 $0x92492493, s22  }
0x3e5: {  	(v2sf) =	vpush v5, $0x6;
	s25 =	sshra.s32 s4, $0x1F;
	s10 =	ssub.s32 s18, s14;
	s14 =	smulhi.u32 $0x92492493, s26  }
0x3e6: {  	s18 =	ssub.s32 s21, s22;
	s21 =	smul.u32 $0x92492493, s25  }
0x3e7: {  	(v2sf) =	vpush v5, $0x7;
	s25 =	smulhi.u32 $0x92492493, s31  }
0x3e8: {  	s14 =	ssub.s32 s14, s26;
	s26 =	smulhi.u32 $0x92492493, s3  }
0x3e9: {  	s10 =	sadd.s32 s24, s10;
	s18 =	sadd.s32 s29, s18;
	s29 =	smulhi.u32 $0x92492493, s8  }
0x3ea: {  	s6 =	sadd.s32 s6, s14;
	s14 =	spop (v2sf);
	s22 =	ssub.s32 s25, s31  }
0x3eb: {  	s31 =	sshra.s32 s14, $0x1F;
	s8 =	ssub.s32 s29, s8;
	s29 =	smulhi.u32 $0x92492493, s4  }
0x3ec: {  	s7 =	sadd.s32 s7, s22;
	s3 =	ssub.s32 s26, s3;
	s24 =	smulhi.u32 $0x92492493, s14  }
0x3ed: {  	s22 =	smul.u32 $0x92492493, s31;
	s8 =	sadd.s32 s19, s8;
	s19 =	spop (v2sf)  }
0x3ee: {  	s4 =	ssub.s32 s29, s4;
	s31 =	sshra.s32 s19, $0x1F;
	s29 =	sld [smem:$0x7A9]  }
0x3ef: {  	s4 =	sadd.s32 s21, s4;
	s21 =	smul.u32 $0x92492493, s31;
	s31 =	sld [smem:$0x7AA]  }
0x3f0: {  	s3 =	sadd.s32 s13, s3;
	s13 =	smulhi.u32 $0x92492493, s19;
	s14 =	ssub.s32 s24, s14;
	v7 =	vmov s8  }
0x3f1: {  	s25 =	spop (v2sf);
	s8 =	sadd.s32 s22, s14;
	v7 =	vnsel vm3, $0x0, v7;
	s22 =	sld [smem:$0x7AC];
	v6 =	vmov s29  }
0x3f2: {  	s26 =	sshra.s32 s25, $0x1F;
	v7 =	vsel vm0, s3, v7;
	s29 =	smulhi.u32 $0x92492493, s25;
	v6 =	vsel vm3, s31, v6;
	s31 =	sld [smem:$0x7AB]  }
0x3f3: {  	s13 =	ssub.s32 s13, s19;
	s14 =	smul.u32 $0x92492493, s26;
	s3 =	spop (drf);
	v7 =	vsel vm1, s4, v7  }
0x3f4: {  	s13 =	sadd.s32 s21, s13;
	v7 =	vsel vm2, s8, v7;
	s19 =	ssub.s32 s29, s25;
	s29 =	spop (v2sf)  }
0x3f5: {  	v7 =	vsel vm4, s13, v7;
	s13 =	spop (drf);
	s24 =	sadd.s32 s14, s19;
	v6 =	vsel vm9, s31, v6  }
0x3f6: {  	s26 =	spop (v2sf);
	s31 =	smulhi.u32 $0x92492493, s29;
	v6 =	vsel vm0, s23, v6;
	s23 =	sshra.s32 s29, $0x1F  }
0x3f7: {  	v61 =	vmov s2;
	v62 =	vmov s18;
	s3 =	sxor.u32 s22, s3;
	v7 =	vsel vm5, s24, v7;
	s24 =	sld [smem:$0x7AD];
	s25 =	smul.u32 $0x92492493, s23  }
0x3f8: {  	v8 =	vsel vm0, s0, v61;
	v9 =	vsel vm0, s10, v62;
	v6 =	vsel vm10, s12, v6;
	s29 =	ssub.s32 s31, s29;
	s31 =	smulhi.u32 $0x92492493, s26;
	s12 =	sshra.s32 s26, $0x1F  }
0x3f9: {  	v8 =	vsel vm1, s5, v8;
	v9 =	vsel vm1, s6, v9;
	s23 =	ssub.s32 s3, s22;
	s3 =	sld [smem:$0x7AE];
	s18 =	smul.u32 $0x92492493, s12  }
0x3fa: {  	v8 =	vsel vm2, s16, v8;
	v9 =	vsel vm2, s7, v9;
	s21 =	spop (drf);
	s0 =	sadd.s32 s25, s29;
	s19 =	ssub.s32 s31, s26  }
0x3fb: {  	v8 =	vcombine.low v9, v8;
	v6 =	vsel vm1, s1, v6;
	s25 =	sxor.u32 s24, s13;
	s29 =	spop (drf);
	v7 =	vsel vm6, s0, v7;
	s26 =	sadd.s32 s18, s19  }
0x3fc: {  	v6 =	vsel vm11, s23, v6;
	s31 =	ssub.s32 s25, s24;
	s5 =	sxor.u32 s3, s21;
	s6 =	spop (drf);
	v7 =	vsel vm7, s26, v7  }
0x3fd: {  	v8 =	vperm.xlane v8, v0;
	s2 =	sxor.u32 s28, s29;
	v6 =	vsel vm2, s31, v6;
	s7 =	ssub.s32 s5, s3;
	s8 =	spop (drf);
	v7 =	vperm.xlane v7, v1  }
0x3fe: {  	s10 =	ssub.s32 s2, s28;
	s0 =	sxor.u32 s30, s6;
	v6 =	vsel vm12, s7, v6;
	s12 =	spop (drf)  }
0x3ff: {  	s0 =	ssub.s32 s0, s30;
	s13 =	sxor.u32 s9, s8;
	s30 =	sld [smem:$0x7AF];
	v6 =	vsel vm4, s10, v6;
	v7 =	vsel vm8, v7, v8  }
0x400: {  	s14 =	spop (drf);
	s16 =	ssub.s32 s13, s9;
	s18 =	sxor.u32 s15, s12;
	v6 =	vsel vm13, s0, v6;
	v7 =	vadd.s32 v5, v7  }
0x401: {  	s19 =	spop (drf);
	s21 =	ssub.s32 s18, s15;
	s22 =	sxor.u32 s17, s14;
	v6 =	vsel vm5, s16, v6;
	v63 =	vshrl.u32 v7, $0x1F;
	v7 =	vshrl.u32 v7, $0x2  }
0x402: {  	s23 =	ssub.s32 s22, s17;
	s24 =	sxor.u32 s11, s19;
	s25 =	spop (drf);
	v6 =	vsel vm14, s21, v6;
	v7 =	vadd.s32 v63, v7  }
0x403: {  	s26 =	ssub.s32 s24, s11;
	s28 =	sxor.u32 s20, s25;
	v6 =	vsel vm6, s23, v6;
	v7 =	vmul.u32 $0x7, v7  }
0x404: {  	p2 =	sne.s32 s30, $0x1C0;
	s29 =	ssub.s32 s28, s20;
	v6 =	vsel vm15, s26, v6  }
.Ltmp3:
0x405: {  	v6 =	vsel vm7, s29, v6;
	v5 =	vsub.s32 v5, v7;
	(pc) =	sbr.rel @p2 .LBB2_9-.Ltmp3, $4  }
0x406: {  	s31 =	sld [smem:$0x7B0];
	v6 =	vshll.u32 v6, $0x10;
	v5 =	vmul.u32 $0x120, v5  }
0x407: {  	v6 =	vshra.s32 v6, $0x10  }
0x408: {  	v5 =	vadd.s32 v6, v5  }
0x409: {  	s1 =	sadd.s32 $0x40, s30;
	[tilespmem:s31+$0x9480] =	vst v5  }
0x40a: {  	s0 =	rddreg [dreg:$0x3];
	s1 =	simm.s32 $0x80  }
0x40b: {  	s2 =	simm.s32 $0x9480;
	s3 =	simm.s32 $0x15580;
	s23 =	simm.s32 $0x2  }
0x40c: {  	[tilespmem:s3], [sflag:$0x2] =	stream.indirect.gather [spmem:s0], $0x80, s2, s1, $0xb8;
	[tilespmem:$0x1D580] =	vst v63  }
0x40d: {  	_ =	swait.ge [sflag:s23], $0x4000  }
0x40e: {  	s24 =	sld [smem:$0x7C5];
	_ =	sdelay $0x1  }
0x40f: {  	s26 =	simm.s32 $0x0  }
0x410: {  	[sflag:s23] =	ssyncset.done $0x0;
	s25 =	rddreg [dreg:$0x1c];
	s0 =	sshll.u32 s24, $0x10  }
0x411: {  	s28 =	simm.s32 $0x11580;
	[sflag:s23] =	ssyncadd.s32 $0xFFFFC000;
	s0 =	sadd.s32 s0, s25  }
0x412: {  	[hbm4b:s0+s26] =	stream.linear.scatter [tilespmem:s28], [sflag:$0x3], $0x4000, $0x38;
	[tilespmem:$0x1D580] =	vst v63  }
0x413: {  	s0 =	simm.s32 @!p1 $0x3  }
0x414: {  	_ =	swait.ge @!p1 [sflag:s0], $0x4000  }
0x415: {  	s30 =	sld [smem:$0x7FC];
	_ =	sdelay $0x1  }
0x416: {  	s29 =	sld [smem:$0x7FD]  }
0x417: {  	s31 =	sld [smem:$0x7FB];
	v3 =	vmov s30;
	_ =	sdelay $0x1  }
0x418: {  	[sflag:s0] =	ssyncset.done @!p1 $0x0  }
0x419: {  	s1 =	simm.s32 $0x0;
	[sflag:s0] =	ssyncadd.s32 @!p1 $0xFFFFC000;
	v2 =	vmov s29;
	v4 =	vmov s31  }
.LBB2_11:
0x41a: {  	s19 =	sshra.s32 s1, $0x2  }
0x41b: {  	v5 =	vld.idx.msk [tilespmem:v3+s19+$0x0 ss:$0x1], $0xffff;
	_ =	sdelay $0x4  }
0x41c: {  	(v2sf) =	vpush v5, $0xD;
	_ =	sdelay $0x1  }
0x41d: {  	(v2sf) =	vpush v5, $0xC;
	_ =	sdelay $0x1  }
0x41e: {  	(v2sf) =	vpush v5, $0xE;
	_ =	sdelay $0x1  }
0x41f: {  	(v2sf) =	vpush v5, $0xF;
	_ =	sdelay $0x1  }
0x420: {  	(v2sf) =	vpush v5, $0x9;
	_ =	sdelay $0x1  }
0x421: {  	(v2sf) =	vpush v5, $0x8;
	_ =	sdelay $0x1  }
0x422: {  	(v2sf) =	vpush v5, $0xA;
	_ =	sdelay $0x1  }
0x423: {  	(v2sf) =	vpush v5, $0xB  }
0x424: {  	s0 =	spop (v2sf)  }
0x425: {  	(v2sf) =	vpush v5, $0x0;
	s4 =	smulhi.u32 $0x2AAAAAAB, s0;
	s0 =	sshra.s32 s0, $0x1F  }
0x426: {  	s20 =	spop (v2sf);
	s5 =	smul.u32 $0x2AAAAAAB, s0  }
0x427: {  	(v2sf) =	vpush v5, $0x1;
	s6 =	smulhi.u32 $0x2AAAAAAB, s20;
	s0 =	sshra.s32 s20, $0x1F  }
0x428: {  	s21 =	spop (v2sf);
	s7 =	smul.u32 $0x2AAAAAAB, s0  }
0x429: {  	(v2sf) =	vpush v5, $0x2;
	s8 =	smulhi.u32 $0x2AAAAAAB, s21;
	s0 =	sshra.s32 s21, $0x1F  }
0x42a: {  	s22 =	spop (v2sf);
	s10 =	smul.u32 $0x2AAAAAAB, s0  }
0x42b: {  	s11 =	smulhi.u32 $0x2AAAAAAB, s22;
	s0 =	sshra.s32 s22, $0x1F  }
0x42c: {  	(v2sf) =	vpush v5, $0x3;
	s23 =	spop (v2sf);
	s12 =	smul.u32 $0x2AAAAAAB, s0  }
0x42d: {  	s2 =	smulhi.u32 $0x2AAAAAAB, s23;
	s0 =	sshra.s32 s23, $0x1F  }
0x42e: {  	s24 =	spop (v2sf);
	s17 =	smul.u32 $0x2AAAAAAB, s0  }
0x42f: {  	[smem:$0x79B] =	sst s19;
	s18 =	smulhi.u32 $0x2AAAAAAB, s24;
	s0 =	sshra.s32 s24, $0x1F  }
0x430: {  	v6 =	vld.idx.msk [tilespmem:v4+s19+$0x0 ss:$0x1], $0xffff;
	s25 =	spop (v2sf);
	s19 =	smul.u32 $0x2AAAAAAB, s0  }
0x431: {  	s21 =	smulhi.u32 $0x2AAAAAAB, s25;
	s0 =	sshra.s32 s25, $0x1F  }
0x432: {  	(v2sf) =	vpush v5, $0x4;
	s26 =	spop (v2sf);
	s22 =	smul.u32 $0x2AAAAAAB, s0  }
0x433: {  	s23 =	smulhi.u32 $0x2AAAAAAB, s26;
	s0 =	sshra.s32 s26, $0x1F  }
0x434: {  	(v2sf) =	vpush v5, $0x5;
	s28 =	spop (v2sf);
	s24 =	smul.u32 $0x2AAAAAAB, s0  }
0x435: {  	[smem:$0x79A] =	sst s1;
	(v2sf) =	vpush v5, $0x6;
	s29 =	smulhi.u32 $0x2AAAAAAB, s28;
	s1 =	sshra.s32 s28, $0x1F  }
0x436: {  	s13 =	sadd.s32 s5, s4;
	(v2sf) =	vpush v5, $0x7;
	s3 =	spop (v2sf);
	s30 =	smul.u32 $0x2AAAAAAB, s1  }
0x437: {  	[smem:$0x78D] =	sst s13;
	(v2sf) =	vpush v6, $0xD;
	s31 =	smulhi.u32 $0x2AAAAAAB, s3  }
0x438: {  	(v2sf) =	vpush v6, $0xC;
	s3 =	sshra.s32 s3, $0x1F;
	s9 =	spop (v2sf);
	[smem:$0x787] =	sst s29  }
0x439: {  	(v2sf) =	vpush v6, $0xE;
	s1 =	smul.u32 $0x2AAAAAAB, s3;
	[smem:$0x788] =	sst s30  }
0x43a: {  	(v2sf) =	vpush v6, $0xF;
	s3 =	smulhi.u32 $0x2AAAAAAB, s9;
	s29 =	sadd.s32 s12, s11;
	[smem:$0x789] =	sst s31  }
0x43b: {  	s15 =	spop (v2sf);
	(v2sf) =	vpush v6, $0x9;
	[smem:$0x790] =	sst s29  }
0x43c: {  	s25 =	smulhi.u32 $0x2AAAAAAB, s15;
	[smem:$0x78A] =	sst s1;
	(v2sf) =	vpush v6, $0x8  }
0x43d: {  	s14 =	sshra.s32 s15, $0x1F;
	s15 =	sadd.s32 s7, s6;
	[smem:$0x78B] =	sst s3;
	(v2sf) =	vpush v6, $0xA  }
0x43e: {  	s9 =	sshra.s32 s9, $0x1F;
	s31 =	sadd.s32 s17, s2;
	[smem:$0x78C] =	sst s15  }
0x43f: {  	s26 =	smul.u32 $0x2AAAAAAB, s9;
	s2 =	sadd.s32 s22, s21;
	[smem:$0x78F] =	sst s31  }
0x440: {  	s20 =	smul.u32 $0x2AAAAAAB, s14;
	[smem:$0x791] =	sst s2  }
0x441: {  	s3 =	sadd.s32 s24, s23;
	s23 =	sld [smem:$0x788];
	s16 =	spop (v2sf)  }
0x442: {  	[smem:$0x792] =	sst s3;
	s15 =	smulhi.u32 $0x2AAAAAAB, s16;
	s6 =	sshra.s32 s16, $0x1F  }
0x443: {  	s30 =	spop (v2sf);
	s13 =	smul.u32 $0x2AAAAAAB, s6  }
0x444: {  	s12 =	smulhi.u32 $0x2AAAAAAB, s30;
	s6 =	sshra.s32 s30, $0x1F;
	s1 =	spop (v2sf)  }
0x445: {  	(v2sf) =	vpush v6, $0xB;
	s30 =	sadd.s32 s19, s18;
	s19 =	smul.u32 $0x2AAAAAAB, s6;
	s4 =	spop (v2sf)  }
0x446: {  	s21 =	smulhi.u32 $0x2AAAAAAB, s1;
	s6 =	sshra.s32 s1, $0x1F;
	s29 =	spop (v2sf)  }
0x447: {  	s28 =	sadd.s32 s10, s8;
	s22 =	smul.u32 $0x2AAAAAAB, s6;
	s14 =	spop (v2sf)  }
0x448: {  	s24 =	smulhi.u32 $0x2AAAAAAB, s4;
	s6 =	sshra.s32 s4, $0x1F;
	s11 =	spop (v2sf)  }
0x449: {  	s31 =	smul.u32 $0x2AAAAAAB, s6;
	s5 =	sshra.s32 s29, $0x1F;
	s3 =	spop (v2sf)  }
0x44a: {  	s16 =	smul.u32 $0x88888889, s5;
	s8 =	sshra.s32 s11, $0x1F;
	s1 =	spop (v2sf)  }
0x44b: {  	s6 =	smul.u32 $0x88888889, s8;
	s10 =	sshra.s32 s1, $0x1F;
	s5 =	spop (v2sf)  }
0x44c: {  	s8 =	smul.u32 $0x88888889, s10;
	s18 =	sshra.s32 s5, $0x1F;
	s2 =	spop (v2sf)  }
0x44d: {  	(v2sf) =	vpush v6, $0x1;
	s9 =	sshra.s32 s3, $0x1F;
	s10 =	smul.u32 $0x88888889, s18;
	s18 =	sld [smem:$0x787]  }
0x44e: {  	[smem:$0x78E] =	sst s28;
	s17 =	smul.u32 $0x88888889, s9;
	s28 =	sshra.s32 s2, $0x1F  }
0x44f: {  	(v2sf) =	vpush v6, $0x0;
	s9 =	smul.u32 $0x88888889, s28;
	s28 =	sld [smem:$0x78A]  }
0x450: {  	s7 =	sshra.s32 s14, $0x1F;
	s23 =	sadd.s32 s23, s18;
	s18 =	sld [smem:$0x789]  }
0x451: {  	s20 =	sadd.s32 s20, s25;
	s25 =	sadd.s32 s19, s12;
	s7 =	smul.u32 $0x88888889, s7  }
0x452: {  	s21 =	sadd.s32 s22, s21;
	s22 =	sadd.s32 s31, s24;
	s19 =	smulhi.u32 $0x88888889, s11  }
0x453: {  	s24 =	smulhi.u32 $0x88888889, s3;
	s18 =	sadd.s32 s28, s18;
	s28 =	sld [smem:$0x78B]  }
0x454: {  	s11 =	ssub.s32 s19, s11;
	s31 =	smulhi.u32 $0x88888889, s1;
	s4 =	spop (v2sf)  }
0x455: {  	s0 =	sshra.s32 s4, $0x1F;
	[smem:$0x793] =	sst s18;
	s18 =	smulhi.u32 $0x88888889, s14  }
0x456: {  	s3 =	ssub.s32 s24, s3;
	s26 =	sadd.s32 s26, s28;
	s28 =	smul.u32 $0x88888889, s0  }
0x457: {  	s24 =	sadd.s32 s17, s3;
	s0 =	sadd.s32 s13, s15;
	s15 =	smulhi.u32 $0x88888889, s29  }
0x458: {  	(v2sf) =	vpush v6, $0x2;
	s1 =	ssub.s32 s31, s1;
	s12 =	ssub.s32 s18, s14;
	s14 =	smulhi.u32 $0x88888889, s5  }
0x459: {  	s17 =	smulhi.u32 $0x88888889, s4;
	s13 =	ssub.s32 s15, s29;
	s29 =	sadd.s32 s6, s11  }
0x45a: {  	s5 =	ssub.s32 s14, s5;
	s16 =	sadd.s32 s16, s13;
	s13 =	sld [smem:$0x78C]  }
0x45b: {  	(v2sf) =	vpush v6, $0x3;
	s15 =	smulhi.u32 $0x88888889, s2;
	s6 =	sadd.s32 s10, s5;
	s10 =	sld [smem:$0x78D]  }
0x45c: {  	s18 =	spop (v2sf);
	s7 =	sadd.s32 s7, s12;
	s12 =	sadd.s32 s8, s1  }
0x45d: {  	(v2sf) =	vpush v6, $0x4;
	s31 =	smulhi.u32 $0x88888889, s18;
	s2 =	ssub.s32 s15, s2;
	s15 =	sshrl.u32 s13, $0x1F  }
0x45e: {  	s1 =	ssub.s32 s17, s4;
	s4 =	spop (v2sf);
	s17 =	sshrl.u32 s10, $0x1F;
	v7 =	vmov s15  }
0x45f: {  	(v2sf) =	vpush v6, $0x5;
	s14 =	sshra.s32 s18, $0x1F;
	s11 =	ssub.s32 s31, s18;
	v7 =	vsel vm0, s17, v7;
	s17 =	sld [smem:$0x78F]  }
0x460: {  	s18 =	sshrl.u32 s30, $0x1F;
	s19 =	sadd.s32 s9, s2;
	s2 =	smul.u32 $0x88888889, s14  }
0x461: {  	(v2sf) =	vpush v6, $0x6;
	s5 =	sadd.s32 s28, s1;
	s28 =	smulhi.u32 $0x88888889, s4;
	v8 =	vmov s18;
	s18 =	sld [smem:$0x791]  }
0x462: {  	s31 =	sadd.s32 s2, s11;
	s11 =	sld [smem:$0x78E];
	s14 =	sshrl.u32 s17, $0x1F  }
0x463: {  	(v2sf) =	vpush v6, $0x7;
	v8 =	vsel vm0, s14, v8;
	s14 =	sld [smem:$0x790]  }
0x464: {  	s1 =	ssub.s32 s28, s4  }
0x465: {  	v10 =	vmov s30;
	v12 =	vmov s23;
	v9 =	vmov s13;
	s13 =	sshrl.u32 s23, $0x1F;
	s28 =	sshrl.u32 s18, $0x1F;
	s8 =	sshrl.u32 s11, $0x1F  }
0x466: {  	v9 =	vsel vm0, s10, v9;
	s10 =	sshrl.u32 s20, $0x1F;
	v7 =	vsel vm1, s8, v7;
	v10 =	vsel vm0, s17, v10;
	s17 =	sld [smem:$0x793];
	s15 =	sshrl.u32 s14, $0x1F  }
0x467: {  	v12 =	vnsel vm3, $0x0, v12;
	s8 =	sshra.s32 s4, $0x1F;
	s4 =	spop (v2sf);
	v7 =	vsel vm2, s15, v7;
	s15 =	sld [smem:$0x792]  }
0x468: {  	v13 =	vmov s7;
	v11 =	vmov s13;
	s13 =	sshrl.u32 s25, $0x1F;
	s2 =	smul.u32 $0x88888889, s8;
	v8 =	vsel vm1, s28, v8;
	s28 =	sshra.s32 s4, $0x1F  }
0x469: {  	v14 =	vmov s6;
	v9 =	vsel vm1, s11, v9;
	s11 =	sshrl.u32 s0, $0x1F;
	v10 =	vsel vm1, s18, v10;
	s3 =	smul.u32 $0x88888889, s28;
	s30 =	sshrl.u32 s17, $0x1F  }
0x46a: {  	v11 =	vnsel vm3, $0x0, v11;
	v9 =	vsel vm2, s14, v9;
	s14 =	smulhi.u32 $0x88888889, s4;
	s9 =	sshrl.u32 s15, $0x1F;
	v10 =	vsel vm2, s15, v10;
	s15 =	spop (v2sf)  }
0x46b: {  	v13 =	vsel vm0, s16, v13;
	v57 =	vsel vm0, s12, v14;
	s1 =	sadd.s32 s2, s1;
	v11 =	vsel vm0, s30, v11;
	s28 =	smulhi.u32 $0x88888889, s15;
	s30 =	sshra.s32 s15, $0x1F  }
0x46c: {  	v13 =	vsel vm1, s29, v13;
	v12 =	vsel vm0, s17, v12;
	s4 =	ssub.s32 s14, s4;
	v8 =	vsel vm2, s9, v8;
	s18 =	spop (v2sf);
	s6 =	smul.u32 $0x88888889, s30  }
0x46d: {  	v12 =	vsel vm1, s26, v12;
	s3 =	sadd.s32 s3, s4;
	v7 =	vcombine.low v8, v7;
	v8 =	vsel vm1, s19, v57;
	s19 =	smulhi.u32 $0x88888889, s18;
	s23 =	sshra.s32 s18, $0x1F  }
0x46e: {  	v58 =	vsel vm2, s24, v13;
	v12 =	vsel vm2, s20, v12;
	s9 =	sshrl.u32 s26, $0x1F;
	v8 =	vsel vm2, s5, v8;
	s24 =	smul.u32 $0x88888889, s23;
	s5 =	spop (v2sf)  }
0x46f: {  	v59 =	vmov s1;
	v12 =	vsel vm4, s0, v12;
	s28 =	ssub.s32 s28, s15;
	s29 =	smulhi.u32 $0x88888889, s5;
	s30 =	sshra.s32 s5, $0x1F  }
0x470: {  	v12 =	vsel vm5, s25, v12;
	v9 =	vcombine.low v10, v9;
	v10 =	vnsel vm3, $0x0, v59;
	s1 =	sadd.s32 s6, s28;
	s16 =	spop (v2sf);
	s15 =	smul.u32 $0x88888889, s30  }
0x471: {  	v12 =	vsel vm6, s21, v12;
	v10 =	vsel vm0, s31, v10;
	s17 =	ssub.s32 s19, s18;
	s18 =	smulhi.u32 $0x88888889, s16;
	s19 =	sshra.s32 s16, $0x1F  }
0x472: {  	v12 =	vsel vm7, s22, v12;
	v11 =	vsel vm1, s9, v11;
	v10 =	vsel vm1, s3, v10;
	s20 =	sadd.s32 s24, s17;
	s24 =	spop (v2sf);
	s23 =	smul.u32 $0x88888889, s19  }
0x473: {  	v12 =	vperm.xlane v12, v1;
	v11 =	vsel vm2, s10, v11;
	v10 =	vsel vm2, s1, v10;
	s26 =	ssub.s32 s29, s5;
	s28 =	smulhi.u32 $0x88888889, s24;
	s29 =	sshra.s32 s24, $0x1F  }
0x474: {  	v9 =	vperm.xlane v9, v0;
	v11 =	vsel vm4, s11, v11;
	v10 =	vsel vm4, s20, v10;
	s0 =	sadd.s32 s15, s26;
	s30 =	ssub.s32 s18, s16;
	s2 =	smul.u32 $0x88888889, s29  }
0x475: {  	s8 =	sshrl.u32 s21, $0x1F;
	v8 =	vcombine.low v8, v58;
	v11 =	vsel vm5, s13, v11;
	v10 =	vsel vm5, s0, v10;
	s31 =	sadd.s32 s23, s30;
	s1 =	ssub.s32 s28, s24  }
0x476: {  	s7 =	sshrl.u32 s22, $0x1F;
	v7 =	vperm.xlane v7, v0;
	v11 =	vsel vm6, s8, v11;
	v10 =	vsel vm6, s31, v10;
	s3 =	sadd.s32 s2, s1  }
0x477: {  	v8 =	vperm.xlane v8, v0;
	v11 =	vsel vm7, s7, v11;
	v10 =	vsel vm7, s3, v10  }
0x478: {  	v11 =	vperm.xlane v11, v1;
	v10 =	vperm.xlane v10, v1  }
0x479: {  	v9 =	vsel vm8, v12, v9  }
0x47a: {  	v9 =	vshrl.u32 v9, $0x2;
	v7 =	vsel vm8, v11, v7;
	v8 =	vsel vm8, v10, v8  }
0x47b: {  	v7 =	vadd.s32 v7, v9;
	v8 =	vadd.s32 v6, v8  }
0x47c: {  	v7 =	vmul.u32 $0x18, v7;
	v60 =	vshrl.u32 v8, $0x1F;
	v8 =	vshra.s32 v8, $0x5  }
0x47d: {  	v8 =	vadd.s32 v60, v8  }
0x47e: {  	v5 =	vsub.s32 v5, v7;
	v7 =	vmul.u32 $0x3C, v8  }
0x47f: {  	v5 =	vmul.u32 $0x3C, v5  }
0x480: {  	v6 =	vsub.s32 v6, v7  }
0x481: {  	v5 =	vadd.s32 v6, v5  }
0x482: {  	v5 =	vshll.u32 v5, $0x10  }
0x483: {  	v6 =	vshra.s32 v5, $0x10  }
0x484: {  	(v2sf) =	vpush v6, $0x0;
	_ =	sdelay $0x1  }
0x485: {  	(v2sf) =	vpush v6, $0xF  }
0x486: {  	(v2sf) =	vpush v6, $0x1  }
0x487: {  	(v2sf) =	vpush v6, $0x2  }
0x488: {  	(v2sf) =	vpush v6, $0x3  }
0x489: {  	(v2sf) =	vpush v6, $0x4  }
0x48a: {  	(v2sf) =	vpush v6, $0x5  }
0x48b: {  	(v2sf) =	vpush v6, $0x6  }
0x48c: {  	(v2sf) =	vpush v6, $0x7  }
0x48d: {  	(v2sf) =	vpush v6, $0x8  }
0x48e: {  	(v2sf) =	vpush v6, $0x9;
	_ =	sdelay $0x3  }
0x48f: {  	(v2sf) =	vpush v6, $0xA;
	s4 =	spop (v2sf)  }
0x490: {  	(v2sf) =	vpush v6, $0xB;
	s5 =	sshra.s32 s4, $0x1F  }
0x491: {  	s7 =	spop (v2sf);
	(v2sf) =	vpush v6, $0xC;
	s0 =	sxor.u32 s5, s4  }
0x492: {  	s18 =	sld [smem:$0x79B];
	s8 =	spop (v2sf);
	s0 =	ssub.s32 s0, s5  }
0x493: {  	s9 =	spop (v2sf);
	s24 =	sshra.s32 s8, $0x1F;
	(drf) =	sdiv.u32 s0, $0x5  }
0x494: {  	s0 =	sshra.s32 s7, $0x1F;
	s10 =	spop (v2sf);
	s3 =	sxor.u32 s24, s8  }
0x495: {  	v5 =	vld.idx.msk [tilespmem:v2+s18+$0x0 ss:$0x1], $0xffff;
	(v2sf) =	vpush v6, $0xD;
	s23 =	sshra.s32 s9, $0x1F;
	s2 =	sxor.u32 s0, s7;
	s15 =	spop (v2sf)  }
0x496: {  	s3 =	ssub.s32 s3, s24;
	s25 =	sxor.u32 s23, s9;
	s17 =	spop (v2sf)  }
0x497: {  	s13 =	sshra.s32 s10, $0x1F;
	s2 =	ssub.s32 s2, s0;
	s19 =	spop (v2sf)  }
0x498: {  	s28 =	ssub.s32 s25, s23;
	s29 =	sxor.u32 s13, s10;
	s20 =	spop (v2sf)  }
0x499: {  	(v2sf) =	vpush v6, $0xE;
	(drf) =	sdiv.u32 s2, $0x5;
	s30 =	ssub.s32 s29, s13;
	s11 =	spop (v2sf)  }
0x49a: {  	s31 =	sshra.s32 s17, $0x1F;
	(drf) =	sdiv.u32 s3, $0x5;
	s12 =	spop (v2sf);
	(v2sf) =	vpush v5, $0xD  }
0x49b: {  	[smem:$0x797] =	sst s31;
	s8 =	sshra.s32 s19, $0x1F;
	(drf) =	sdiv.u32 s28, $0x5;
	(v2sf) =	vpush v5, $0xC  }
0x49c: {  	s28 =	sshra.s32 s15, $0x1F;
	[smem:$0x798] =	sst s8;
	s9 =	sxor.u32 s8, s19  }
0x49d: {  	s2 =	sxor.u32 s28, s15;
	(drf) =	sdiv.u32 s30, $0x5;
	(v2sf) =	vpush v5, $0xE;
	s21 =	spop (drf)  }
0x49e: {  	s14 =	spop (v2sf);
	s30 =	sshra.s32 s12, $0x1F;
	s6 =	sxor.u32 s5, s21  }
0x49f: {  	s1 =	ssub.s32 s6, s5;
	s16 =	spop (v2sf);
	s5 =	ssub.s32 s2, s28  }
0x4a0: {  	s6 =	sxor.u32 s31, s17;
	s17 =	sshra.s32 s20, $0x1F;
	s3 =	spop (v2sf);
	(v2sf) =	vpush v5, $0xF  }
0x4a1: {  	s2 =	ssub.s32 s9, s8;
	s9 =	sshra.s32 s14, $0x1F;
	[smem:$0x795] =	sst s1  }
0x4a2: {  	s22 =	spop (drf);
	(drf) =	sdiv.u32 s5, $0x5;
	s7 =	ssub.s32 s6, s31  }
0x4a3: {  	[smem:$0x799] =	sst s17;
	s18 =	sxor.u32 s17, s20;
	s20 =	sshra.s32 s11, $0x1F  }
0x4a4: {  	s31 =	sxor.u32 s30, s12;
	s1 =	sxor.u32 s9, s14;
	s19 =	spop (v2sf);
	(v2sf) =	vpush v5, $0x9  }
0x4a5: {  	s15 =	sshra.s32 s16, $0x1F;
	s26 =	sxor.u32 s0, s22;
	(drf) =	sdiv.u32 s7, $0x5  }
0x4a6: {  	s21 =	ssub.s32 s18, s17;
	s22 =	spop (drf);
	s25 =	sxor.u32 s20, s11  }
0x4a7: {  	s11 =	ssub.s32 s31, s30;
	s17 =	sshra.s32 s3, $0x1F;
	s0 =	ssub.s32 s26, s0  }
0x4a8: {  	(drf) =	sdiv.u32 s2, $0x5;
	s26 =	spop (v2sf);
	(v2sf) =	vpush v5, $0x8;
	s29 =	ssub.s32 s25, s20  }
0x4a9: {  	s2 =	sxor.u32 s15, s16;
	[smem:$0x794] =	sst s0;
	s4 =	spop (v2sf);
	(v2sf) =	vpush v5, $0xA  }
0x4aa: {  	s3 =	sxor.u32 s17, s3;
	(drf) =	sdiv.u32 s21, $0x5;
	s5 =	spop (v2sf);
	(v2sf) =	vpush v5, $0xB  }
0x4ab: {  	s0 =	sxor.u32 s24, s22;
	s6 =	ssub.s32 s2, s15;
	s7 =	ssub.s32 s3, s17  }
0x4ac: {  	s18 =	sshra.s32 s26, $0x1F;
	(drf) =	sdiv.u32 s29, $0x5;
	s25 =	spop (v2sf);
	(v2sf) =	vpush v5, $0x1  }
0x4ad: {  	s21 =	spop (drf);
	(drf) =	sdiv.u32 s11, $0x5;
	s11 =	ssub.s32 s1, s9  }
0x4ae: {  	s10 =	sxor.u32 s18, s26;
	(drf) =	sdiv.u32 s11, $0x5;
	s11 =	sshra.s32 s19, $0x1F  }
0x4af: {  	(drf) =	sdiv.u32 s6, $0x5;
	s8 =	sxor.u32 s11, s19;
	s16 =	spop (v2sf);
	(v2sf) =	vpush v5, $0x0  }
0x4b0: {  	s14 =	ssub.s32 s0, s24;
	(drf) =	sdiv.u32 s7, $0x5;
	s8 =	ssub.s32 s8, s11  }
0x4b1: {  	s2 =	spop (drf);
	s19 =	ssub.s32 s10, s18;
	(drf) =	sdiv.u32 s8, $0x5  }
0x4b2: {  	[smem:$0x796] =	sst s14;
	s12 =	sxor.u32 s13, s2;
	(drf) =	sdiv.u32 s19, $0x5  }
0x4b3: {  	s22 =	sshra.s32 s4, $0x1F;
	s2 =	smulhi.u32 $0x92492493, s4;
	s14 =	spop (v2sf);
	(v2sf) =	vpush v5, $0x2  }
0x4b4: {  	s10 =	sxor.u32 s23, s21;
	s8 =	smul.u32 $0x92492493, s22;
	s24 =	sshra.s32 s5, $0x1F  }
0x4b5: {  	s23 =	ssub.s32 s10, s23;
	s19 =	smul.u32 $0x92492493, s24  }
0x4b6: {  	s26 =	sshra.s32 s25, $0x1F;
	s4 =	ssub.s32 s2, s4;
	s2 =	smulhi.u32 $0x92492493, s5  }
0x4b7: {  	s10 =	smul.u32 $0x92492493, s26;
	s29 =	sshra.s32 s16, $0x1F;
	s22 =	spop (v2sf)  }
0x4b8: {  	s21 =	smul.u32 $0x92492493, s29;
	s31 =	sshra.s32 s14, $0x1F;
	s29 =	spop (v2sf)  }
0x4b9: {  	(v2sf) =	vpush v5, $0x3;
	s26 =	smul.u32 $0x92492493, s31;
	s1 =	sshra.s32 s29, $0x1F;
	s24 =	spop (v2sf)  }
0x4ba: {  	s6 =	smul.u32 $0x92492493, s1;
	s3 =	sshra.s32 s24, $0x1F;
	s1 =	spop (drf)  }
0x4bb: {  	s0 =	sshra.s32 s22, $0x1F;
	s7 =	smul.u32 $0x92492493, s3;
	s3 =	spop (v2sf)  }
0x4bc: {  	s31 =	smul.u32 $0x92492493, s0;
	(v2sf) =	vpush v5, $0x4;
	s1 =	sxor.u32 s28, s1;
	s0 =	sshra.s32 s3, $0x1F  }
0x4bd: {  	s12 =	ssub.s32 s12, s13;
	s1 =	ssub.s32 s1, s28;
	s13 =	smul.u32 $0x92492493, s0  }
0x4be: {  	s0 =	sadd.s32 s8, s4;
	s4 =	smulhi.u32 $0x92492493, s25;
	s28 =	spop (v2sf)  }
0x4bf: {  	s2 =	ssub.s32 s2, s5;
	s8 =	smulhi.u32 $0x92492493, s16;
	s5 =	sshra.s32 s28, $0x1F  }
0x4c0: {  	s2 =	sadd.s32 s19, s2;
	s4 =	ssub.s32 s4, s25;
	s19 =	smul.u32 $0x92492493, s5  }
0x4c1: {  	(v2sf) =	vpush v5, $0x5;
	s5 =	sadd.s32 s10, s4;
	s10 =	ssub.s32 s8, s16;
	s16 =	smulhi.u32 $0x92492493, s14  }
0x4c2: {  	s4 =	spop (v2sf);
	s8 =	sadd.s32 s21, s10;
	s21 =	smulhi.u32 $0x92492493, s22  }
0x4c3: {  	s25 =	sshra.s32 s4, $0x1F;
	s10 =	ssub.s32 s16, s14;
	s14 =	smulhi.u32 $0x92492493, s29  }
0x4c4: {  	(v2sf) =	vpush v5, $0x6;
	s16 =	ssub.s32 s21, s22;
	s21 =	smul.u32 $0x92492493, s25  }
0x4c5: {  	s25 =	smulhi.u32 $0x92492493, s24  }
0x4c6: {  	(v2sf) =	vpush v5, $0x7;
	s10 =	sadd.s32 s26, s10;
	s26 =	smulhi.u32 $0x92492493, s3  }
0x4c7: {  	s16 =	sadd.s32 s31, s16;
	s14 =	ssub.s32 s14, s29;
	s29 =	smulhi.u32 $0x92492493, s28  }
0x4c8: {  	s6 =	sadd.s32 s6, s14;
	s14 =	spop (v2sf);
	s22 =	ssub.s32 s25, s24  }
0x4c9: {  	s3 =	ssub.s32 s26, s3;
	s31 =	sshra.s32 s14, $0x1F;
	s7 =	sadd.s32 s7, s22  }
0x4ca: {  	s3 =	sadd.s32 s13, s3;
	s28 =	ssub.s32 s29, s28;
	s29 =	smulhi.u32 $0x92492493, s4  }
0x4cb: {  	s22 =	smul.u32 $0x92492493, s31;
	s13 =	sadd.s32 s19, s28;
	s19 =	spop (v2sf)  }
0x4cc: {  	s4 =	ssub.s32 s29, s4;
	s31 =	sshra.s32 s19, $0x1F;
	s29 =	sld [smem:$0x794]  }
0x4cd: {  	s4 =	sadd.s32 s21, s4;
	s21 =	smul.u32 $0x92492493, s31;
	s31 =	sld [smem:$0x795]  }
0x4ce: {  	s25 =	smulhi.u32 $0x92492493, s14  }
0x4cf: {  	s24 =	smulhi.u32 $0x92492493, s19;
	v7 =	vmov s13;
	v6 =	vmov s29  }
0x4d0: {  	s26 =	spop (v2sf);
	s14 =	ssub.s32 s25, s14;
	v7 =	vnsel vm3, $0x0, v7;
	v6 =	vsel vm3, s31, v6;
	s31 =	sld [smem:$0x796]  }
0x4d1: {  	s22 =	sadd.s32 s22, s14;
	s19 =	ssub.s32 s24, s19;
	v7 =	vsel vm0, s3, v7;
	s29 =	smulhi.u32 $0x92492493, s26  }
0x4d2: {  	s25 =	sshra.s32 s26, $0x1F;
	s3 =	spop (drf);
	s14 =	sadd.s32 s21, s19;
	v7 =	vsel vm1, s4, v7  }
0x4d3: {  	s19 =	smul.u32 $0x92492493, s25;
	v7 =	vsel vm2, s22, v7;
	s28 =	ssub.s32 s29, s26;
	s29 =	spop (v2sf);
	v6 =	vsel vm9, s31, v6  }
0x4d4: {  	v7 =	vsel vm4, s14, v7;
	s14 =	spop (drf);
	s24 =	sshra.s32 s29, $0x1F;
	v6 =	vsel vm0, s23, v6;
	s23 =	sld [smem:$0x797]  }
0x4d5: {  	s25 =	sadd.s32 s19, s28;
	s28 =	spop (v2sf);
	s31 =	smulhi.u32 $0x92492493, s29  }
0x4d6: {  	v61 =	vmov s2;
	v62 =	vmov s16;
	s26 =	smul.u32 $0x92492493, s24;
	s13 =	sshra.s32 s28, $0x1F;
	v7 =	vsel vm5, s25, v7;
	s25 =	sld [smem:$0x798]  }
0x4d7: {  	v8 =	vsel vm0, s0, v61;
	v9 =	vsel vm0, s10, v62;
	s29 =	ssub.s32 s31, s29;
	s31 =	smulhi.u32 $0x92492493, s28;
	s3 =	sxor.u32 s23, s3  }
0x4d8: {  	v8 =	vsel vm1, s5, v8;
	v9 =	vsel vm1, s6, v9;
	s19 =	smul.u32 $0x92492493, s13;
	s24 =	ssub.s32 s3, s23;
	s3 =	sld [smem:$0x799]  }
0x4d9: {  	v8 =	vsel vm2, s8, v8;
	v9 =	vsel vm2, s7, v9;
	s22 =	spop (drf);
	v6 =	vsel vm10, s12, v6;
	s0 =	sadd.s32 s26, s29;
	s21 =	ssub.s32 s31, s28  }
0x4da: {  	v8 =	vcombine.low v9, v8;
	v6 =	vsel vm1, s1, v6;
	s26 =	sxor.u32 s25, s14;
	s29 =	spop (drf);
	v7 =	vsel vm6, s0, v7;
	s28 =	sadd.s32 s19, s21  }
0x4db: {  	s31 =	ssub.s32 s26, s25;
	s6 =	spop (drf);
	v6 =	vsel vm11, s24, v6;
	v7 =	vsel vm7, s28, v7;
	s5 =	sxor.u32 s3, s22  }
0x4dc: {  	v8 =	vperm.xlane v8, v0;
	s2 =	sxor.u32 s20, s29;
	s8 =	spop (drf);
	v6 =	vsel vm2, s31, v6;
	v7 =	vperm.xlane v7, v1;
	s7 =	ssub.s32 s5, s3  }
0x4dd: {  	s10 =	ssub.s32 s2, s20;
	s0 =	sxor.u32 s30, s6;
	s12 =	spop (drf);
	v6 =	vsel vm12, s7, v6  }
0x4de: {  	s0 =	ssub.s32 s0, s30;
	s13 =	sxor.u32 s9, s8;
	s30 =	sld [smem:$0x79A];
	v7 =	vsel vm8, v7, v8;
	v6 =	vsel vm4, s10, v6  }
0x4df: {  	s14 =	spop (drf);
	s16 =	ssub.s32 s13, s9;
	s19 =	sxor.u32 s15, s12;
	v7 =	vadd.s32 v5, v7;
	v6 =	vsel vm13, s0, v6  }
0x4e0: {  	s20 =	spop (drf);
	s21 =	ssub.s32 s19, s15;
	s22 =	sxor.u32 s17, s14;
	v63 =	vshrl.u32 v7, $0x1F;
	v7 =	vshrl.u32 v7, $0x2;
	v6 =	vsel vm5, s16, v6  }
0x4e1: {  	s23 =	ssub.s32 s22, s17;
	s24 =	sxor.u32 s11, s20;
	s25 =	spop (drf);
	v7 =	vadd.s32 v63, v7;
	v6 =	vsel vm14, s21, v6  }
0x4e2: {  	s26 =	ssub.s32 s24, s11;
	s28 =	sxor.u32 s18, s25;
	v7 =	vmul.u32 $0x7, v7;
	v6 =	vsel vm6, s23, v6  }
0x4e3: {  	p1 =	sne.s32 s30, $0x1C0;
	s29 =	ssub.s32 s28, s18;
	v6 =	vsel vm15, s26, v6  }
.Ltmp4:
0x4e4: {  	v5 =	vsub.s32 v5, v7;
	v6 =	vsel vm7, s29, v6;
	(pc) =	sbr.rel @p1 .LBB2_11-.Ltmp4, $4  }
0x4e5: {  	s31 =	sld [smem:$0x79B];
	v5 =	vmul.u32 $0x120, v5;
	v6 =	vshll.u32 v6, $0x10  }
0x4e6: {  	v6 =	vshra.s32 v6, $0x10  }
0x4e7: {  	v5 =	vadd.s32 v6, v5  }
0x4e8: {  	s1 =	sadd.s32 $0x40, s30;
	[tilespmem:s31+$0x9500] =	vst v5  }
0x4e9: {  	s0 =	rddreg [dreg:$0x3];
	s1 =	simm.s32 $0x80  }
0x4ea: {  	s2 =	simm.s32 $0x9500;
	s3 =	simm.s32 $0x19580;
	s17 =	simm.s32 $0x2  }
0x4eb: {  	[tilespmem:s3], [sflag:$0x2] =	stream.indirect.gather [spmem:s0], $0x80, s2, s1, $0xb8;
	[tilespmem:$0x1D580] =	vst v63  }
0x4ec: {  	_ =	swait.ge [sflag:s17], $0x4000  }
0x4ed: {  	s18 =	sld [smem:$0x7B1]  }
0x4ee: {  	s19 =	rddreg [dreg:$0x1c]  }
0x4ef: {  	s21 =	sld [smem:$0x7EF]  }
0x4f0: {  	s6 =	sld [smem:$0x7F3]  }
0x4f1: {  	s5 =	sld [smem:$0x7F2]  }
0x4f2: {  	s4 =	sld [smem:$0x7F1]  }
0x4f3: {  	s22 =	sld [smem:$0x7F5]  }
0x4f4: {  	s23 =	sld [smem:$0x7F6]  }
0x4f5: {  	s24 =	sld [smem:$0x7F7]  }
0x4f6: {  	s25 =	sld [smem:$0x7F8]  }
0x4f7: {  	s26 =	sld [smem:$0x7F9]  }
0x4f8: {  	s7 =	simm.s32 $0x0;
	s20 =	simm.s32 $0x15580;
	s28 =	sld [smem:$0x7FA]  }
0x4f9: {  	[sflag:s17] =	ssyncset.done $0x0;
	s29 =	sld [smem:$0x7FB];
	s0 =	sshll.u32 s18, $0x10  }
0x4fa: {  	s30 =	sld [smem:$0x7FC];
	[sflag:s17] =	ssyncadd.s32 $0xFFFFC000;
	s0 =	sadd.s32 s0, s19  }
0x4fb: {  	[hbm4b:s0+s7] =	stream.linear.scatter [tilespmem:s20], [sflag:$0x3], $0x4000, $0x38;
	[tilespmem:$0x1D580] =	vst v63  }
0x4fc: {  	s31 =	sld [smem:$0x7FD];
	s0 =	sadd.s32 $0x280, s22  }
0x4fd: {  	[smem:$0x7F5] =	sst s0;
	s0 =	sadd.s32 $0x280, s23  }
0x4fe: {  	[smem:$0x7F6] =	sst s0;
	s0 =	sadd.s32 $0x280, s24  }
0x4ff: {  	s1 =	sadd.s32 $0x1, s21;
	[smem:$0x7F7] =	sst s0;
	s0 =	sadd.s32 $0x280, s25  }
0x500: {  	p1 =	sne.s32 s1, $0xA;
	[smem:$0x7F8] =	sst s0;
	s0 =	sadd.s32 $0x280, s26  }
.Ltmp5:
0x501: {  	[smem:$0x7F9] =	sst s0;
	s0 =	sadd.s32 $0x280, s28;
	(pc) =	sbr.rel @p1 .LBB2_2-.Ltmp5, $4  }
0x502: {  	[smem:$0x7FA] =	sst s0;
	s0 =	sadd.s32 $0x280, s29  }
0x503: {  	[smem:$0x7FB] =	sst s0;
	s0 =	sadd.s32 $0x280, s30  }
0x504: {  	s6 =	sadd.s32 $0x280, s6;
	[smem:$0x7FC] =	sst s0;
	s0 =	sadd.s32 $0x280, s31  }
0x505: {  	s5 =	sadd.s32 $0x280, s5;
	s4 =	sadd.s32 $0x280, s4;
	[smem:$0x7FD] =	sst s0  }
0x506: {  	s0 =	simm.s32 $0x2  }
0x507: {  	_ =	swait.ge [sflag:s0], $0x4000  }
0x508: {  	s1 =	simm.s32 $0x19580;
	[sflag:s0] =	ssyncset.done $0x0  }
0x509: {  	s30 =	simm.s32 $0x3;
	s29 =	rddreg [dreg:$0x1f];
	[sflag:s0] =	ssyncadd.s32 $0xFFFFC000  }
0x50a: {  	[hbm4b:s29+s7] =	stream.linear.scatter [tilespmem:s1], [sflag:$0x3], $0x4000, $0x38;
	[tilespmem:$0x1D580] =	vst v63  }
0x50b: {  	_ =	swait.ge [sflag:s30], $0x4000  }
0x50c: {  	[sflag:s30] =	ssyncset.done $0x0  }
0x50d: {  	[sflag:s30] =	ssyncadd.s32 $0xFFFFC000  }
0x50e: {  	_ =	swait.ge [sflag:s30], $0x4000  }
0x50f: {  	[sflag:s30] =	ssyncset.done $0x0  }
0x510: {  	[sflag:s30] =	ssyncadd.s32 $0xFFFFC000  }
0x511: {  	_ =	swait.ge [sflag:s30], $0x4000  }
0x512: {  	[sflag:s30] =	ssyncset.done $0x0  }
0x513: {  	[sflag:s30] =	ssyncadd.s32 $0xFFFFC000  }
0x514: {  	_ =	swait.ge [sflag:s30], $0x4000  }
0x515: {  	[sflag:s30] =	ssyncset.done $0x0  }
0x516: {  	[sflag:s30] =	ssyncadd.s32 $0xFFFFC000  }
0x517: {  	_ =	swait.ge [sflag:s30], $0x4000  }
0x518: {  	s2 =	sld [smem:$0x7F4];
	_ =	sdelay $0x2  }
0x519: {  	s31 =	rddreg [dreg:$0x1d];
	s2 =	sadd.s32 $0x1, s2  }
0x51a: {  	p1 =	sne.s32 s2, s31  }
.Ltmp6:
0x51b: {  	_ = 	snop;
	(pc) =	sbr.rel @p1 .LBB2_1-.Ltmp6, $3  }
0x51c: {  	_ =	sdelay $0x1  }
0x51d: {  	[sflag:s30] =	ssyncset.done $0x0  }
0x51e: {  	[sflag:s30] =	ssyncadd.s32 $0xFFFFC000  }
0x51f: {  	_ =	sfence.sel $0x180000  }
0x520: {  	[bflag:$0x0] =	sbarrier.arrive $0xFFFF  }
0x521: {  	_ =	strace $0x90000047  }
0x522: {  	[bflag:$0x2] =	sbarrier.arrive $0xFFFF  }
0x523: {  	s0 =	rddreg [dreg:$0x4]  }
0x524: {  	s0 =	sadd.s32 @!p0 $0x100000, s0  }
0x525: {  	[sflag:s0] =	ssyncadd.tile.s32 @!p0 $0x1;
	_ =	shalt  }
.Lfunc_end2:
_tile_overlayer_lowered:
.L_overlay_start_2:
0x526: {  	(tag) =	ssettag $0x2  }
0x527: {  	s0 =	rddreg [dreg:$0x0];
	s2 =	stileid.u32  }
0x528: {  	s1 =	rddreg [dreg:$0x1];
	p0 =	sne.s32 s2, $0x0  }
0x529: {  	s3 =	rddreg [dreg:$0x2];
	[bflag:$0x3] =	sbarrier.arrive $0xFFFF;
	s2 =	simm.s32 @!p0 $0x1C04  }
0x52a: {  	[timem:s3], [sflag:s2] =	dma.local @!p0 [hbm:s0], s1  }
0x52b: {  	s0 =	simm.s32 @!p0 $0x4  }
0x52c: {  	_ =	swait.ge @!p0 [sflag:s0], s1  }
0x52d: {  	s1 =	ssub.s32 @!p0 $0x0, s1;
	[sflag:s0] =	ssyncset.done @!p0 $0x0  }
0x52e: {  	[sflag:s0] =	ssyncadd.s32 @!p0 s1  }
0x52f: {  	[bflag:$0x3] =	sbarrier.arrive $0xFFFF  }
0x530: {  	_ =	shalt  }

</sc_bundles>
